<compile_context>
chip_gen: v7x
topology: tpu7x:2x2x1
jax: 0.10.2.dev20260603
libtpu: 0.0.44.dev20260713+nightly
codegen_flags: <defaults>
</compile_context>

<pallas_src>
import functools

import jax
import jax.numpy as jnp
from jax import lax
from jax.experimental import pallas as pl
from jax.experimental.pallas import tpu as pltpu
from jax.experimental.pallas import tpu_sc as plsc

_NC = 2
_NS = 16
_CH = 125
_WB = 400


@functools.partial(jax.jit, static_argnums=(2, 3, 4, 5))
def _sc_aggregate(x2d, ei5, R, N, D, nchunk):
    rpc = R // _NC
    rows_pt = N // _NS
    zr = 25
    nvec = D // 16
    nwb = N // _WB

    mesh = plsc.VectorSubcoreMesh(core_axis_name="c", subcore_axis_name="s")

    @functools.partial(
        pl.kernel,
        mesh=mesh,
        out_type=jax.ShapeDtypeStruct((R, N, D), jnp.float32),
        scratch_types=[
            pltpu.VMEM((nchunk, _CH), jnp.int32),
            pltpu.VMEM((nchunk, _CH), jnp.int32),
            pltpu.VMEM((_CH, D), jnp.float32),
            pltpu.VMEM((_CH, D), jnp.float32),
            pltpu.VMEM((zr, D), jnp.float32),
            pltpu.VMEM_SHARED((N, D), jnp.float32),
            pltpu.SemaphoreType.DMA,
            pltpu.SemaphoreType.DMA,
        ],
    )
    def agg(x_hbm, ei_hbm, a_hbm, sidx, didx, rows0, rows1,
            zeros, acc, sem0, sem1):
        cid = lax.axis_index("c")
        sid = lax.axis_index("s")

        zv = jnp.zeros((16,), jnp.float32)

        def zfill(i, carry):
            j = i // nvec
            lane = (i % nvec) * 16
            zeros[j, pl.ds(lane, 16)] = zv
            return carry

        lax.fori_loop(0, zr * nvec, zfill, None)

        for i in range(rpc):
            r = cid * rpc + i
            for z in range(rows_pt // zr):
                pltpu.async_copy(
                    zeros, acc.at[pl.ds(sid * rows_pt + z * zr, zr)], sem0)
            pltpu.async_copy(ei_hbm.at[r, 0, sid], sidx, sem1)
            pltpu.async_copy(ei_hbm.at[r, 1, sid], didx, sem1)
            for z in range(rows_pt // zr):
                pltpu.make_async_copy(
                    zeros, acc.at[pl.ds(sid * rows_pt + z * zr, zr)],
                    sem0).wait()
            pltpu.make_async_copy(ei_hbm.at[r, 0, sid], sidx, sem1).wait()
            pltpu.make_async_copy(ei_hbm.at[r, 1, sid], didx, sem1).wait()
            plsc.subcore_barrier()

            def gather(j, buf, sem):
                pltpu.async_copy(x_hbm.at[sidx.at[j]], buf, sem)

            def gwait(buf, sem):
                pltpu.make_async_copy(x_hbm.at[sidx.at[0]], buf, sem).wait()

            gather(0, rows0, sem0)

            def chunk4(t, carry):
                for u in range(2):
                    j0 = 4 * t + 2 * u
                    gwait(rows0, sem0)
                    gather(j0 + 1, rows1, sem1)
                    pltpu.sync_copy(rows0, acc.at[didx.at[j0]], add=True)
                    gwait(rows1, sem1)
                    gather((j0 + 2) % nchunk, rows0, sem0)
                    pltpu.sync_copy(rows1, acc.at[didx.at[j0 + 1]], add=True)
                return carry

            lax.fori_loop(0, nchunk // 4, chunk4, None)
            gwait(rows0, sem0)
            plsc.subcore_barrier()

            for k in range((nwb + _NS - 1) // _NS):
                c = sid + k * _NS

                @pl.when(c < nwb)
                def _():
                    sl = pl.ds(c * _WB, _WB)
                    pltpu.async_copy(acc.at[sl], a_hbm.at[r, sl], sem0)

            for k in range((nwb + _NS - 1) // _NS):
                c = sid + k * _NS

                @pl.when(c < nwb)
                def _():
                    sl = pl.ds(c * _WB, _WB)
                    pltpu.make_async_copy(
                        acc.at[sl], a_hbm.at[r, sl], sem0).wait()

            plsc.subcore_barrier()

    return agg(x2d, ei5)


def _tc_matmul(A, W, R, N, D):
    blk = 2000

    def body(a_ref, w_ref, o_ref):
        dn = (((1,), (0,)), ((), ()))
        acc = lax.dot_general(a_ref[0], w_ref[0], dn,
                              preferred_element_type=jnp.float32)
        for r in range(1, R):
            acc = acc + lax.dot_general(a_ref[r], w_ref[r], dn,
                                        preferred_element_type=jnp.float32)
        o_ref[...] = acc

    return pl.pallas_call(
        body,
        grid=(N // blk,),
        in_specs=[
            pl.BlockSpec((R, blk, D), lambda i: (0, i, 0)),
            pl.BlockSpec((R, D, D), lambda i: (0, 0, 0)),
        ],
        out_specs=pl.BlockSpec((blk, D), lambda i: (i, 0)),
        out_shape=jax.ShapeDtypeStruct((N, D), jnp.float32),
    )(A, W)


def kernel(x, edge_index, W):
    B, N, D = x.shape
    R = W.shape[0]
    E = edge_index.shape[2]
    nchunk = E // (_NS * _CH)
    assert E == _NS * nchunk * _CH and N % _WB == 0 and B == 1

    x2d = x.reshape(N, D)
    ei5 = edge_index.reshape(R, 2, _NS, nchunk, _CH)

    A = _sc_aggregate(x2d, ei5, R, N, D, nchunk)
    out = _tc_matmul(A, W, R, N, D)
    return out.reshape(B, N, D)

# --- scband reference (transcript-rebuilt; emitter-appended) ---
"""Pipeline reference for scband-graph-convolution-54434415510061 (READ-ONLY COPY).

The authoritative reference and input builder live on the scoring server;
editing this copy changes nothing except your own understanding.
"""

import jax, jax.numpy as jnp
import numpy as np

NUM_RELS = 4
N_NODES = 10000
N_EDGES_PER_REL = 80000
D_IN = 128
D_OUT = 128
BATCH = 1


def setup_inputs(seed: int = 0) -> dict:
    key = jax.random.key(seed)
    k1, k2, k3 = jax.random.split(key, 3)
    x = jax.random.normal(k1, (BATCH, N_NODES, D_IN), dtype=jnp.float32)
    edge_index = jax.random.randint(k2, (NUM_RELS, 2, N_EDGES_PER_REL), 0, N_NODES, dtype=jnp.int32)
    # glorot_uniform per-relation weights, sized per init_kwargs (output_dim=128)
    limit = float(np.sqrt(6.0 / (D_IN + D_OUT)))
    W = jax.random.uniform(k3, (NUM_RELS, D_IN, D_OUT), minval=-limit, maxval=limit, dtype=jnp.float32)
    return {"x": x, "edge_index": edge_index, "W": W}


def reference(x, edge_index, W):
    # Faithful vectorized translation of GraphConvolution.call:
    # for each relation r, for each edge (src, dst): out[dst] += x[:, src] @ W[r]
    # Nodes with no incoming edges produce zeros (scatter-add into zero-init buffer).
    out = jnp.zeros((x.shape[0], x.shape[1], W.shape[-1]), dtype=x.dtype)
    for r in range(W.shape[0]):
        src = edge_index[r, 0]
        dst = edge_index[r, 1]
        gathered = jnp.take(x, src, axis=1)          # [B, E, D_in]  gather
        msgs = jnp.einsum('bed,df->bef', gathered, W[r])  # [B, E, D_out]
        out = out.at[:, dst, :].add(msgs)            # scatter-add by dst
    return out

if __name__ == "__main__":
    import jax
    _d = setup_inputs()
    print(jax.jit(kernel)(*tuple(_d.values())))

</pallas_src>

<mosaic_0001>
#map = affine_map<(d0, d1) -> (0, 0)>
#map1 = affine_map<(d0, d1) -> (0, 0, 0, 0, 0)>
#map2 = affine_map<(d0, d1) -> (0, 0, 0)>
module attributes {stable_mosaic.version = 14 : i64} {
  func.func @agg(%arg0: i32, %arg1: i32, %arg2: memref<10000x128xf32, #tpu.memory_space<hbm>>, %arg3: memref<4x2x16x40x125xi32, #tpu.memory_space<hbm>>, %arg4: memref<4x10000x128xf32, #tpu.memory_space<hbm>>, %arg5: memref<40x125xi32, #tpu.memory_space<vmem>>, %arg6: memref<40x125xi32, #tpu.memory_space<vmem>>, %arg7: memref<125x128xf32, #tpu.memory_space<vmem>>, %arg8: memref<125x128xf32, #tpu.memory_space<vmem>>, %arg9: memref<25x128xf32, #tpu.memory_space<vmem>>, %arg10: memref<10000x128xf32, #tpu.memory_space<vmem_shared>>, %arg11: memref<!tpu.dma_semaphore, #tpu.memory_space<semaphore_mem>>, %arg12: memref<!tpu.dma_semaphore, #tpu.memory_space<semaphore_mem>>) attributes {dimension_semantics = [#tpu.dimension_semantics<core_parallel>, #tpu.dimension_semantics<subcore_parallel>], iteration_bounds = array<i64: 2, 16>, scalar_prefetch = 0 : i64, scratch_operands = 8 : i64, tpu.core_type = #tpu.core_type<sc_vector_subcore>, window_params = [{transform_indices = #map}, {transform_indices = #map1}, {transform_indices = #map2}]} {
    %broadcast_in_dim3A = arith.constant 0.000000e+00 : f32
    %broadcast_in_dim3A_0 = vector.broadcast %broadcast_in_dim3A : f32 to vector<16xf32>
    %scan3A = arith.constant 0 : i32
    %scan3A_1 = arith.constant 200 : i32
    %scan3A_2 = arith.addi %scan3A, %scan3A_1 : i32
    %scan3A_3 = arith.constant 1 : i32
    scf.for %scan3A_977 = %scan3A to %scan3A_2 step %scan3A_3  : i32 {
      %jit3A = arith.constant 8 : i32
      %div3A = arith.divsi %scan3A_977, %jit3A : i32
      %sign3A = arith.constant 0 : i32
      %sign3A_978 = arith.cmpi sgt, %scan3A_977, %sign3A : i32
      %sign3A_979 = arith.extui %sign3A_978 : i1 to i32
      %sign3A_980 = arith.constant 0 : i32
      %sign3A_981 = arith.cmpi slt, %scan3A_977, %sign3A_980 : i32
      %sign3A_982 = arith.extui %sign3A_981 : i1 to i32
      %sign3A_983 = arith.subi %sign3A_979, %sign3A_982 : i32
      %sign3A_984 = arith.constant 0 : i32
      %sign3A_985 = arith.cmpi sgt, %jit3A, %sign3A_984 : i32
      %sign3A_986 = arith.extui %sign3A_985 : i1 to i32
      %sign3A_987 = arith.constant 0 : i32
      %sign3A_988 = arith.cmpi slt, %jit3A, %sign3A_987 : i32
      %sign3A_989 = arith.extui %sign3A_988 : i1 to i32
      %sign3A_990 = arith.subi %sign3A_986, %sign3A_989 : i32
      %ne3A = arith.cmpi ne, %sign3A_983, %sign3A_990 : i32
      %rem3A = arith.remsi %scan3A_977, %jit3A : i32
      %ne3A_991 = arith.constant 0 : i32
      %ne3A_992 = arith.cmpi ne, %rem3A, %ne3A_991 : i32
      %and3A = arith.andi %ne3A, %ne3A_992 : i1
      %sub3A = arith.constant 1 : i32
      %sub3A_993 = arith.subi %div3A, %sub3A : i32
      %select_n3A = arith.select %and3A, %sub3A_993, %div3A : i32
      %jit3A_994 = arith.constant 8 : i32
      %eq3A = arith.constant 0 : i32
      %eq3A_995 = arith.cmpi eq, %jit3A_994, %eq3A : i32
      %jit3A_996 = arith.constant 1 : i32
      %select_n3A_997 = arith.select %eq3A_995, %jit3A_996, %jit3A_994 : i32
      %rem3A_998 = arith.remsi %scan3A_977, %select_n3A_997 : i32
      %ne3A_999 = arith.constant 0 : i32
      %ne3A_1000 = arith.cmpi ne, %rem3A_998, %ne3A_999 : i32
      %lt3A_1001 = arith.constant 0 : i32
      %lt3A_1002 = arith.cmpi slt, %rem3A_998, %lt3A_1001 : i32
      %lt3A_1003 = arith.constant 0 : i32
      %lt3A_1004 = arith.cmpi slt, %select_n3A_997, %lt3A_1003 : i32
      %ne3A_1005 = arith.xori %lt3A_1002, %lt3A_1004 : i1
      %and3A_1006 = arith.andi %ne3A_1005, %ne3A_1000 : i1
      %add3A_1007 = arith.addi %rem3A_998, %select_n3A_997 : i32
      %select_n3A_1008 = arith.select %and3A_1006, %add3A_1007, %rem3A_998 : i32
      %mul3A_1009 = arith.constant 16 : i32
      %mul3A_1010 = arith.muli %select_n3A_1008, %mul3A_1009 : i32
      %swap3A = arith.index_cast %select_n3A : i32 to index
      %swap3A_1011 = arith.index_cast %mul3A_1010 : i32 to index
      %swap3A_1012 = tpu.vector_load %arg9[%swap3A, %swap3A_1011] {strides = array<i32>} : memref<25x128xf32, #tpu.memory_space<vmem>>, vector<1x16xf32>,
      %swap3A_1013 = vector.shape_cast %swap3A_1012 : vector<1x16xf32> to vector<16xf32>
      %swap3A_1014 = vector.shape_cast %broadcast_in_dim3A_0 : vector<16xf32> to vector<1x16xf32>
      tpu.vector_store %arg9[%swap3A, %swap3A_1011], %swap3A_1014 {strides = array<i32>} : memref<25x128xf32, #tpu.memory_space<vmem>>, vector<1x16xf32>,
    }
    %scan3A_4 = arith.constant 200 : i32
    %mul3A = arith.constant 2 : i32
    %mul3A_5 = arith.muli %arg0, %mul3A : i32
    %add3A = arith.constant 0 : i32
    %add3A_6 = arith.addi %mul3A_5, %add3A : i32
    %mul3A_7 = arith.constant 625 : i32
    %mul3A_8 = arith.muli %arg1, %mul3A_7 : i32
    %add3A_9 = arith.constant 0 : i32
    %add3A_10 = arith.addi %mul3A_8, %add3A_9 : i32
    %dma_start3A = arith.constant 0 : i32
    %dma_start3A_11 = tpu.memref_slice %arg10[%add3A_10, %dma_start3A] : memref<10000x128xf32, #tpu.memory_space<vmem_shared>> -> memref<25x128xf32, #tpu.memory_space<vmem_shared>>
    %dma_start3A_12 = arith.constant 0 : i32
    %dma_start3A_13 = tpu.memref_slice %arg10[%add3A_10, %dma_start3A_12] : memref<10000x128xf32, #tpu.memory_space<vmem_shared>> -> memref<25x128xf32, #tpu.memory_space<vmem_shared>>
    tpu.enqueue_dma source(%arg9 : memref<25x128xf32, #tpu.memory_space<vmem>>) target(%dma_start3A_13 : memref<25x128xf32, #tpu.memory_space<vmem_shared>>) target_semaphore(%arg11 : memref<!tpu.dma_semaphore, #tpu.memory_space<semaphore_mem>>)
    %mul3A_14 = arith.constant 625 : i32
    %mul3A_15 = arith.muli %arg1, %mul3A_14 : i32
    %add3A_16 = arith.constant 25 : i32
    %add3A_17 = arith.addi %mul3A_15, %add3A_16 : i32
    %dma_start3A_18 = arith.constant 0 : i32
    %dma_start3A_19 = tpu.memref_slice %arg10[%add3A_17, %dma_start3A_18] : memref<10000x128xf32, #tpu.memory_space<vmem_shared>> -> memref<25x128xf32, #tpu.memory_space<vmem_shared>>
    %dma_start3A_20 = arith.constant 0 : i32
    %dma_start3A_21 = tpu.memref_slice %arg10[%add3A_17, %dma_start3A_20] : memref<10000x128xf32, #tpu.memory_space<vmem_shared>> -> memref<25x128xf32, #tpu.memory_space<vmem_shared>>
    tpu.enqueue_dma source(%arg9 : memref<25x128xf32, #tpu.memory_space<vmem>>) target(%dma_start3A_21 : memref<25x128xf32, #tpu.memory_space<vmem_shared>>) target_semaphore(%arg11 : memref<!tpu.dma_semaphore, #tpu.memory_space<semaphore_mem>>)
    %mul3A_22 = arith.constant 625 : i32
    %mul3A_23 = arith.muli %arg1, %mul3A_22 : i32
    %add3A_24 = arith.constant 50 : i32
    %add3A_25 = arith.addi %mul3A_23, %add3A_24 : i32
    %dma_start3A_26 = arith.constant 0 : i32
    %dma_start3A_27 = tpu.memref_slice %arg10[%add3A_25, %dma_start3A_26] : memref<10000x128xf32, #tpu.memory_space<vmem_shared>> -> memref<25x128xf32, #tpu.memory_space<vmem_shared>>
    %dma_start3A_28 = arith.constant 0 : i32
    %dma_start3A_29 = tpu.memref_slice %arg10[%add3A_25, %dma_start3A_28] : memref<10000x128xf32, #tpu.memory_space<vmem_shared>> -> memref<25x128xf32, #tpu.memory_space<vmem_shared>>
    tpu.enqueue_dma source(%arg9 : memref<25x128xf32, #tpu.memory_space<vmem>>) target(%dma_start3A_29 : memref<25x128xf32, #tpu.memory_space<vmem_shared>>) target_semaphore(%arg11 : memref<!tpu.dma_semaphore, #tpu.memory_space<semaphore_mem>>)
    %mul3A_30 = arith.constant 625 : i32
    %mul3A_31 = arith.muli %arg1, %mul3A_30 : i32
    %add3A_32 = arith.constant 75 : i32
    %add3A_33 = arith.addi %mul3A_31, %add3A_32 : i32
    %dma_start3A_34 = arith.constant 0 : i32
    %dma_start3A_35 = tpu.memref_slice %arg10[%add3A_33, %dma_start3A_34] : memref<10000x128xf32, #tpu.memory_space<vmem_shared>> -> memref<25x128xf32, #tpu.memory_space<vmem_shared>>
    %dma_start3A_36 = arith.constant 0 : i32
    %dma_start3A_37 = tpu.memref_slice %arg10[%add3A_33, %dma_start3A_36] : memref<10000x128xf32, #tpu.memory_space<vmem_shared>> -> memref<25x128xf32, #tpu.memory_space<vmem_shared>>
    tpu.enqueue_dma source(%arg9 : memref<25x128xf32, #tpu.memory_space<vmem>>) target(%dma_start3A_37 : memref<25x128xf32, #tpu.memory_space<vmem_shared>>) target_semaphore(%arg11 : memref<!tpu.dma_semaphore, #tpu.memory_space<semaphore_mem>>)
    %mul3A_38 = arith.constant 625 : i32
    %mul3A_39 = arith.muli %arg1, %mul3A_38 : i32
    %add3A_40 = arith.constant 100 : i32
    %add3A_41 = arith.addi %mul3A_39, %add3A_40 : i32
    %dma_start3A_42 = arith.constant 0 : i32
    %dma_start3A_43 = tpu.memref_slice %arg10[%add3A_41, %dma_start3A_42] : memref<10000x128xf32, #tpu.memory_space<vmem_shared>> -> memref<25x128xf32, #tpu.memory_space<vmem_shared>>
    %dma_start3A_44 = arith.constant 0 : i32
    %dma_start3A_45 = tpu.memref_slice %arg10[%add3A_41, %dma_start3A_44] : memref<10000x128xf32, #tpu.memory_space<vmem_shared>> -> memref<25x128xf32, #tpu.memory_space<vmem_shared>>
    tpu.enqueue_dma source(%arg9 : memref<25x128xf32, #tpu.memory_space<vmem>>) target(%dma_start3A_45 : memref<25x128xf32, #tpu.memory_space<vmem_shared>>) target_semaphore(%arg11 : memref<!tpu.dma_semaphore, #tpu.memory_space<semaphore_mem>>)
    %mul3A_46 = arith.constant 625 : i32
    %mul3A_47 = arith.muli %arg1, %mul3A_46 : i32
    %add3A_48 = arith.constant 125 : i32
    %add3A_49 = arith.addi %mul3A_47, %add3A_48 : i32
    %dma_start3A_50 = arith.constant 0 : i32
    %dma_start3A_51 = tpu.memref_slice %arg10[%add3A_49, %dma_start3A_50] : memref<10000x128xf32, #tpu.memory_space<vmem_shared>> -> memref<25x128xf32, #tpu.memory_space<vmem_shared>>
    %dma_start3A_52 = arith.constant 0 : i32
    %dma_start3A_53 = tpu.memref_slice %arg10[%add3A_49, %dma_start3A_52] : memref<10000x128xf32, #tpu.memory_space<vmem_shared>> -> memref<25x128xf32, #tpu.memory_space<vmem_shared>>
    tpu.enqueue_dma source(%arg9 : memref<25x128xf32, #tpu.memory_space<vmem>>) target(%dma_start3A_53 : memref<25x128xf32, #tpu.memory_space<vmem_shared>>) target_semaphore(%arg11 : memref<!tpu.dma_semaphore, #tpu.memory_space<semaphore_mem>>)
    %mul3A_54 = arith.constant 625 : i32
    %mul3A_55 = arith.muli %arg1, %mul3A_54 : i32
    %add3A_56 = arith.constant 150 : i32
    %add3A_57 = arith.addi %mul3A_55, %add3A_56 : i32
    %dma_start3A_58 = arith.constant 0 : i32
    %dma_start3A_59 = tpu.memref_slice %arg10[%add3A_57, %dma_start3A_58] : memref<10000x128xf32, #tpu.memory_space<vmem_shared>> -> memref<25x128xf32, #tpu.memory_space<vmem_shared>>
    %dma_start3A_60 = arith.constant 0 : i32
    %dma_start3A_61 = tpu.memref_slice %arg10[%add3A_57, %dma_start3A_60] : memref<10000x128xf32, #tpu.memory_space<vmem_shared>> -> memref<25x128xf32, #tpu.memory_space<vmem_shared>>
    tpu.enqueue_dma source(%arg9 : memref<25x128xf32, #tpu.memory_space<vmem>>) target(%dma_start3A_61 : memref<25x128xf32, #tpu.memory_space<vmem_shared>>) target_semaphore(%arg11 : memref<!tpu.dma_semaphore, #tpu.memory_space<semaphore_mem>>)
    %mul3A_62 = arith.constant 625 : i32
    %mul3A_63 = arith.muli %arg1, %mul3A_62 : i32
    %add3A_64 = arith.constant 175 : i32
    %add3A_65 = arith.addi %mul3A_63, %add3A_64 : i32
    %dma_start3A_66 = arith.constant 0 : i32
    %dma_start3A_67 = tpu.memref_slice %arg10[%add3A_65, %dma_start3A_66] : memref<10000x128xf32, #tpu.memory_space<vmem_shared>> -> memref<25x128xf32, #tpu.memory_space<vmem_shared>>
    %dma_start3A_68 = arith.constant 0 : i32
    %dma_start3A_69 = tpu.memref_slice %arg10[%add3A_65, %dma_start3A_68] : memref<10000x128xf32, #tpu.memory_space<vmem_shared>> -> memref<25x128xf32, #tpu.memory_space<vmem_shared>>
    tpu.enqueue_dma source(%arg9 : memref<25x128xf32, #tpu.memory_space<vmem>>) target(%dma_start3A_69 : memref<25x128xf32, #tpu.memory_space<vmem_shared>>) target_semaphore(%arg11 : memref<!tpu.dma_semaphore, #tpu.memory_space<semaphore_mem>>)
    %mul3A_70 = arith.constant 625 : i32
    %mul3A_71 = arith.muli %arg1, %mul3A_70 : i32
    %add3A_72 = arith.constant 200 : i32
    %add3A_73 = arith.addi %mul3A_71, %add3A_72 : i32
    %dma_start3A_74 = arith.constant 0 : i32
    %dma_start3A_75 = tpu.memref_slice %arg10[%add3A_73, %dma_start3A_74] : memref<10000x128xf32, #tpu.memory_space<vmem_shared>> -> memref<25x128xf32, #tpu.memory_space<vmem_shared>>
    %dma_start3A_76 = arith.constant 0 : i32
    %dma_start3A_77 = tpu.memref_slice %arg10[%add3A_73, %dma_start3A_76] : memref<10000x128xf32, #tpu.memory_space<vmem_shared>> -> memref<25x128xf32, #tpu.memory_space<vmem_shared>>
    tpu.enqueue_dma source(%arg9 : memref<25x128xf32, #tpu.memory_space<vmem>>) target(%dma_start3A_77 : memref<25x128xf32, #tpu.memory_space<vmem_shared>>) target_semaphore(%arg11 : memref<!tpu.dma_semaphore, #tpu.memory_space<semaphore_mem>>)
    %mul3A_78 = arith.constant 625 : i32
    %mul3A_79 = arith.muli %arg1, %mul3A_78 : i32
    %add3A_80 = arith.constant 225 : i32
    %add3A_81 = arith.addi %mul3A_79, %add3A_80 : i32
    %dma_start3A_82 = arith.constant 0 : i32
    %dma_start3A_83 = tpu.memref_slice %arg10[%add3A_81, %dma_start3A_82] : memref<10000x128xf32, #tpu.memory_space<vmem_shared>> -> memref<25x128xf32, #tpu.memory_space<vmem_shared>>
    %dma_start3A_84 = arith.constant 0 : i32
    %dma_start3A_85 = tpu.memref_slice %arg10[%add3A_81, %dma_start3A_84] : memref<10000x128xf32, #tpu.memory_space<vmem_shared>> -> memref<25x128xf32, #tpu.memory_space<vmem_shared>>
    tpu.enqueue_dma source(%arg9 : memref<25x128xf32, #tpu.memory_space<vmem>>) target(%dma_start3A_85 : memref<25x128xf32, #tpu.memory_space<vmem_shared>>) target_semaphore(%arg11 : memref<!tpu.dma_semaphore, #tpu.memory_space<semaphore_mem>>)
    %mul3A_86 = arith.constant 625 : i32
    %mul3A_87 = arith.muli %arg1, %mul3A_86 : i32
    %add3A_88 = arith.constant 250 : i32
    %add3A_89 = arith.addi %mul3A_87, %add3A_88 : i32
    %dma_start3A_90 = arith.constant 0 : i32
    %dma_start3A_91 = tpu.memref_slice %arg10[%add3A_89, %dma_start3A_90] : memref<10000x128xf32, #tpu.memory_space<vmem_shared>> -> memref<25x128xf32, #tpu.memory_space<vmem_shared>>
    %dma_start3A_92 = arith.constant 0 : i32
    %dma_start3A_93 = tpu.memref_slice %arg10[%add3A_89, %dma_start3A_92] : memref<10000x128xf32, #tpu.memory_space<vmem_shared>> -> memref<25x128xf32, #tpu.memory_space<vmem_shared>>
    tpu.enqueue_dma source(%arg9 : memref<25x128xf32, #tpu.memory_space<vmem>>) target(%dma_start3A_93 : memref<25x128xf32, #tpu.memory_space<vmem_shared>>) target_semaphore(%arg11 : memref<!tpu.dma_semaphore, #tpu.memory_space<semaphore_mem>>)
    %mul3A_94 = arith.constant 625 : i32
    %mul3A_95 = arith.muli %arg1, %mul3A_94 : i32
    %add3A_96 = arith.constant 275 : i32
    %add3A_97 = arith.addi %mul3A_95, %add3A_96 : i32
    %dma_start3A_98 = arith.constant 0 : i32
    %dma_start3A_99 = tpu.memref_slice %arg10[%add3A_97, %dma_start3A_98] : memref<10000x128xf32, #tpu.memory_space<vmem_shared>> -> memref<25x128xf32, #tpu.memory_space<vmem_shared>>
    %dma_start3A_100 = arith.constant 0 : i32
    %dma_start3A_101 = tpu.memref_slice %arg10[%add3A_97, %dma_start3A_100] : memref<10000x128xf32, #tpu.memory_space<vmem_shared>> -> memref<25x128xf32, #tpu.memory_space<vmem_shared>>
    tpu.enqueue_dma source(%arg9 : memref<25x128xf32, #tpu.memory_space<vmem>>) target(%dma_start3A_101 : memref<25x128xf32, #tpu.memory_space<vmem_shared>>) target_semaphore(%arg11 : memref<!tpu.dma_semaphore, #tpu.memory_space<semaphore_mem>>)
    %mul3A_102 = arith.constant 625 : i32
    %mul3A_103 = arith.muli %arg1, %mul3A_102 : i32
    %add3A_104 = arith.constant 300 : i32
    %add3A_105 = arith.addi %mul3A_103, %add3A_104 : i32
    %dma_start3A_106 = arith.constant 0 : i32
    %dma_start3A_107 = tpu.memref_slice %arg10[%add3A_105, %dma_start3A_106] : memref<10000x128xf32, #tpu.memory_space<vmem_shared>> -> memref<25x128xf32, #tpu.memory_space<vmem_shared>>
    %dma_start3A_108 = arith.constant 0 : i32
    %dma_start3A_109 = tpu.memref_slice %arg10[%add3A_105, %dma_start3A_108] : memref<10000x128xf32, #tpu.memory_space<vmem_shared>> -> memref<25x128xf32, #tpu.memory_space<vmem_shared>>
    tpu.enqueue_dma source(%arg9 : memref<25x128xf32, #tpu.memory_space<vmem>>) target(%dma_start3A_109 : memref<25x128xf32, #tpu.memory_space<vmem_shared>>) target_semaphore(%arg11 : memref<!tpu.dma_semaphore, #tpu.memory_space<semaphore_mem>>)
    %mul3A_110 = arith.constant 625 : i32
    %mul3A_111 = arith.muli %arg1, %mul3A_110 : i32
    %add3A_112 = arith.constant 325 : i32
    %add3A_113 = arith.addi %mul3A_111, %add3A_112 : i32
    %dma_start3A_114 = arith.constant 0 : i32
    %dma_start3A_115 = tpu.memref_slice %arg10[%add3A_113, %dma_start3A_114] : memref<10000x128xf32, #tpu.memory_space<vmem_shared>> -> memref<25x128xf32, #tpu.memory_space<vmem_shared>>
    %dma_start3A_116 = arith.constant 0 : i32
    %dma_start3A_117 = tpu.memref_slice %arg10[%add3A_113, %dma_start3A_116] : memref<10000x128xf32, #tpu.memory_space<vmem_shared>> -> memref<25x128xf32, #tpu.memory_space<vmem_shared>>
    tpu.enqueue_dma source(%arg9 : memref<25x128xf32, #tpu.memory_space<vmem>>) target(%dma_start3A_117 : memref<25x128xf32, #tpu.memory_space<vmem_shared>>) target_semaphore(%arg11 : memref<!tpu.dma_semaphore, #tpu.memory_space<semaphore_mem>>)
    %mul3A_118 = arith.constant 625 : i32
    %mul3A_119 = arith.muli %arg1, %mul3A_118 : i32
    %add3A_120 = arith.constant 350 : i32
    %add3A_121 = arith.addi %mul3A_119, %add3A_120 : i32
    %dma_start3A_122 = arith.constant 0 : i32
    %dma_start3A_123 = tpu.memref_slice %arg10[%add3A_121, %dma_start3A_122] : memref<10000x128xf32, #tpu.memory_space<vmem_shared>> -> memref<25x128xf32, #tpu.memory_space<vmem_shared>>
    %dma_start3A_124 = arith.constant 0 : i32
    %dma_start3A_125 = tpu.memref_slice %arg10[%add3A_121, %dma_start3A_124] : memref<10000x128xf32, #tpu.memory_space<vmem_shared>> -> memref<25x128xf32, #tpu.memory_space<vmem_shared>>
    tpu.enqueue_dma source(%arg9 : memref<25x128xf32, #tpu.memory_space<vmem>>) target(%dma_start3A_125 : memref<25x128xf32, #tpu.memory_space<vmem_shared>>) target_semaphore(%arg11 : memref<!tpu.dma_semaphore, #tpu.memory_space<semaphore_mem>>)
    %mul3A_126 = arith.constant 625 : i32
    %mul3A_127 = arith.muli %arg1, %mul3A_126 : i32
    %add3A_128 = arith.constant 375 : i32
    %add3A_129 = arith.addi %mul3A_127, %add3A_128 : i32
    %dma_start3A_130 = arith.constant 0 : i32
    %dma_start3A_131 = tpu.memref_slice %arg10[%add3A_129, %dma_start3A_130] : memref<10000x128xf32, #tpu.memory_space<vmem_shared>> -> memref<25x128xf32, #tpu.memory_space<vmem_shared>>
    %dma_start3A_132 = arith.constant 0 : i32
    %dma_start3A_133 = tpu.memref_slice %arg10[%add3A_129, %dma_start3A_132] : memref<10000x128xf32, #tpu.memory_space<vmem_shared>> -> memref<25x128xf32, #tpu.memory_space<vmem_shared>>
    tpu.enqueue_dma source(%arg9 : memref<25x128xf32, #tpu.memory_space<vmem>>) target(%dma_start3A_133 : memref<25x128xf32, #tpu.memory_space<vmem_shared>>) target_semaphore(%arg11 : memref<!tpu.dma_semaphore, #tpu.memory_space<semaphore_mem>>)
    %mul3A_134 = arith.constant 625 : i32
    %mul3A_135 = arith.muli %arg1, %mul3A_134 : i32
    %add3A_136 = arith.constant 400 : i32
    %add3A_137 = arith.addi %mul3A_135, %add3A_136 : i32
    %dma_start3A_138 = arith.constant 0 : i32
    %dma_start3A_139 = tpu.memref_slice %arg10[%add3A_137, %dma_start3A_138] : memref<10000x128xf32, #tpu.memory_space<vmem_shared>> -> memref<25x128xf32, #tpu.memory_space<vmem_shared>>
    %dma_start3A_140 = arith.constant 0 : i32
    %dma_start3A_141 = tpu.memref_slice %arg10[%add3A_137, %dma_start3A_140] : memref<10000x128xf32, #tpu.memory_space<vmem_shared>> -> memref<25x128xf32, #tpu.memory_space<vmem_shared>>
    tpu.enqueue_dma source(%arg9 : memref<25x128xf32, #tpu.memory_space<vmem>>) target(%dma_start3A_141 : memref<25x128xf32, #tpu.memory_space<vmem_shared>>) target_semaphore(%arg11 : memref<!tpu.dma_semaphore, #tpu.memory_space<semaphore_mem>>)
    %mul3A_142 = arith.constant 625 : i32
    %mul3A_143 = arith.muli %arg1, %mul3A_142 : i32
    %add3A_144 = arith.constant 425 : i32
    %add3A_145 = arith.addi %mul3A_143, %add3A_144 : i32
    %dma_start3A_146 = arith.constant 0 : i32
    %dma_start3A_147 = tpu.memref_slice %arg10[%add3A_145, %dma_start3A_146] : memref<10000x128xf32, #tpu.memory_space<vmem_shared>> -> memref<25x128xf32, #tpu.memory_space<vmem_shared>>
    %dma_start3A_148 = arith.constant 0 : i32
    %dma_start3A_149 = tpu.memref_slice %arg10[%add3A_145, %dma_start3A_148] : memref<10000x128xf32, #tpu.memory_space<vmem_shared>> -> memref<25x128xf32, #tpu.memory_space<vmem_shared>>
    tpu.enqueue_dma source(%arg9 : memref<25x128xf32, #tpu.memory_space<vmem>>) target(%dma_start3A_149 : memref<25x128xf32, #tpu.memory_space<vmem_shared>>) target_semaphore(%arg11 : memref<!tpu.dma_semaphore, #tpu.memory_space<semaphore_mem>>)
    %mul3A_150 = arith.constant 625 : i32
    %mul3A_151 = arith.muli %arg1, %mul3A_150 : i32
    %add3A_152 = arith.constant 450 : i32
    %add3A_153 = arith.addi %mul3A_151, %add3A_152 : i32
    %dma_start3A_154 = arith.constant 0 : i32
    %dma_start3A_155 = tpu.memref_slice %arg10[%add3A_153, %dma_start3A_154] : memref<10000x128xf32, #tpu.memory_space<vmem_shared>> -> memref<25x128xf32, #tpu.memory_space<vmem_shared>>
    %dma_start3A_156 = arith.constant 0 : i32
    %dma_start3A_157 = tpu.memref_slice %arg10[%add3A_153, %dma_start3A_156] : memref<10000x128xf32, #tpu.memory_space<vmem_shared>> -> memref<25x128xf32, #tpu.memory_space<vmem_shared>>
    tpu.enqueue_dma source(%arg9 : memref<25x128xf32, #tpu.memory_space<vmem>>) target(%dma_start3A_157 : memref<25x128xf32, #tpu.memory_space<vmem_shared>>) target_semaphore(%arg11 : memref<!tpu.dma_semaphore, #tpu.memory_space<semaphore_mem>>)
    %mul3A_158 = arith.constant 625 : i32
    %mul3A_159 = arith.muli %arg1, %mul3A_158 : i32
    %add3A_160 = arith.constant 475 : i32
    %add3A_161 = arith.addi %mul3A_159, %add3A_160 : i32
    %dma_start3A_162 = arith.constant 0 : i32
    %dma_start3A_163 = tpu.memref_slice %arg10[%add3A_161, %dma_start3A_162] : memref<10000x128xf32, #tpu.memory_space<vmem_shared>> -> memref<25x128xf32, #tpu.memory_space<vmem_shared>>
    %dma_start3A_164 = arith.constant 0 : i32
    %dma_start3A_165 = tpu.memref_slice %arg10[%add3A_161, %dma_start3A_164] : memref<10000x128xf32, #tpu.memory_space<vmem_shared>> -> memref<25x128xf32, #tpu.memory_space<vmem_shared>>
    tpu.enqueue_dma source(%arg9 : memref<25x128xf32, #tpu.memory_space<vmem>>) target(%dma_start3A_165 : memref<25x128xf32, #tpu.memory_space<vmem_shared>>) target_semaphore(%arg11 : memref<!tpu.dma_semaphore, #tpu.memory_space<semaphore_mem>>)
    %mul3A_166 = arith.constant 625 : i32
    %mul3A_167 = arith.muli %arg1, %mul3A_166 : i32
    %add3A_168 = arith.constant 500 : i32
    %add3A_169 = arith.addi %mul3A_167, %add3A_168 : i32
    %dma_start3A_170 = arith.constant 0 : i32
    %dma_start3A_171 = tpu.memref_slice %arg10[%add3A_169, %dma_start3A_170] : memref<10000x128xf32, #tpu.memory_space<vmem_shared>> -> memref<25x128xf32, #tpu.memory_space<vmem_shared>>
    %dma_start3A_172 = arith.constant 0 : i32
    %dma_start3A_173 = tpu.memref_slice %arg10[%add3A_169, %dma_start3A_172] : memref<10000x128xf32, #tpu.memory_space<vmem_shared>> -> memref<25x128xf32, #tpu.memory_space<vmem_shared>>
    tpu.enqueue_dma source(%arg9 : memref<25x128xf32, #tpu.memory_space<vmem>>) target(%dma_start3A_173 : memref<25x128xf32, #tpu.memory_space<vmem_shared>>) target_semaphore(%arg11 : memref<!tpu.dma_semaphore, #tpu.memory_space<semaphore_mem>>)
    %mul3A_174 = arith.constant 625 : i32
    %mul3A_175 = arith.muli %arg1, %mul3A_174 : i32
    %add3A_176 = arith.constant 525 : i32
    %add3A_177 = arith.addi %mul3A_175, %add3A_176 : i32
    %dma_start3A_178 = arith.constant 0 : i32
    %dma_start3A_179 = tpu.memref_slice %arg10[%add3A_177, %dma_start3A_178] : memref<10000x128xf32, #tpu.memory_space<vmem_shared>> -> memref<25x128xf32, #tpu.memory_space<vmem_shared>>
    %dma_start3A_180 = arith.constant 0 : i32
    %dma_start3A_181 = tpu.memref_slice %arg10[%add3A_177, %dma_start3A_180] : memref<10000x128xf32, #tpu.memory_space<vmem_shared>> -> memref<25x128xf32, #tpu.memory_space<vmem_shared>>
    tpu.enqueue_dma source(%arg9 : memref<25x128xf32, #tpu.memory_space<vmem>>) target(%dma_start3A_181 : memref<25x128xf32, #tpu.memory_space<vmem_shared>>) target_semaphore(%arg11 : memref<!tpu.dma_semaphore, #tpu.memory_space<semaphore_mem>>)
    %mul3A_182 = arith.constant 625 : i32
    %mul3A_183 = arith.muli %arg1, %mul3A_182 : i32
    %add3A_184 = arith.constant 550 : i32
    %add3A_185 = arith.addi %mul3A_183, %add3A_184 : i32
    %dma_start3A_186 = arith.constant 0 : i32
    %dma_start3A_187 = tpu.memref_slice %arg10[%add3A_185, %dma_start3A_186] : memref<10000x128xf32, #tpu.memory_space<vmem_shared>> -> memref<25x128xf32, #tpu.memory_space<vmem_shared>>
    %dma_start3A_188 = arith.constant 0 : i32
    %dma_start3A_189 = tpu.memref_slice %arg10[%add3A_185, %dma_start3A_188] : memref<10000x128xf32, #tpu.memory_space<vmem_shared>> -> memref<25x128xf32, #tpu.memory_space<vmem_shared>>
    tpu.enqueue_dma source(%arg9 : memref<25x128xf32, #tpu.memory_space<vmem>>) target(%dma_start3A_189 : memref<25x128xf32, #tpu.memory_space<vmem_shared>>) target_semaphore(%arg11 : memref<!tpu.dma_semaphore, #tpu.memory_space<semaphore_mem>>)
    %mul3A_190 = arith.constant 625 : i32
    %mul3A_191 = arith.muli %arg1, %mul3A_190 : i32
    %add3A_192 = arith.constant 575 : i32
    %add3A_193 = arith.addi %mul3A_191, %add3A_192 : i32
    %dma_start3A_194 = arith.constant 0 : i32
    %dma_start3A_195 = tpu.memref_slice %arg10[%add3A_193, %dma_start3A_194] : memref<10000x128xf32, #tpu.memory_space<vmem_shared>> -> memref<25x128xf32, #tpu.memory_space<vmem_shared>>
    %dma_start3A_196 = arith.constant 0 : i32
    %dma_start3A_197 = tpu.memref_slice %arg10[%add3A_193, %dma_start3A_196] : memref<10000x128xf32, #tpu.memory_space<vmem_shared>> -> memref<25x128xf32, #tpu.memory_space<vmem_shared>>
    tpu.enqueue_dma source(%arg9 : memref<25x128xf32, #tpu.memory_space<vmem>>) target(%dma_start3A_197 : memref<25x128xf32, #tpu.memory_space<vmem_shared>>) target_semaphore(%arg11 : memref<!tpu.dma_semaphore, #tpu.memory_space<semaphore_mem>>)
    %mul3A_198 = arith.constant 625 : i32
    %mul3A_199 = arith.muli %arg1, %mul3A_198 : i32
    %add3A_200 = arith.constant 600 : i32
    %add3A_201 = arith.addi %mul3A_199, %add3A_200 : i32
    %dma_start3A_202 = arith.constant 0 : i32
    %dma_start3A_203 = tpu.memref_slice %arg10[%add3A_201, %dma_start3A_202] : memref<10000x128xf32, #tpu.memory_space<vmem_shared>> -> memref<25x128xf32, #tpu.memory_space<vmem_shared>>
    %dma_start3A_204 = arith.constant 0 : i32
    %dma_start3A_205 = tpu.memref_slice %arg10[%add3A_201, %dma_start3A_204] : memref<10000x128xf32, #tpu.memory_space<vmem_shared>> -> memref<25x128xf32, #tpu.memory_space<vmem_shared>>
    tpu.enqueue_dma source(%arg9 : memref<25x128xf32, #tpu.memory_space<vmem>>) target(%dma_start3A_205 : memref<25x128xf32, #tpu.memory_space<vmem_shared>>) target_semaphore(%arg11 : memref<!tpu.dma_semaphore, #tpu.memory_space<semaphore_mem>>)
    %dma_start3A_206 = arith.constant 0 : i32
    %dma_start3A_207 = arith.constant 0 : i32
    %dma_start3A_208 = arith.constant 0 : i32
    %dma_start3A_209 = tpu.memref_slice %arg3[%add3A_6, %dma_start3A_206, %arg1, %dma_start3A_207, %dma_start3A_208] : memref<4x2x16x40x125xi32, #tpu.memory_space<hbm>> -> memref<1x1x1x40x125xi32, #tpu.memory_space<hbm>>
    %dma_start3A_210 = tpu.memref_squeeze %dma_start3A_209 : memref<1x1x1x40x125xi32, #tpu.memory_space<hbm>> -> memref<40x125xi32, #tpu.memory_space<hbm>>
    %dma_start3A_211 = arith.constant 0 : i32
    %dma_start3A_212 = arith.constant 0 : i32
    %dma_start3A_213 = tpu.memref_slice %arg3[%add3A_6, %dma_start3A_206, %arg1, %dma_start3A_211, %dma_start3A_212] : memref<4x2x16x40x125xi32, #tpu.memory_space<hbm>> -> memref<1x1x1x40x125xi32, #tpu.memory_space<hbm>>
    %dma_start3A_214 = tpu.memref_squeeze %dma_start3A_213 : memref<1x1x1x40x125xi32, #tpu.memory_space<hbm>> -> memref<40x125xi32, #tpu.memory_space<hbm>>
    tpu.enqueue_dma source(%dma_start3A_214 : memref<40x125xi32, #tpu.memory_space<hbm>>) target(%arg5 : memref<40x125xi32, #tpu.memory_space<vmem>>) target_semaphore(%arg12 : memref<!tpu.dma_semaphore, #tpu.memory_space<semaphore_mem>>)
    %dma_start3A_215 = arith.constant 1 : i32
    %dma_start3A_216 = arith.constant 0 : i32
    %dma_start3A_217 = arith.constant 0 : i32
    %dma_start3A_218 = tpu.memref_slice %arg3[%add3A_6, %dma_start3A_215, %arg1, %dma_start3A_216, %dma_start3A_217] : memref<4x2x16x40x125xi32, #tpu.memory_space<hbm>> -> memref<1x1x1x40x125xi32, #tpu.memory_space<hbm>>
    %dma_start3A_219 = tpu.memref_squeeze %dma_start3A_218 : memref<1x1x1x40x125xi32, #tpu.memory_space<hbm>> -> memref<40x125xi32, #tpu.memory_space<hbm>>
    %dma_start3A_220 = arith.constant 0 : i32
    %dma_start3A_221 = arith.constant 0 : i32
    %dma_start3A_222 = tpu.memref_slice %arg3[%add3A_6, %dma_start3A_215, %arg1, %dma_start3A_220, %dma_start3A_221] : memref<4x2x16x40x125xi32, #tpu.memory_space<hbm>> -> memref<1x1x1x40x125xi32, #tpu.memory_space<hbm>>
    %dma_start3A_223 = tpu.memref_squeeze %dma_start3A_222 : memref<1x1x1x40x125xi32, #tpu.memory_space<hbm>> -> memref<40x125xi32, #tpu.memory_space<hbm>>
    tpu.enqueue_dma source(%dma_start3A_223 : memref<40x125xi32, #tpu.memory_space<hbm>>) target(%arg6 : memref<40x125xi32, #tpu.memory_space<vmem>>) target_semaphore(%arg12 : memref<!tpu.dma_semaphore, #tpu.memory_space<semaphore_mem>>)
    %mul3A_224 = arith.constant 625 : i32
    %mul3A_225 = arith.muli %arg1, %mul3A_224 : i32
    %add3A_226 = arith.constant 0 : i32
    %add3A_227 = arith.addi %mul3A_225, %add3A_226 : i32
    %dma_wait3A = arith.constant 0 : i32
    %dma_wait3A_228 = tpu.memref_slice %arg10[%add3A_227, %dma_wait3A] : memref<10000x128xf32, #tpu.memory_space<vmem_shared>> -> memref<25x128xf32, #tpu.memory_space<vmem_shared>>
    %dma_wait3A_229 = arith.constant 0 : i32
    %dma_wait3A_230 = tpu.memref_slice %arg10[%add3A_227, %dma_wait3A_229] : memref<10000x128xf32, #tpu.memory_space<vmem_shared>> -> memref<25x128xf32, #tpu.memory_space<vmem_shared>>
    tpu.wait_dma2 semaphore(%arg11 : memref<!tpu.dma_semaphore, #tpu.memory_space<semaphore_mem>>) src(%arg9 : memref<25x128xf32, #tpu.memory_space<vmem>>) dst(%dma_wait3A_230 : memref<25x128xf32, #tpu.memory_space<vmem_shared>>)
    %mul3A_231 = arith.constant 625 : i32
    %mul3A_232 = arith.muli %arg1, %mul3A_231 : i32
    %add3A_233 = arith.constant 25 : i32
    %add3A_234 = arith.addi %mul3A_232, %add3A_233 : i32
    %dma_wait3A_235 = arith.constant 0 : i32
    %dma_wait3A_236 = tpu.memref_slice %arg10[%add3A_234, %dma_wait3A_235] : memref<10000x128xf32, #tpu.memory_space<vmem_shared>> -> memref<25x128xf32, #tpu.memory_space<vmem_shared>>
    %dma_wait3A_237 = arith.constant 0 : i32
    %dma_wait3A_238 = tpu.memref_slice %arg10[%add3A_234, %dma_wait3A_237] : memref<10000x128xf32, #tpu.memory_space<vmem_shared>> -> memref<25x128xf32, #tpu.memory_space<vmem_shared>>
    tpu.wait_dma2 semaphore(%arg11 : memref<!tpu.dma_semaphore, #tpu.memory_space<semaphore_mem>>) src(%arg9 : memref<25x128xf32, #tpu.memory_space<vmem>>) dst(%dma_wait3A_238 : memref<25x128xf32, #tpu.memory_space<vmem_shared>>)
    %mul3A_239 = arith.constant 625 : i32
    %mul3A_240 = arith.muli %arg1, %mul3A_239 : i32
    %add3A_241 = arith.constant 50 : i32
    %add3A_242 = arith.addi %mul3A_240, %add3A_241 : i32
    %dma_wait3A_243 = arith.constant 0 : i32
    %dma_wait3A_244 = tpu.memref_slice %arg10[%add3A_242, %dma_wait3A_243] : memref<10000x128xf32, #tpu.memory_space<vmem_shared>> -> memref<25x128xf32, #tpu.memory_space<vmem_shared>>
    %dma_wait3A_245 = arith.constant 0 : i32
    %dma_wait3A_246 = tpu.memref_slice %arg10[%add3A_242, %dma_wait3A_245] : memref<10000x128xf32, #tpu.memory_space<vmem_shared>> -> memref<25x128xf32, #tpu.memory_space<vmem_shared>>
    tpu.wait_dma2 semaphore(%arg11 : memref<!tpu.dma_semaphore, #tpu.memory_space<semaphore_mem>>) src(%arg9 : memref<25x128xf32, #tpu.memory_space<vmem>>) dst(%dma_wait3A_246 : memref<25x128xf32, #tpu.memory_space<vmem_shared>>)
    %mul3A_247 = arith.constant 625 : i32
    %mul3A_248 = arith.muli %arg1, %mul3A_247 : i32
    %add3A_249 = arith.constant 75 : i32
    %add3A_250 = arith.addi %mul3A_248, %add3A_249 : i32
    %dma_wait3A_251 = arith.constant 0 : i32
    %dma_wait3A_252 = tpu.memref_slice %arg10[%add3A_250, %dma_wait3A_251] : memref<10000x128xf32, #tpu.memory_space<vmem_shared>> -> memref<25x128xf32, #tpu.memory_space<vmem_shared>>
    %dma_wait3A_253 = arith.constant 0 : i32
    %dma_wait3A_254 = tpu.memref_slice %arg10[%add3A_250, %dma_wait3A_253] : memref<10000x128xf32, #tpu.memory_space<vmem_shared>> -> memref<25x128xf32, #tpu.memory_space<vmem_shared>>
    tpu.wait_dma2 semaphore(%arg11 : memref<!tpu.dma_semaphore, #tpu.memory_space<semaphore_mem>>) src(%arg9 : memref<25x128xf32, #tpu.memory_space<vmem>>) dst(%dma_wait3A_254 : memref<25x128xf32, #tpu.memory_space<vmem_shared>>)
    %mul3A_255 = arith.constant 625 : i32
    %mul3A_256 = arith.muli %arg1, %mul3A_255 : i32
    %add3A_257 = arith.constant 100 : i32
    %add3A_258 = arith.addi %mul3A_256, %add3A_257 : i32
    %dma_wait3A_259 = arith.constant 0 : i32
    %dma_wait3A_260 = tpu.memref_slice %arg10[%add3A_258, %dma_wait3A_259] : memref<10000x128xf32, #tpu.memory_space<vmem_shared>> -> memref<25x128xf32, #tpu.memory_space<vmem_shared>>
    %dma_wait3A_261 = arith.constant 0 : i32
    %dma_wait3A_262 = tpu.memref_slice %arg10[%add3A_258, %dma_wait3A_261] : memref<10000x128xf32, #tpu.memory_space<vmem_shared>> -> memref<25x128xf32, #tpu.memory_space<vmem_shared>>
    tpu.wait_dma2 semaphore(%arg11 : memref<!tpu.dma_semaphore, #tpu.memory_space<semaphore_mem>>) src(%arg9 : memref<25x128xf32, #tpu.memory_space<vmem>>) dst(%dma_wait3A_262 : memref<25x128xf32, #tpu.memory_space<vmem_shared>>)
    %mul3A_263 = arith.constant 625 : i32
    %mul3A_264 = arith.muli %arg1, %mul3A_263 : i32
    %add3A_265 = arith.constant 125 : i32
    %add3A_266 = arith.addi %mul3A_264, %add3A_265 : i32
    %dma_wait3A_267 = arith.constant 0 : i32
    %dma_wait3A_268 = tpu.memref_slice %arg10[%add3A_266, %dma_wait3A_267] : memref<10000x128xf32, #tpu.memory_space<vmem_shared>> -> memref<25x128xf32, #tpu.memory_space<vmem_shared>>
    %dma_wait3A_269 = arith.constant 0 : i32
    %dma_wait3A_270 = tpu.memref_slice %arg10[%add3A_266, %dma_wait3A_269] : memref<10000x128xf32, #tpu.memory_space<vmem_shared>> -> memref<25x128xf32, #tpu.memory_space<vmem_shared>>
    tpu.wait_dma2 semaphore(%arg11 : memref<!tpu.dma_semaphore, #tpu.memory_space<semaphore_mem>>) src(%arg9 : memref<25x128xf32, #tpu.memory_space<vmem>>) dst(%dma_wait3A_270 : memref<25x128xf32, #tpu.memory_space<vmem_shared>>)
    %mul3A_271 = arith.constant 625 : i32
    %mul3A_272 = arith.muli %arg1, %mul3A_271 : i32
    %add3A_273 = arith.constant 150 : i32
    %add3A_274 = arith.addi %mul3A_272, %add3A_273 : i32
    %dma_wait3A_275 = arith.constant 0 : i32
    %dma_wait3A_276 = tpu.memref_slice %arg10[%add3A_274, %dma_wait3A_275] : memref<10000x128xf32, #tpu.memory_space<vmem_shared>> -> memref<25x128xf32, #tpu.memory_space<vmem_shared>>
    %dma_wait3A_277 = arith.constant 0 : i32
    %dma_wait3A_278 = tpu.memref_slice %arg10[%add3A_274, %dma_wait3A_277] : memref<10000x128xf32, #tpu.memory_space<vmem_shared>> -> memref<25x128xf32, #tpu.memory_space<vmem_shared>>
    tpu.wait_dma2 semaphore(%arg11 : memref<!tpu.dma_semaphore, #tpu.memory_space<semaphore_mem>>) src(%arg9 : memref<25x128xf32, #tpu.memory_space<vmem>>) dst(%dma_wait3A_278 : memref<25x128xf32, #tpu.memory_space<vmem_shared>>)
    %mul3A_279 = arith.constant 625 : i32
    %mul3A_280 = arith.muli %arg1, %mul3A_279 : i32
    %add3A_281 = arith.constant 175 : i32
    %add3A_282 = arith.addi %mul3A_280, %add3A_281 : i32
    %dma_wait3A_283 = arith.constant 0 : i32
    %dma_wait3A_284 = tpu.memref_slice %arg10[%add3A_282, %dma_wait3A_283] : memref<10000x128xf32, #tpu.memory_space<vmem_shared>> -> memref<25x128xf32, #tpu.memory_space<vmem_shared>>
    %dma_wait3A_285 = arith.constant 0 : i32
    %dma_wait3A_286 = tpu.memref_slice %arg10[%add3A_282, %dma_wait3A_285] : memref<10000x128xf32, #tpu.memory_space<vmem_shared>> -> memref<25x128xf32, #tpu.memory_space<vmem_shared>>
    tpu.wait_dma2 semaphore(%arg11 : memref<!tpu.dma_semaphore, #tpu.memory_space<semaphore_mem>>) src(%arg9 : memref<25x128xf32, #tpu.memory_space<vmem>>) dst(%dma_wait3A_286 : memref<25x128xf32, #tpu.memory_space<vmem_shared>>)
    %mul3A_287 = arith.constant 625 : i32
    %mul3A_288 = arith.muli %arg1, %mul3A_287 : i32
    %add3A_289 = arith.constant 200 : i32
    %add3A_290 = arith.addi %mul3A_288, %add3A_289 : i32
    %dma_wait3A_291 = arith.constant 0 : i32
    %dma_wait3A_292 = tpu.memref_slice %arg10[%add3A_290, %dma_wait3A_291] : memref<10000x128xf32, #tpu.memory_space<vmem_shared>> -> memref<25x128xf32, #tpu.memory_space<vmem_shared>>
    %dma_wait3A_293 = arith.constant 0 : i32
    %dma_wait3A_294 = tpu.memref_slice %arg10[%add3A_290, %dma_wait3A_293] : memref<10000x128xf32, #tpu.memory_space<vmem_shared>> -> memref<25x128xf32, #tpu.memory_space<vmem_shared>>
    tpu.wait_dma2 semaphore(%arg11 : memref<!tpu.dma_semaphore, #tpu.memory_space<semaphore_mem>>) src(%arg9 : memref<25x128xf32, #tpu.memory_space<vmem>>) dst(%dma_wait3A_294 : memref<25x128xf32, #tpu.memory_space<vmem_shared>>)
    %mul3A_295 = arith.constant 625 : i32
    %mul3A_296 = arith.muli %arg1, %mul3A_295 : i32
    %add3A_297 = arith.constant 225 : i32
    %add3A_298 = arith.addi %mul3A_296, %add3A_297 : i32
    %dma_wait3A_299 = arith.constant 0 : i32
    %dma_wait3A_300 = tpu.memref_slice %arg10[%add3A_298, %dma_wait3A_299] : memref<10000x128xf32, #tpu.memory_space<vmem_shared>> -> memref<25x128xf32, #tpu.memory_space<vmem_shared>>
    %dma_wait3A_301 = arith.constant 0 : i32
    %dma_wait3A_302 = tpu.memref_slice %arg10[%add3A_298, %dma_wait3A_301] : memref<10000x128xf32, #tpu.memory_space<vmem_shared>> -> memref<25x128xf32, #tpu.memory_space<vmem_shared>>
    tpu.wait_dma2 semaphore(%arg11 : memref<!tpu.dma_semaphore, #tpu.memory_space<semaphore_mem>>) src(%arg9 : memref<25x128xf32, #tpu.memory_space<vmem>>) dst(%dma_wait3A_302 : memref<25x128xf32, #tpu.memory_space<vmem_shared>>)
    %mul3A_303 = arith.constant 625 : i32
    %mul3A_304 = arith.muli %arg1, %mul3A_303 : i32
    %add3A_305 = arith.constant 250 : i32
    %add3A_306 = arith.addi %mul3A_304, %add3A_305 : i32
    %dma_wait3A_307 = arith.constant 0 : i32
    %dma_wait3A_308 = tpu.memref_slice %arg10[%add3A_306, %dma_wait3A_307] : memref<10000x128xf32, #tpu.memory_space<vmem_shared>> -> memref<25x128xf32, #tpu.memory_space<vmem_shared>>
    %dma_wait3A_309 = arith.constant 0 : i32
    %dma_wait3A_310 = tpu.memref_slice %arg10[%add3A_306, %dma_wait3A_309] : memref<10000x128xf32, #tpu.memory_space<vmem_shared>> -> memref<25x128xf32, #tpu.memory_space<vmem_shared>>
    tpu.wait_dma2 semaphore(%arg11 : memref<!tpu.dma_semaphore, #tpu.memory_space<semaphore_mem>>) src(%arg9 : memref<25x128xf32, #tpu.memory_space<vmem>>) dst(%dma_wait3A_310 : memref<25x128xf32, #tpu.memory_space<vmem_shared>>)
    %mul3A_311 = arith.constant 625 : i32
    %mul3A_312 = arith.muli %arg1, %mul3A_311 : i32
    %add3A_313 = arith.constant 275 : i32
    %add3A_314 = arith.addi %mul3A_312, %add3A_313 : i32
    %dma_wait3A_315 = arith.constant 0 : i32
    %dma_wait3A_316 = tpu.memref_slice %arg10[%add3A_314, %dma_wait3A_315] : memref<10000x128xf32, #tpu.memory_space<vmem_shared>> -> memref<25x128xf32, #tpu.memory_space<vmem_shared>>
    %dma_wait3A_317 = arith.constant 0 : i32
    %dma_wait3A_318 = tpu.memref_slice %arg10[%add3A_314, %dma_wait3A_317] : memref<10000x128xf32, #tpu.memory_space<vmem_shared>> -> memref<25x128xf32, #tpu.memory_space<vmem_shared>>
    tpu.wait_dma2 semaphore(%arg11 : memref<!tpu.dma_semaphore, #tpu.memory_space<semaphore_mem>>) src(%arg9 : memref<25x128xf32, #tpu.memory_space<vmem>>) dst(%dma_wait3A_318 : memref<25x128xf32, #tpu.memory_space<vmem_shared>>)
    %mul3A_319 = arith.constant 625 : i32
    %mul3A_320 = arith.muli %arg1, %mul3A_319 : i32
    %add3A_321 = arith.constant 300 : i32
    %add3A_322 = arith.addi %mul3A_320, %add3A_321 : i32
    %dma_wait3A_323 = arith.constant 0 : i32
    %dma_wait3A_324 = tpu.memref_slice %arg10[%add3A_322, %dma_wait3A_323] : memref<10000x128xf32, #tpu.memory_space<vmem_shared>> -> memref<25x128xf32, #tpu.memory_space<vmem_shared>>
    %dma_wait3A_325 = arith.constant 0 : i32
    %dma_wait3A_326 = tpu.memref_slice %arg10[%add3A_322, %dma_wait3A_325] : memref<10000x128xf32, #tpu.memory_space<vmem_shared>> -> memref<25x128xf32, #tpu.memory_space<vmem_shared>>
    tpu.wait_dma2 semaphore(%arg11 : memref<!tpu.dma_semaphore, #tpu.memory_space<semaphore_mem>>) src(%arg9 : memref<25x128xf32, #tpu.memory_space<vmem>>) dst(%dma_wait3A_326 : memref<25x128xf32, #tpu.memory_space<vmem_shared>>)
    %mul3A_327 = arith.constant 625 : i32
    %mul3A_328 = arith.muli %arg1, %mul3A_327 : i32
    %add3A_329 = arith.constant 325 : i32
    %add3A_330 = arith.addi %mul3A_328, %add3A_329 : i32
    %dma_wait3A_331 = arith.constant 0 : i32
    %dma_wait3A_332 = tpu.memref_slice %arg10[%add3A_330, %dma_wait3A_331] : memref<10000x128xf32, #tpu.memory_space<vmem_shared>> -> memref<25x128xf32, #tpu.memory_space<vmem_shared>>
    %dma_wait3A_333 = arith.constant 0 : i32
    %dma_wait3A_334 = tpu.memref_slice %arg10[%add3A_330, %dma_wait3A_333] : memref<10000x128xf32, #tpu.memory_space<vmem_shared>> -> memref<25x128xf32, #tpu.memory_space<vmem_shared>>
    tpu.wait_dma2 semaphore(%arg11 : memref<!tpu.dma_semaphore, #tpu.memory_space<semaphore_mem>>) src(%arg9 : memref<25x128xf32, #tpu.memory_space<vmem>>) dst(%dma_wait3A_334 : memref<25x128xf32, #tpu.memory_space<vmem_shared>>)
    %mul3A_335 = arith.constant 625 : i32
    %mul3A_336 = arith.muli %arg1, %mul3A_335 : i32
    %add3A_337 = arith.constant 350 : i32
    %add3A_338 = arith.addi %mul3A_336, %add3A_337 : i32
    %dma_wait3A_339 = arith.constant 0 : i32
    %dma_wait3A_340 = tpu.memref_slice %arg10[%add3A_338, %dma_wait3A_339] : memref<10000x128xf32, #tpu.memory_space<vmem_shared>> -> memref<25x128xf32, #tpu.memory_space<vmem_shared>>
    %dma_wait3A_341 = arith.constant 0 : i32
    %dma_wait3A_342 = tpu.memref_slice %arg10[%add3A_338, %dma_wait3A_341] : memref<10000x128xf32, #tpu.memory_space<vmem_shared>> -> memref<25x128xf32, #tpu.memory_space<vmem_shared>>
    tpu.wait_dma2 semaphore(%arg11 : memref<!tpu.dma_semaphore, #tpu.memory_space<semaphore_mem>>) src(%arg9 : memref<25x128xf32, #tpu.memory_space<vmem>>) dst(%dma_wait3A_342 : memref<25x128xf32, #tpu.memory_space<vmem_shared>>)
    %mul3A_343 = arith.constant 625 : i32
    %mul3A_344 = arith.muli %arg1, %mul3A_343 : i32
    %add3A_345 = arith.constant 375 : i32
    %add3A_346 = arith.addi %mul3A_344, %add3A_345 : i32
    %dma_wait3A_347 = arith.constant 0 : i32
    %dma_wait3A_348 = tpu.memref_slice %arg10[%add3A_346, %dma_wait3A_347] : memref<10000x128xf32, #tpu.memory_space<vmem_shared>> -> memref<25x128xf32, #tpu.memory_space<vmem_shared>>
    %dma_wait3A_349 = arith.constant 0 : i32
    %dma_wait3A_350 = tpu.memref_slice %arg10[%add3A_346, %dma_wait3A_349] : memref<10000x128xf32, #tpu.memory_space<vmem_shared>> -> memref<25x128xf32, #tpu.memory_space<vmem_shared>>
    tpu.wait_dma2 semaphore(%arg11 : memref<!tpu.dma_semaphore, #tpu.memory_space<semaphore_mem>>) src(%arg9 : memref<25x128xf32, #tpu.memory_space<vmem>>) dst(%dma_wait3A_350 : memref<25x128xf32, #tpu.memory_space<vmem_shared>>)
    %mul3A_351 = arith.constant 625 : i32
    %mul3A_352 = arith.muli %arg1, %mul3A_351 : i32
    %add3A_353 = arith.constant 400 : i32
    %add3A_354 = arith.addi %mul3A_352, %add3A_353 : i32
    %dma_wait3A_355 = arith.constant 0 : i32
    %dma_wait3A_356 = tpu.memref_slice %arg10[%add3A_354, %dma_wait3A_355] : memref<10000x128xf32, #tpu.memory_space<vmem_shared>> -> memref<25x128xf32, #tpu.memory_space<vmem_shared>>
    %dma_wait3A_357 = arith.constant 0 : i32
    %dma_wait3A_358 = tpu.memref_slice %arg10[%add3A_354, %dma_wait3A_357] : memref<10000x128xf32, #tpu.memory_space<vmem_shared>> -> memref<25x128xf32, #tpu.memory_space<vmem_shared>>
    tpu.wait_dma2 semaphore(%arg11 : memref<!tpu.dma_semaphore, #tpu.memory_space<semaphore_mem>>) src(%arg9 : memref<25x128xf32, #tpu.memory_space<vmem>>) dst(%dma_wait3A_358 : memref<25x128xf32, #tpu.memory_space<vmem_shared>>)
    %mul3A_359 = arith.constant 625 : i32
    %mul3A_360 = arith.muli %arg1, %mul3A_359 : i32
    %add3A_361 = arith.constant 425 : i32
    %add3A_362 = arith.addi %mul3A_360, %add3A_361 : i32
    %dma_wait3A_363 = arith.constant 0 : i32
    %dma_wait3A_364 = tpu.memref_slice %arg10[%add3A_362, %dma_wait3A_363] : memref<10000x128xf32, #tpu.memory_space<vmem_shared>> -> memref<25x128xf32, #tpu.memory_space<vmem_shared>>
    %dma_wait3A_365 = arith.constant 0 : i32
    %dma_wait3A_366 = tpu.memref_slice %arg10[%add3A_362, %dma_wait3A_365] : memref<10000x128xf32, #tpu.memory_space<vmem_shared>> -> memref<25x128xf32, #tpu.memory_space<vmem_shared>>
    tpu.wait_dma2 semaphore(%arg11 : memref<!tpu.dma_semaphore, #tpu.memory_space<semaphore_mem>>) src(%arg9 : memref<25x128xf32, #tpu.memory_space<vmem>>) dst(%dma_wait3A_366 : memref<25x128xf32, #tpu.memory_space<vmem_shared>>)
    %mul3A_367 = arith.constant 625 : i32
    %mul3A_368 = arith.muli %arg1, %mul3A_367 : i32
    %add3A_369 = arith.constant 450 : i32
    %add3A_370 = arith.addi %mul3A_368, %add3A_369 : i32
    %dma_wait3A_371 = arith.constant 0 : i32
    %dma_wait3A_372 = tpu.memref_slice %arg10[%add3A_370, %dma_wait3A_371] : memref<10000x128xf32, #tpu.memory_space<vmem_shared>> -> memref<25x128xf32, #tpu.memory_space<vmem_shared>>
    %dma_wait3A_373 = arith.constant 0 : i32
    %dma_wait3A_374 = tpu.memref_slice %arg10[%add3A_370, %dma_wait3A_373] : memref<10000x128xf32, #tpu.memory_space<vmem_shared>> -> memref<25x128xf32, #tpu.memory_space<vmem_shared>>
    tpu.wait_dma2 semaphore(%arg11 : memref<!tpu.dma_semaphore, #tpu.memory_space<semaphore_mem>>) src(%arg9 : memref<25x128xf32, #tpu.memory_space<vmem>>) dst(%dma_wait3A_374 : memref<25x128xf32, #tpu.memory_space<vmem_shared>>)
    %mul3A_375 = arith.constant 625 : i32
    %mul3A_376 = arith.muli %arg1, %mul3A_375 : i32
    %add3A_377 = arith.constant 475 : i32
    %add3A_378 = arith.addi %mul3A_376, %add3A_377 : i32
    %dma_wait3A_379 = arith.constant 0 : i32
    %dma_wait3A_380 = tpu.memref_slice %arg10[%add3A_378, %dma_wait3A_379] : memref<10000x128xf32, #tpu.memory_space<vmem_shared>> -> memref<25x128xf32, #tpu.memory_space<vmem_shared>>
    %dma_wait3A_381 = arith.constant 0 : i32
    %dma_wait3A_382 = tpu.memref_slice %arg10[%add3A_378, %dma_wait3A_381] : memref<10000x128xf32, #tpu.memory_space<vmem_shared>> -> memref<25x128xf32, #tpu.memory_space<vmem_shared>>
    tpu.wait_dma2 semaphore(%arg11 : memref<!tpu.dma_semaphore, #tpu.memory_space<semaphore_mem>>) src(%arg9 : memref<25x128xf32, #tpu.memory_space<vmem>>) dst(%dma_wait3A_382 : memref<25x128xf32, #tpu.memory_space<vmem_shared>>)
    %mul3A_383 = arith.constant 625 : i32
    %mul3A_384 = arith.muli %arg1, %mul3A_383 : i32
    %add3A_385 = arith.constant 500 : i32
    %add3A_386 = arith.addi %mul3A_384, %add3A_385 : i32
    %dma_wait3A_387 = arith.constant 0 : i32
    %dma_wait3A_388 = tpu.memref_slice %arg10[%add3A_386, %dma_wait3A_387] : memref<10000x128xf32, #tpu.memory_space<vmem_shared>> -> memref<25x128xf32, #tpu.memory_space<vmem_shared>>
    %dma_wait3A_389 = arith.constant 0 : i32
    %dma_wait3A_390 = tpu.memref_slice %arg10[%add3A_386, %dma_wait3A_389] : memref<10000x128xf32, #tpu.memory_space<vmem_shared>> -> memref<25x128xf32, #tpu.memory_space<vmem_shared>>
    tpu.wait_dma2 semaphore(%arg11 : memref<!tpu.dma_semaphore, #tpu.memory_space<semaphore_mem>>) src(%arg9 : memref<25x128xf32, #tpu.memory_space<vmem>>) dst(%dma_wait3A_390 : memref<25x128xf32, #tpu.memory_space<vmem_shared>>)
    %mul3A_391 = arith.constant 625 : i32
    %mul3A_392 = arith.muli %arg1, %mul3A_391 : i32
    %add3A_393 = arith.constant 525 : i32
    %add3A_394 = arith.addi %mul3A_392, %add3A_393 : i32
    %dma_wait3A_395 = arith.constant 0 : i32
    %dma_wait3A_396 = tpu.memref_slice %arg10[%add3A_394, %dma_wait3A_395] : memref<10000x128xf32, #tpu.memory_space<vmem_shared>> -> memref<25x128xf32, #tpu.memory_space<vmem_shared>>
    %dma_wait3A_397 = arith.constant 0 : i32
    %dma_wait3A_398 = tpu.memref_slice %arg10[%add3A_394, %dma_wait3A_397] : memref<10000x128xf32, #tpu.memory_space<vmem_shared>> -> memref<25x128xf32, #tpu.memory_space<vmem_shared>>
    tpu.wait_dma2 semaphore(%arg11 : memref<!tpu.dma_semaphore, #tpu.memory_space<semaphore_mem>>) src(%arg9 : memref<25x128xf32, #tpu.memory_space<vmem>>) dst(%dma_wait3A_398 : memref<25x128xf32, #tpu.memory_space<vmem_shared>>)
    %mul3A_399 = arith.constant 625 : i32
    %mul3A_400 = arith.muli %arg1, %mul3A_399 : i32
    %add3A_401 = arith.constant 550 : i32
    %add3A_402 = arith.addi %mul3A_400, %add3A_401 : i32
    %dma_wait3A_403 = arith.constant 0 : i32
    %dma_wait3A_404 = tpu.memref_slice %arg10[%add3A_402, %dma_wait3A_403] : memref<10000x128xf32, #tpu.memory_space<vmem_shared>> -> memref<25x128xf32, #tpu.memory_space<vmem_shared>>
    %dma_wait3A_405 = arith.constant 0 : i32
    %dma_wait3A_406 = tpu.memref_slice %arg10[%add3A_402, %dma_wait3A_405] : memref<10000x128xf32, #tpu.memory_space<vmem_shared>> -> memref<25x128xf32, #tpu.memory_space<vmem_shared>>
    tpu.wait_dma2 semaphore(%arg11 : memref<!tpu.dma_semaphore, #tpu.memory_space<semaphore_mem>>) src(%arg9 : memref<25x128xf32, #tpu.memory_space<vmem>>) dst(%dma_wait3A_406 : memref<25x128xf32, #tpu.memory_space<vmem_shared>>)
    %mul3A_407 = arith.constant 625 : i32
    %mul3A_408 = arith.muli %arg1, %mul3A_407 : i32
    %add3A_409 = arith.constant 575 : i32
    %add3A_410 = arith.addi %mul3A_408, %add3A_409 : i32
    %dma_wait3A_411 = arith.constant 0 : i32
    %dma_wait3A_412 = tpu.memref_slice %arg10[%add3A_410, %dma_wait3A_411] : memref<10000x128xf32, #tpu.memory_space<vmem_shared>> -> memref<25x128xf32, #tpu.memory_space<vmem_shared>>
    %dma_wait3A_413 = arith.constant 0 : i32
    %dma_wait3A_414 = tpu.memref_slice %arg10[%add3A_410, %dma_wait3A_413] : memref<10000x128xf32, #tpu.memory_space<vmem_shared>> -> memref<25x128xf32, #tpu.memory_space<vmem_shared>>
    tpu.wait_dma2 semaphore(%arg11 : memref<!tpu.dma_semaphore, #tpu.memory_space<semaphore_mem>>) src(%arg9 : memref<25x128xf32, #tpu.memory_space<vmem>>) dst(%dma_wait3A_414 : memref<25x128xf32, #tpu.memory_space<vmem_shared>>)
    %mul3A_415 = arith.constant 625 : i32
    %mul3A_416 = arith.muli %arg1, %mul3A_415 : i32
    %add3A_417 = arith.constant 600 : i32
    %add3A_418 = arith.addi %mul3A_416, %add3A_417 : i32
    %dma_wait3A_419 = arith.constant 0 : i32
    %dma_wait3A_420 = tpu.memref_slice %arg10[%add3A_418, %dma_wait3A_419] : memref<10000x128xf32, #tpu.memory_space<vmem_shared>> -> memref<25x128xf32, #tpu.memory_space<vmem_shared>>
    %dma_wait3A_421 = arith.constant 0 : i32
    %dma_wait3A_422 = tpu.memref_slice %arg10[%add3A_418, %dma_wait3A_421] : memref<10000x128xf32, #tpu.memory_space<vmem_shared>> -> memref<25x128xf32, #tpu.memory_space<vmem_shared>>
    tpu.wait_dma2 semaphore(%arg11 : memref<!tpu.dma_semaphore, #tpu.memory_space<semaphore_mem>>) src(%arg9 : memref<25x128xf32, #tpu.memory_space<vmem>>) dst(%dma_wait3A_422 : memref<25x128xf32, #tpu.memory_space<vmem_shared>>)
    %dma_wait3A_423 = arith.constant 0 : i32
    %dma_wait3A_424 = arith.constant 0 : i32
    %dma_wait3A_425 = arith.constant 0 : i32
    %dma_wait3A_426 = tpu.memref_slice %arg3[%add3A_6, %dma_wait3A_423, %arg1, %dma_wait3A_424, %dma_wait3A_425] : memref<4x2x16x40x125xi32, #tpu.memory_space<hbm>> -> memref<1x1x1x40x125xi32, #tpu.memory_space<hbm>>
    %dma_wait3A_427 = tpu.memref_squeeze %dma_wait3A_426 : memref<1x1x1x40x125xi32, #tpu.memory_space<hbm>> -> memref<40x125xi32, #tpu.memory_space<hbm>>
    %dma_wait3A_428 = arith.constant 0 : i32
    %dma_wait3A_429 = arith.constant 0 : i32
    %dma_wait3A_430 = tpu.memref_slice %arg3[%add3A_6, %dma_wait3A_423, %arg1, %dma_wait3A_428, %dma_wait3A_429] : memref<4x2x16x40x125xi32, #tpu.memory_space<hbm>> -> memref<1x1x1x40x125xi32, #tpu.memory_space<hbm>>
    %dma_wait3A_431 = tpu.memref_squeeze %dma_wait3A_430 : memref<1x1x1x40x125xi32, #tpu.memory_space<hbm>> -> memref<40x125xi32, #tpu.memory_space<hbm>>
    tpu.wait_dma2 semaphore(%arg12 : memref<!tpu.dma_semaphore, #tpu.memory_space<semaphore_mem>>) src(%dma_wait3A_431 : memref<40x125xi32, #tpu.memory_space<hbm>>) dst(%arg5 : memref<40x125xi32, #tpu.memory_space<vmem>>)
    %dma_wait3A_432 = arith.constant 1 : i32
    %dma_wait3A_433 = arith.constant 0 : i32
    %dma_wait3A_434 = arith.constant 0 : i32
    %dma_wait3A_435 = tpu.memref_slice %arg3[%add3A_6, %dma_wait3A_432, %arg1, %dma_wait3A_433, %dma_wait3A_434] : memref<4x2x16x40x125xi32, #tpu.memory_space<hbm>> -> memref<1x1x1x40x125xi32, #tpu.memory_space<hbm>>
    %dma_wait3A_436 = tpu.memref_squeeze %dma_wait3A_435 : memref<1x1x1x40x125xi32, #tpu.memory_space<hbm>> -> memref<40x125xi32, #tpu.memory_space<hbm>>
    %dma_wait3A_437 = arith.constant 0 : i32
    %dma_wait3A_438 = arith.constant 0 : i32
    %dma_wait3A_439 = tpu.memref_slice %arg3[%add3A_6, %dma_wait3A_432, %arg1, %dma_wait3A_437, %dma_wait3A_438] : memref<4x2x16x40x125xi32, #tpu.memory_space<hbm>> -> memref<1x1x1x40x125xi32, #tpu.memory_space<hbm>>
    %dma_wait3A_440 = tpu.memref_squeeze %dma_wait3A_439 : memref<1x1x1x40x125xi32, #tpu.memory_space<hbm>> -> memref<40x125xi32, #tpu.memory_space<hbm>>
    tpu.wait_dma2 semaphore(%arg12 : memref<!tpu.dma_semaphore, #tpu.memory_space<semaphore_mem>>) src(%dma_wait3A_440 : memref<40x125xi32, #tpu.memory_space<hbm>>) dst(%arg6 : memref<40x125xi32, #tpu.memory_space<vmem>>)
    %barrier3A = arith.constant 0 : index
    tpu.barrier barrier_id(%barrier3A)
    %dma_start3A_441 = arith.constant 0 : i32
    %dma_start3A_442 = arith.constant 0 : i32
    %dma_start3A_443 = tpu.memref_slice %arg5[%dma_start3A_441, %dma_start3A_442] : memref<40x125xi32, #tpu.memory_space<vmem>> -> memref<1x125xi32, #tpu.memory_space<vmem>>
    %dma_start3A_444 = tpu.memref_squeeze %dma_start3A_443 : memref<1x125xi32, #tpu.memory_space<vmem>> -> memref<125xi32, #tpu.memory_space<vmem>>
    %dma_start3A_445 = arith.constant 0 : i32
    %dma_start3A_446 = arith.constant 0 : i32
    %dma_start3A_447 = tpu.memref_slice %arg2[%dma_start3A_445, %dma_start3A_446] : memref<10000x128xf32, #tpu.memory_space<hbm>> -> memref<10000x128xf32, #tpu.memory_space<hbm>>
    tpu.enqueue_indirect_dma source(%dma_start3A_447 : memref<10000x128xf32, #tpu.memory_space<hbm>>) target(%arg7 : memref<125x128xf32, #tpu.memory_space<vmem>>) offsets(%dma_start3A_444 : memref<125xi32, #tpu.memory_space<vmem>>) semaphore(%arg11 : memref<!tpu.dma_semaphore, #tpu.memory_space<semaphore_mem>>)
    %scan3A_448 = arith.constant 0 : i32
    %scan3A_449 = arith.constant 10 : i32
    %scan3A_450 = arith.addi %scan3A_448, %scan3A_449 : i32
    %scan3A_451 = arith.constant 1 : i32
    scf.for %scan3A_977 = %scan3A_448 to %scan3A_450 step %scan3A_451  : i32 {
      %mul3A_978 = arith.constant 4 : i32
      %mul3A_979 = arith.muli %mul3A_978, %scan3A_977 : i32
      %add3A_980 = arith.constant 0 : i32
      %add3A_981 = arith.addi %mul3A_979, %add3A_980 : i32
      %dma_wait3A_982 = arith.constant 0 : i32
      %dma_wait3A_983 = arith.constant 0 : i32
      %dma_wait3A_984 = tpu.memref_slice %arg5[%dma_wait3A_982, %dma_wait3A_983] : memref<40x125xi32, #tpu.memory_space<vmem>> -> memref<1x125xi32, #tpu.memory_space<vmem>>
      %dma_wait3A_985 = tpu.memref_squeeze %dma_wait3A_984 : memref<1x125xi32, #tpu.memory_space<vmem>> -> memref<125xi32, #tpu.memory_space<vmem>>
      %dma_wait3A_986 = arith.constant 0 : i32
      %dma_wait3A_987 = arith.constant 0 : i32
      %dma_wait3A_988 = tpu.memref_slice %arg2[%dma_wait3A_986, %dma_wait3A_987] : memref<10000x128xf32, #tpu.memory_space<hbm>> -> memref<10000x128xf32, #tpu.memory_space<hbm>>
      tpu.wait_indirect_dma semaphore(%arg11 : memref<!tpu.dma_semaphore, #tpu.memory_space<semaphore_mem>>) src(%dma_wait3A_988 : memref<10000x128xf32, #tpu.memory_space<hbm>>) dst(%arg7 : memref<125x128xf32, #tpu.memory_space<vmem>>)
      %add3A_989 = arith.constant 1 : i32
      %add3A_990 = arith.addi %add3A_981, %add3A_989 : i32
      %dma_start3A_991 = arith.constant 0 : i32
      %dma_start3A_992 = tpu.memref_slice %arg5[%add3A_990, %dma_start3A_991] : memref<40x125xi32, #tpu.memory_space<vmem>> -> memref<1x125xi32, #tpu.memory_space<vmem>>
      %dma_start3A_993 = tpu.memref_squeeze %dma_start3A_992 : memref<1x125xi32, #tpu.memory_space<vmem>> -> memref<125xi32, #tpu.memory_space<vmem>>
      %dma_start3A_994 = arith.constant 0 : i32
      %dma_start3A_995 = arith.constant 0 : i32
      %dma_start3A_996 = tpu.memref_slice %arg2[%dma_start3A_994, %dma_start3A_995] : memref<10000x128xf32, #tpu.memory_space<hbm>> -> memref<10000x128xf32, #tpu.memory_space<hbm>>
      tpu.enqueue_indirect_dma source(%dma_start3A_996 : memref<10000x128xf32, #tpu.memory_space<hbm>>) target(%arg8 : memref<125x128xf32, #tpu.memory_space<vmem>>) offsets(%dma_start3A_993 : memref<125xi32, #tpu.memory_space<vmem>>) semaphore(%arg12 : memref<!tpu.dma_semaphore, #tpu.memory_space<semaphore_mem>>)
      "tpu.region"() ({
        %run_scoped3A = tpu.sem_alloc : memref<!tpu.dma_semaphore, #tpu.memory_space<semaphore_mem>>
        %dma_start3A_1076 = arith.constant 0 : i32
        %dma_start3A_1077 = tpu.memref_slice %arg6[%add3A_981, %dma_start3A_1076] : memref<40x125xi32, #tpu.memory_space<vmem>> -> memref<1x125xi32, #tpu.memory_space<vmem>>
        %dma_start3A_1078 = tpu.memref_squeeze %dma_start3A_1077 : memref<1x125xi32, #tpu.memory_space<vmem>> -> memref<125xi32, #tpu.memory_space<vmem>>
        %dma_start3A_1079 = arith.constant 0 : i32
        %dma_start3A_1080 = arith.constant 0 : i32
        %dma_start3A_1081 = tpu.memref_slice %arg10[%dma_start3A_1079, %dma_start3A_1080] : memref<10000x128xf32, #tpu.memory_space<vmem_shared>> -> memref<10000x128xf32, #tpu.memory_space<vmem_shared>>
        tpu.enqueue_indirect_dma source(%arg7 : memref<125x128xf32, #tpu.memory_space<vmem>>) target(%dma_start3A_1081 : memref<10000x128xf32, #tpu.memory_space<vmem_shared>>) offsets(%dma_start3A_1078 : memref<125xi32, #tpu.memory_space<vmem>>) semaphore(%run_scoped3A : memref<!tpu.dma_semaphore, #tpu.memory_space<semaphore_mem>>) {add = true}
        %dma_wait3A_1082 = arith.constant 0 : i32
        %dma_wait3A_1083 = tpu.memref_slice %arg6[%add3A_981, %dma_wait3A_1082] : memref<40x125xi32, #tpu.memory_space<vmem>> -> memref<1x125xi32, #tpu.memory_space<vmem>>
        %dma_wait3A_1084 = tpu.memref_squeeze %dma_wait3A_1083 : memref<1x125xi32, #tpu.memory_space<vmem>> -> memref<125xi32, #tpu.memory_space<vmem>>
        %dma_wait3A_1085 = arith.constant 0 : i32
        %dma_wait3A_1086 = arith.constant 0 : i32
        %dma_wait3A_1087 = tpu.memref_slice %arg10[%dma_wait3A_1085, %dma_wait3A_1086] : memref<10000x128xf32, #tpu.memory_space<vmem_shared>> -> memref<10000x128xf32, #tpu.memory_space<vmem_shared>>
        tpu.wait_indirect_dma semaphore(%run_scoped3A : memref<!tpu.dma_semaphore, #tpu.memory_space<semaphore_mem>>) src(%arg7 : memref<125x128xf32, #tpu.memory_space<vmem>>) dst(%dma_wait3A_1087 : memref<10000x128xf32, #tpu.memory_space<vmem_shared>>)
        tpu.yield
      }) : () -> ()
      %dma_wait3A_997 = arith.constant 0 : i32
      %dma_wait3A_998 = arith.constant 0 : i32
      %dma_wait3A_999 = tpu.memref_slice %arg5[%dma_wait3A_997, %dma_wait3A_998] : memref<40x125xi32, #tpu.memory_space<vmem>> -> memref<1x125xi32, #tpu.memory_space<vmem>>
      %dma_wait3A_1000 = tpu.memref_squeeze %dma_wait3A_999 : memref<1x125xi32, #tpu.memory_space<vmem>> -> memref<125xi32, #tpu.memory_space<vmem>>
      %dma_wait3A_1001 = arith.constant 0 : i32
      %dma_wait3A_1002 = arith.constant 0 : i32
      %dma_wait3A_1003 = tpu.memref_slice %arg2[%dma_wait3A_1001, %dma_wait3A_1002] : memref<10000x128xf32, #tpu.memory_space<hbm>> -> memref<10000x128xf32, #tpu.memory_space<hbm>>
      tpu.wait_indirect_dma semaphore(%arg12 : memref<!tpu.dma_semaphore, #tpu.memory_space<semaphore_mem>>) src(%dma_wait3A_1003 : memref<10000x128xf32, #tpu.memory_space<hbm>>) dst(%arg8 : memref<125x128xf32, #tpu.memory_space<vmem>>)
      %add3A_1004 = arith.constant 2 : i32
      %add3A_1005 = arith.addi %add3A_981, %add3A_1004 : i32
      %jit3A = arith.constant 40 : i32
      %eq3A = arith.constant 0 : i32
      %eq3A_1006 = arith.cmpi eq, %jit3A, %eq3A : i32
      %jit3A_1007 = arith.constant 1 : i32
      %select_n3A = arith.select %eq3A_1006, %jit3A_1007, %jit3A : i32
      %rem3A = arith.remsi %add3A_1005, %select_n3A : i32
      %ne3A = arith.constant 0 : i32
      %ne3A_1008 = arith.cmpi ne, %rem3A, %ne3A : i32
      %lt3A_1009 = arith.constant 0 : i32
      %lt3A_1010 = arith.cmpi slt, %rem3A, %lt3A_1009 : i32
      %lt3A_1011 = arith.constant 0 : i32
      %lt3A_1012 = arith.cmpi slt, %select_n3A, %lt3A_1011 : i32
      %ne3A_1013 = arith.xori %lt3A_1010, %lt3A_1012 : i1
      %and3A = arith.andi %ne3A_1013, %ne3A_1008 : i1
      %add3A_1014 = arith.addi %rem3A, %select_n3A : i32
      %select_n3A_1015 = arith.select %and3A, %add3A_1014, %rem3A : i32
      %dma_start3A_1016 = arith.constant 0 : i32
      %dma_start3A_1017 = tpu.memref_slice %arg5[%select_n3A_1015, %dma_start3A_1016] : memref<40x125xi32, #tpu.memory_space<vmem>> -> memref<1x125xi32, #tpu.memory_space<vmem>>
      %dma_start3A_1018 = tpu.memref_squeeze %dma_start3A_1017 : memref<1x125xi32, #tpu.memory_space<vmem>> -> memref<125xi32, #tpu.memory_space<vmem>>
      %dma_start3A_1019 = arith.constant 0 : i32
      %dma_start3A_1020 = arith.constant 0 : i32
      %dma_start3A_1021 = tpu.memref_slice %arg2[%dma_start3A_1019, %dma_start3A_1020] : memref<10000x128xf32, #tpu.memory_space<hbm>> -> memref<10000x128xf32, #tpu.memory_space<hbm>>
      tpu.enqueue_indirect_dma source(%dma_start3A_1021 : memref<10000x128xf32, #tpu.memory_space<hbm>>) target(%arg7 : memref<125x128xf32, #tpu.memory_space<vmem>>) offsets(%dma_start3A_1018 : memref<125xi32, #tpu.memory_space<vmem>>) semaphore(%arg11 : memref<!tpu.dma_semaphore, #tpu.memory_space<semaphore_mem>>)
      %add3A_1022 = arith.constant 1 : i32
      %add3A_1023 = arith.addi %add3A_981, %add3A_1022 : i32
      "tpu.region"() ({
        %run_scoped3A = tpu.sem_alloc : memref<!tpu.dma_semaphore, #tpu.memory_space<semaphore_mem>>
        %dma_start3A_1076 = arith.constant 0 : i32
        %dma_start3A_1077 = tpu.memref_slice %arg6[%add3A_1023, %dma_start3A_1076] : memref<40x125xi32, #tpu.memory_space<vmem>> -> memref<1x125xi32, #tpu.memory_space<vmem>>
        %dma_start3A_1078 = tpu.memref_squeeze %dma_start3A_1077 : memref<1x125xi32, #tpu.memory_space<vmem>> -> memref<125xi32, #tpu.memory_space<vmem>>
        %dma_start3A_1079 = arith.constant 0 : i32
        %dma_start3A_1080 = arith.constant 0 : i32
        %dma_start3A_1081 = tpu.memref_slice %arg10[%dma_start3A_1079, %dma_start3A_1080] : memref<10000x128xf32, #tpu.memory_space<vmem_shared>> -> memref<10000x128xf32, #tpu.memory_space<vmem_shared>>
        tpu.enqueue_indirect_dma source(%arg8 : memref<125x128xf32, #tpu.memory_space<vmem>>) target(%dma_start3A_1081 : memref<10000x128xf32, #tpu.memory_space<vmem_shared>>) offsets(%dma_start3A_1078 : memref<125xi32, #tpu.memory_space<vmem>>) semaphore(%run_scoped3A : memref<!tpu.dma_semaphore, #tpu.memory_space<semaphore_mem>>) {add = true}
        %dma_wait3A_1082 = arith.constant 0 : i32
        %dma_wait3A_1083 = tpu.memref_slice %arg6[%add3A_1023, %dma_wait3A_1082] : memref<40x125xi32, #tpu.memory_space<vmem>> -> memref<1x125xi32, #tpu.memory_space<vmem>>
        %dma_wait3A_1084 = tpu.memref_squeeze %dma_wait3A_1083 : memref<1x125xi32, #tpu.memory_space<vmem>> -> memref<125xi32, #tpu.memory_space<vmem>>
        %dma_wait3A_1085 = arith.constant 0 : i32
        %dma_wait3A_1086 = arith.constant 0 : i32
        %dma_wait3A_1087 = tpu.memref_slice %arg10[%dma_wait3A_1085, %dma_wait3A_1086] : memref<10000x128xf32, #tpu.memory_space<vmem_shared>> -> memref<10000x128xf32, #tpu.memory_space<vmem_shared>>
        tpu.wait_indirect_dma semaphore(%run_scoped3A : memref<!tpu.dma_semaphore, #tpu.memory_space<semaphore_mem>>) src(%arg8 : memref<125x128xf32, #tpu.memory_space<vmem>>) dst(%dma_wait3A_1087 : memref<10000x128xf32, #tpu.memory_space<vmem_shared>>)
        tpu.yield
      }) : () -> ()
      %mul3A_1024 = arith.constant 4 : i32
      %mul3A_1025 = arith.muli %mul3A_1024, %scan3A_977 : i32
      %add3A_1026 = arith.constant 2 : i32
      %add3A_1027 = arith.addi %mul3A_1025, %add3A_1026 : i32
      %dma_wait3A_1028 = arith.constant 0 : i32
      %dma_wait3A_1029 = arith.constant 0 : i32
      %dma_wait3A_1030 = tpu.memref_slice %arg5[%dma_wait3A_1028, %dma_wait3A_1029] : memref<40x125xi32, #tpu.memory_space<vmem>> -> memref<1x125xi32, #tpu.memory_space<vmem>>
      %dma_wait3A_1031 = tpu.memref_squeeze %dma_wait3A_1030 : memref<1x125xi32, #tpu.memory_space<vmem>> -> memref<125xi32, #tpu.memory_space<vmem>>
      %dma_wait3A_1032 = arith.constant 0 : i32
      %dma_wait3A_1033 = arith.constant 0 : i32
      %dma_wait3A_1034 = tpu.memref_slice %arg2[%dma_wait3A_1032, %dma_wait3A_1033] : memref<10000x128xf32, #tpu.memory_space<hbm>> -> memref<10000x128xf32, #tpu.memory_space<hbm>>
      tpu.wait_indirect_dma semaphore(%arg11 : memref<!tpu.dma_semaphore, #tpu.memory_space<semaphore_mem>>) src(%dma_wait3A_1034 : memref<10000x128xf32, #tpu.memory_space<hbm>>) dst(%arg7 : memref<125x128xf32, #tpu.memory_space<vmem>>)
      %add3A_1035 = arith.constant 1 : i32
      %add3A_1036 = arith.addi %add3A_1027, %add3A_1035 : i32
      %dma_start3A_1037 = arith.constant 0 : i32
      %dma_start3A_1038 = tpu.memref_slice %arg5[%add3A_1036, %dma_start3A_1037] : memref<40x125xi32, #tpu.memory_space<vmem>> -> memref<1x125xi32, #tpu.memory_space<vmem>>
      %dma_start3A_1039 = tpu.memref_squeeze %dma_start3A_1038 : memref<1x125xi32, #tpu.memory_space<vmem>> -> memref<125xi32, #tpu.memory_space<vmem>>
      %dma_start3A_1040 = arith.constant 0 : i32
      %dma_start3A_1041 = arith.constant 0 : i32
      %dma_start3A_1042 = tpu.memref_slice %arg2[%dma_start3A_1040, %dma_start3A_1041] : memref<10000x128xf32, #tpu.memory_space<hbm>> -> memref<10000x128xf32, #tpu.memory_space<hbm>>
      tpu.enqueue_indirect_dma source(%dma_start3A_1042 : memref<10000x128xf32, #tpu.memory_space<hbm>>) target(%arg8 : memref<125x128xf32, #tpu.memory_space<vmem>>) offsets(%dma_start3A_1039 : memref<125xi32, #tpu.memory_space<vmem>>) semaphore(%arg12 : memref<!tpu.dma_semaphore, #tpu.memory_space<semaphore_mem>>)
      "tpu.region"() ({
        %run_scoped3A = tpu.sem_alloc : memref<!tpu.dma_semaphore, #tpu.memory_space<semaphore_mem>>
        %dma_start3A_1076 = arith.constant 0 : i32
        %dma_start3A_1077 = tpu.memref_slice %arg6[%add3A_1027, %dma_start3A_1076] : memref<40x125xi32, #tpu.memory_space<vmem>> -> memref<1x125xi32, #tpu.memory_space<vmem>>
        %dma_start3A_1078 = tpu.memref_squeeze %dma_start3A_1077 : memref<1x125xi32, #tpu.memory_space<vmem>> -> memref<125xi32, #tpu.memory_space<vmem>>
        %dma_start3A_1079 = arith.constant 0 : i32
        %dma_start3A_1080 = arith.constant 0 : i32
        %dma_start3A_1081 = tpu.memref_slice %arg10[%dma_start3A_1079, %dma_start3A_1080] : memref<10000x128xf32, #tpu.memory_space<vmem_shared>> -> memref<10000x128xf32, #tpu.memory_space<vmem_shared>>
        tpu.enqueue_indirect_dma source(%arg7 : memref<125x128xf32, #tpu.memory_space<vmem>>) target(%dma_start3A_1081 : memref<10000x128xf32, #tpu.memory_space<vmem_shared>>) offsets(%dma_start3A_1078 : memref<125xi32, #tpu.memory_space<vmem>>) semaphore(%run_scoped3A : memref<!tpu.dma_semaphore, #tpu.memory_space<semaphore_mem>>) {add = true}
        %dma_wait3A_1082 = arith.constant 0 : i32
        %dma_wait3A_1083 = tpu.memref_slice %arg6[%add3A_1027, %dma_wait3A_1082] : memref<40x125xi32, #tpu.memory_space<vmem>> -> memref<1x125xi32, #tpu.memory_space<vmem>>
        %dma_wait3A_1084 = tpu.memref_squeeze %dma_wait3A_1083 : memref<1x125xi32, #tpu.memory_space<vmem>> -> memref<125xi32, #tpu.memory_space<vmem>>
        %dma_wait3A_1085 = arith.constant 0 : i32
        %dma_wait3A_1086 = arith.constant 0 : i32
        %dma_wait3A_1087 = tpu.memref_slice %arg10[%dma_wait3A_1085, %dma_wait3A_1086] : memref<10000x128xf32, #tpu.memory_space<vmem_shared>> -> memref<10000x128xf32, #tpu.memory_space<vmem_shared>>
        tpu.wait_indirect_dma semaphore(%run_scoped3A : memref<!tpu.dma_semaphore, #tpu.memory_space<semaphore_mem>>) src(%arg7 : memref<125x128xf32, #tpu.memory_space<vmem>>) dst(%dma_wait3A_1087 : memref<10000x128xf32, #tpu.memory_space<vmem_shared>>)
        tpu.yield
      }) : () -> ()
      %dma_wait3A_1043 = arith.constant 0 : i32
      %dma_wait3A_1044 = arith.constant 0 : i32
      %dma_wait3A_1045 = tpu.memref_slice %arg5[%dma_wait3A_1043, %dma_wait3A_1044] : memref<40x125xi32, #tpu.memory_space<vmem>> -> memref<1x125xi32, #tpu.memory_space<vmem>>
      %dma_wait3A_1046 = tpu.memref_squeeze %dma_wait3A_1045 : memref<1x125xi32, #tpu.memory_space<vmem>> -> memref<125xi32, #tpu.memory_space<vmem>>
      %dma_wait3A_1047 = arith.constant 0 : i32
      %dma_wait3A_1048 = arith.constant 0 : i32
      %dma_wait3A_1049 = tpu.memref_slice %arg2[%dma_wait3A_1047, %dma_wait3A_1048] : memref<10000x128xf32, #tpu.memory_space<hbm>> -> memref<10000x128xf32, #tpu.memory_space<hbm>>
      tpu.wait_indirect_dma semaphore(%arg12 : memref<!tpu.dma_semaphore, #tpu.memory_space<semaphore_mem>>) src(%dma_wait3A_1049 : memref<10000x128xf32, #tpu.memory_space<hbm>>) dst(%arg8 : memref<125x128xf32, #tpu.memory_space<vmem>>)
      %add3A_1050 = arith.constant 2 : i32
      %add3A_1051 = arith.addi %add3A_1027, %add3A_1050 : i32
      %jit3A_1052 = arith.constant 40 : i32
      %eq3A_1053 = arith.constant 0 : i32
      %eq3A_1054 = arith.cmpi eq, %jit3A_1052, %eq3A_1053 : i32
      %jit3A_1055 = arith.constant 1 : i32
      %select_n3A_1056 = arith.select %eq3A_1054, %jit3A_1055, %jit3A_1052 : i32
      %rem3A_1057 = arith.remsi %add3A_1051, %select_n3A_1056 : i32
      %ne3A_1058 = arith.constant 0 : i32
      %ne3A_1059 = arith.cmpi ne, %rem3A_1057, %ne3A_1058 : i32
      %lt3A_1060 = arith.constant 0 : i32
      %lt3A_1061 = arith.cmpi slt, %rem3A_1057, %lt3A_1060 : i32
      %lt3A_1062 = arith.constant 0 : i32
      %lt3A_1063 = arith.cmpi slt, %select_n3A_1056, %lt3A_1062 : i32
      %ne3A_1064 = arith.xori %lt3A_1061, %lt3A_1063 : i1
      %and3A_1065 = arith.andi %ne3A_1064, %ne3A_1059 : i1
      %add3A_1066 = arith.addi %rem3A_1057, %select_n3A_1056 : i32
      %select_n3A_1067 = arith.select %and3A_1065, %add3A_1066, %rem3A_1057 : i32
      %dma_start3A_1068 = arith.constant 0 : i32
      %dma_start3A_1069 = tpu.memref_slice %arg5[%select_n3A_1067, %dma_start3A_1068] : memref<40x125xi32, #tpu.memory_space<vmem>> -> memref<1x125xi32, #tpu.memory_space<vmem>>
      %dma_start3A_1070 = tpu.memref_squeeze %dma_start3A_1069 : memref<1x125xi32, #tpu.memory_space<vmem>> -> memref<125xi32, #tpu.memory_space<vmem>>
      %dma_start3A_1071 = arith.constant 0 : i32
      %dma_start3A_1072 = arith.constant 0 : i32
      %dma_start3A_1073 = tpu.memref_slice %arg2[%dma_start3A_1071, %dma_start3A_1072] : memref<10000x128xf32, #tpu.memory_space<hbm>> -> memref<10000x128xf32, #tpu.memory_space<hbm>>
      tpu.enqueue_indirect_dma source(%dma_start3A_1073 : memref<10000x128xf32, #tpu.memory_space<hbm>>) target(%arg7 : memref<125x128xf32, #tpu.memory_space<vmem>>) offsets(%dma_start3A_1070 : memref<125xi32, #tpu.memory_space<vmem>>) semaphore(%arg11 : memref<!tpu.dma_semaphore, #tpu.memory_space<semaphore_mem>>)
      %add3A_1074 = arith.constant 1 : i32
      %add3A_1075 = arith.addi %add3A_1027, %add3A_1074 : i32
      "tpu.region"() ({
        %run_scoped3A = tpu.sem_alloc : memref<!tpu.dma_semaphore, #tpu.memory_space<semaphore_mem>>
        %dma_start3A_1076 = arith.constant 0 : i32
        %dma_start3A_1077 = tpu.memref_slice %arg6[%add3A_1075, %dma_start3A_1076] : memref<40x125xi32, #tpu.memory_space<vmem>> -> memref<1x125xi32, #tpu.memory_space<vmem>>
        %dma_start3A_1078 = tpu.memref_squeeze %dma_start3A_1077 : memref<1x125xi32, #tpu.memory_space<vmem>> -> memref<125xi32, #tpu.memory_space<vmem>>
        %dma_start3A_1079 = arith.constant 0 : i32
        %dma_start3A_1080 = arith.constant 0 : i32
        %dma_start3A_1081 = tpu.memref_slice %arg10[%dma_start3A_1079, %dma_start3A_1080] : memref<10000x128xf32, #tpu.memory_space<vmem_shared>> -> memref<10000x128xf32, #tpu.memory_space<vmem_shared>>
        tpu.enqueue_indirect_dma source(%arg8 : memref<125x128xf32, #tpu.memory_space<vmem>>) target(%dma_start3A_1081 : memref<10000x128xf32, #tpu.memory_space<vmem_shared>>) offsets(%dma_start3A_1078 : memref<125xi32, #tpu.memory_space<vmem>>) semaphore(%run_scoped3A : memref<!tpu.dma_semaphore, #tpu.memory_space<semaphore_mem>>) {add = true}
        %dma_wait3A_1082 = arith.constant 0 : i32
        %dma_wait3A_1083 = tpu.memref_slice %arg6[%add3A_1075, %dma_wait3A_1082] : memref<40x125xi32, #tpu.memory_space<vmem>> -> memref<1x125xi32, #tpu.memory_space<vmem>>
        %dma_wait3A_1084 = tpu.memref_squeeze %dma_wait3A_1083 : memref<1x125xi32, #tpu.memory_space<vmem>> -> memref<125xi32, #tpu.memory_space<vmem>>
        %dma_wait3A_1085 = arith.constant 0 : i32
        %dma_wait3A_1086 = arith.constant 0 : i32
        %dma_wait3A_1087 = tpu.memref_slice %arg10[%dma_wait3A_1085, %dma_wait3A_1086] : memref<10000x128xf32, #tpu.memory_space<vmem_shared>> -> memref<10000x128xf32, #tpu.memory_space<vmem_shared>>
        tpu.wait_indirect_dma semaphore(%run_scoped3A : memref<!tpu.dma_semaphore, #tpu.memory_space<semaphore_mem>>) src(%arg8 : memref<125x128xf32, #tpu.memory_space<vmem>>) dst(%dma_wait3A_1087 : memref<10000x128xf32, #tpu.memory_space<vmem_shared>>)
        tpu.yield
      }) : () -> ()
    }
    %scan3A_452 = arith.constant 10 : i32
    %dma_wait3A_453 = arith.constant 0 : i32
    %dma_wait3A_454 = arith.constant 0 : i32
    %dma_wait3A_455 = tpu.memref_slice %arg5[%dma_wait3A_453, %dma_wait3A_454] : memref<40x125xi32, #tpu.memory_space<vmem>> -> memref<1x125xi32, #tpu.memory_space<vmem>>
    %dma_wait3A_456 = tpu.memref_squeeze %dma_wait3A_455 : memref<1x125xi32, #tpu.memory_space<vmem>> -> memref<125xi32, #tpu.memory_space<vmem>>
    %dma_wait3A_457 = arith.constant 0 : i32
    %dma_wait3A_458 = arith.constant 0 : i32
    %dma_wait3A_459 = tpu.memref_slice %arg2[%dma_wait3A_457, %dma_wait3A_458] : memref<10000x128xf32, #tpu.memory_space<hbm>> -> memref<10000x128xf32, #tpu.memory_space<hbm>>
    tpu.wait_indirect_dma semaphore(%arg11 : memref<!tpu.dma_semaphore, #tpu.memory_space<semaphore_mem>>) src(%dma_wait3A_459 : memref<10000x128xf32, #tpu.memory_space<hbm>>) dst(%arg7 : memref<125x128xf32, #tpu.memory_space<vmem>>)
    %barrier3A_460 = arith.constant 0 : index
    tpu.barrier barrier_id(%barrier3A_460)
    %add3A_461 = arith.constant 0 : i32
    %add3A_462 = arith.addi %arg1, %add3A_461 : i32
    %lt3A = arith.constant 25 : i32
    %lt3A_463 = arith.cmpi slt, %add3A_462, %lt3A : i32
    %convert_element_type3A = arith.extui %lt3A_463 : i1 to i32
    %cond3A = arith.constant 0 : i32
    %cond3A_464 = arith.cmpi ne, %convert_element_type3A, %cond3A : i32
    scf.if %cond3A_464 {
      %mul3A_977 = arith.constant 400 : i32
      %mul3A_978 = arith.muli %add3A_462, %mul3A_977 : i32
      %dma_start3A_979 = arith.constant 0 : i32
      %dma_start3A_980 = tpu.memref_slice %arg4[%add3A_6, %mul3A_978, %dma_start3A_979] : memref<4x10000x128xf32, #tpu.memory_space<hbm>> -> memref<1x400x128xf32, #tpu.memory_space<hbm>>
      %dma_start3A_981 = tpu.memref_squeeze %dma_start3A_980 : memref<1x400x128xf32, #tpu.memory_space<hbm>> -> memref<400x128xf32, #tpu.memory_space<hbm>>
      %dma_start3A_982 = arith.constant 0 : i32
      %dma_start3A_983 = tpu.memref_slice %arg10[%mul3A_978, %dma_start3A_982] : memref<10000x128xf32, #tpu.memory_space<vmem_shared>> -> memref<400x128xf32, #tpu.memory_space<vmem_shared>>
      tpu.enqueue_dma source(%dma_start3A_983 : memref<400x128xf32, #tpu.memory_space<vmem_shared>>) target(%dma_start3A_981 : memref<400x128xf32, #tpu.memory_space<hbm>>) target_semaphore(%arg11 : memref<!tpu.dma_semaphore, #tpu.memory_space<semaphore_mem>>)
    } else {
    }
    %add3A_465 = arith.constant 16 : i32
    %add3A_466 = arith.addi %arg1, %add3A_465 : i32
    %lt3A_467 = arith.constant 25 : i32
    %lt3A_468 = arith.cmpi slt, %add3A_466, %lt3A_467 : i32
    %convert_element_type3A_469 = arith.extui %lt3A_468 : i1 to i32
    %cond3A_470 = arith.constant 0 : i32
    %cond3A_471 = arith.cmpi ne, %convert_element_type3A_469, %cond3A_470 : i32
    scf.if %cond3A_471 {
      %mul3A_977 = arith.constant 400 : i32
      %mul3A_978 = arith.muli %add3A_466, %mul3A_977 : i32
      %dma_start3A_979 = arith.constant 0 : i32
      %dma_start3A_980 = tpu.memref_slice %arg4[%add3A_6, %mul3A_978, %dma_start3A_979] : memref<4x10000x128xf32, #tpu.memory_space<hbm>> -> memref<1x400x128xf32, #tpu.memory_space<hbm>>
      %dma_start3A_981 = tpu.memref_squeeze %dma_start3A_980 : memref<1x400x128xf32, #tpu.memory_space<hbm>> -> memref<400x128xf32, #tpu.memory_space<hbm>>
      %dma_start3A_982 = arith.constant 0 : i32
      %dma_start3A_983 = tpu.memref_slice %arg10[%mul3A_978, %dma_start3A_982] : memref<10000x128xf32, #tpu.memory_space<vmem_shared>> -> memref<400x128xf32, #tpu.memory_space<vmem_shared>>
      tpu.enqueue_dma source(%dma_start3A_983 : memref<400x128xf32, #tpu.memory_space<vmem_shared>>) target(%dma_start3A_981 : memref<400x128xf32, #tpu.memory_space<hbm>>) target_semaphore(%arg11 : memref<!tpu.dma_semaphore, #tpu.memory_space<semaphore_mem>>)
    } else {
    }
    %add3A_472 = arith.constant 0 : i32
    %add3A_473 = arith.addi %arg1, %add3A_472 : i32
    %lt3A_474 = arith.constant 25 : i32
    %lt3A_475 = arith.cmpi slt, %add3A_473, %lt3A_474 : i32
    %convert_element_type3A_476 = arith.extui %lt3A_475 : i1 to i32
    %cond3A_477 = arith.constant 0 : i32
    %cond3A_478 = arith.cmpi ne, %convert_element_type3A_476, %cond3A_477 : i32
    scf.if %cond3A_478 {
      %mul3A_977 = arith.constant 400 : i32
      %mul3A_978 = arith.muli %add3A_473, %mul3A_977 : i32
      %dma_wait3A_979 = arith.constant 0 : i32
      %dma_wait3A_980 = tpu.memref_slice %arg4[%add3A_6, %mul3A_978, %dma_wait3A_979] : memref<4x10000x128xf32, #tpu.memory_space<hbm>> -> memref<1x400x128xf32, #tpu.memory_space<hbm>>
      %dma_wait3A_981 = tpu.memref_squeeze %dma_wait3A_980 : memref<1x400x128xf32, #tpu.memory_space<hbm>> -> memref<400x128xf32, #tpu.memory_space<hbm>>
      %dma_wait3A_982 = arith.constant 0 : i32
      %dma_wait3A_983 = tpu.memref_slice %arg10[%mul3A_978, %dma_wait3A_982] : memref<10000x128xf32, #tpu.memory_space<vmem_shared>> -> memref<400x128xf32, #tpu.memory_space<vmem_shared>>
      tpu.wait_dma2 semaphore(%arg11 : memref<!tpu.dma_semaphore, #tpu.memory_space<semaphore_mem>>) src(%dma_wait3A_983 : memref<400x128xf32, #tpu.memory_space<vmem_shared>>) dst(%dma_wait3A_981 : memref<400x128xf32, #tpu.memory_space<hbm>>)
    } else {
    }
    %add3A_479 = arith.constant 16 : i32
    %add3A_480 = arith.addi %arg1, %add3A_479 : i32
    %lt3A_481 = arith.constant 25 : i32
    %lt3A_482 = arith.cmpi slt, %add3A_480, %lt3A_481 : i32
    %convert_element_type3A_483 = arith.extui %lt3A_482 : i1 to i32
    %cond3A_484 = arith.constant 0 : i32
    %cond3A_485 = arith.cmpi ne, %convert_element_type3A_483, %cond3A_484 : i32
    scf.if %cond3A_485 {
      %mul3A_977 = arith.constant 400 : i32
      %mul3A_978 = arith.muli %add3A_480, %mul3A_977 : i32
      %dma_wait3A_979 = arith.constant 0 : i32
      %dma_wait3A_980 = tpu.memref_slice %arg4[%add3A_6, %mul3A_978, %dma_wait3A_979] : memref<4x10000x128xf32, #tpu.memory_space<hbm>> -> memref<1x400x128xf32, #tpu.memory_space<hbm>>
      %dma_wait3A_981 = tpu.memref_squeeze %dma_wait3A_980 : memref<1x400x128xf32, #tpu.memory_space<hbm>> -> memref<400x128xf32, #tpu.memory_space<hbm>>
      %dma_wait3A_982 = arith.constant 0 : i32
      %dma_wait3A_983 = tpu.memref_slice %arg10[%mul3A_978, %dma_wait3A_982] : memref<10000x128xf32, #tpu.memory_space<vmem_shared>> -> memref<400x128xf32, #tpu.memory_space<vmem_shared>>
      tpu.wait_dma2 semaphore(%arg11 : memref<!tpu.dma_semaphore, #tpu.memory_space<semaphore_mem>>) src(%dma_wait3A_983 : memref<400x128xf32, #tpu.memory_space<vmem_shared>>) dst(%dma_wait3A_981 : memref<400x128xf32, #tpu.memory_space<hbm>>)
    } else {
    }
    %barrier3A_486 = arith.constant 0 : index
    tpu.barrier barrier_id(%barrier3A_486)
    %mul3A_487 = arith.constant 2 : i32
    %mul3A_488 = arith.muli %arg0, %mul3A_487 : i32
    %add3A_489 = arith.constant 1 : i32
    %add3A_490 = arith.addi %mul3A_488, %add3A_489 : i32
    %mul3A_491 = arith.constant 625 : i32
    %mul3A_492 = arith.muli %arg1, %mul3A_491 : i32
    %add3A_493 = arith.constant 0 : i32
    %add3A_494 = arith.addi %mul3A_492, %add3A_493 : i32
    %dma_start3A_495 = arith.constant 0 : i32
    %dma_start3A_496 = tpu.memref_slice %arg10[%add3A_494, %dma_start3A_495] : memref<10000x128xf32, #tpu.memory_space<vmem_shared>> -> memref<25x128xf32, #tpu.memory_space<vmem_shared>>
    %dma_start3A_497 = arith.constant 0 : i32
    %dma_start3A_498 = tpu.memref_slice %arg10[%add3A_494, %dma_start3A_497] : memref<10000x128xf32, #tpu.memory_space<vmem_shared>> -> memref<25x128xf32, #tpu.memory_space<vmem_shared>>
    tpu.enqueue_dma source(%arg9 : memref<25x128xf32, #tpu.memory_space<vmem>>) target(%dma_start3A_498 : memref<25x128xf32, #tpu.memory_space<vmem_shared>>) target_semaphore(%arg11 : memref<!tpu.dma_semaphore, #tpu.memory_space<semaphore_mem>>)
    %mul3A_499 = arith.constant 625 : i32
    %mul3A_500 = arith.muli %arg1, %mul3A_499 : i32
    %add3A_501 = arith.constant 25 : i32
    %add3A_502 = arith.addi %mul3A_500, %add3A_501 : i32
    %dma_start3A_503 = arith.constant 0 : i32
    %dma_start3A_504 = tpu.memref_slice %arg10[%add3A_502, %dma_start3A_503] : memref<10000x128xf32, #tpu.memory_space<vmem_shared>> -> memref<25x128xf32, #tpu.memory_space<vmem_shared>>
    %dma_start3A_505 = arith.constant 0 : i32
    %dma_start3A_506 = tpu.memref_slice %arg10[%add3A_502, %dma_start3A_505] : memref<10000x128xf32, #tpu.memory_space<vmem_shared>> -> memref<25x128xf32, #tpu.memory_space<vmem_shared>>
    tpu.enqueue_dma source(%arg9 : memref<25x128xf32, #tpu.memory_space<vmem>>) target(%dma_start3A_506 : memref<25x128xf32, #tpu.memory_space<vmem_shared>>) target_semaphore(%arg11 : memref<!tpu.dma_semaphore, #tpu.memory_space<semaphore_mem>>)
    %mul3A_507 = arith.constant 625 : i32
    %mul3A_508 = arith.muli %arg1, %mul3A_507 : i32
    %add3A_509 = arith.constant 50 : i32
    %add3A_510 = arith.addi %mul3A_508, %add3A_509 : i32
    %dma_start3A_511 = arith.constant 0 : i32
    %dma_start3A_512 = tpu.memref_slice %arg10[%add3A_510, %dma_start3A_511] : memref<10000x128xf32, #tpu.memory_space<vmem_shared>> -> memref<25x128xf32, #tpu.memory_space<vmem_shared>>
    %dma_start3A_513 = arith.constant 0 : i32
    %dma_start3A_514 = tpu.memref_slice %arg10[%add3A_510, %dma_start3A_513] : memref<10000x128xf32, #tpu.memory_space<vmem_shared>> -> memref<25x128xf32, #tpu.memory_space<vmem_shared>>
    tpu.enqueue_dma source(%arg9 : memref<25x128xf32, #tpu.memory_space<vmem>>) target(%dma_start3A_514 : memref<25x128xf32, #tpu.memory_space<vmem_shared>>) target_semaphore(%arg11 : memref<!tpu.dma_semaphore, #tpu.memory_space<semaphore_mem>>)
    %mul3A_515 = arith.constant 625 : i32
    %mul3A_516 = arith.muli %arg1, %mul3A_515 : i32
    %add3A_517 = arith.constant 75 : i32
    %add3A_518 = arith.addi %mul3A_516, %add3A_517 : i32
    %dma_start3A_519 = arith.constant 0 : i32
    %dma_start3A_520 = tpu.memref_slice %arg10[%add3A_518, %dma_start3A_519] : memref<10000x128xf32, #tpu.memory_space<vmem_shared>> -> memref<25x128xf32, #tpu.memory_space<vmem_shared>>
    %dma_start3A_521 = arith.constant 0 : i32
    %dma_start3A_522 = tpu.memref_slice %arg10[%add3A_518, %dma_start3A_521] : memref<10000x128xf32, #tpu.memory_space<vmem_shared>> -> memref<25x128xf32, #tpu.memory_space<vmem_shared>>
    tpu.enqueue_dma source(%arg9 : memref<25x128xf32, #tpu.memory_space<vmem>>) target(%dma_start3A_522 : memref<25x128xf32, #tpu.memory_space<vmem_shared>>) target_semaphore(%arg11 : memref<!tpu.dma_semaphore, #tpu.memory_space<semaphore_mem>>)
    %mul3A_523 = arith.constant 625 : i32
    %mul3A_524 = arith.muli %arg1, %mul3A_523 : i32
    %add3A_525 = arith.constant 100 : i32
    %add3A_526 = arith.addi %mul3A_524, %add3A_525 : i32
    %dma_start3A_527 = arith.constant 0 : i32
    %dma_start3A_528 = tpu.memref_slice %arg10[%add3A_526, %dma_start3A_527] : memref<10000x128xf32, #tpu.memory_space<vmem_shared>> -> memref<25x128xf32, #tpu.memory_space<vmem_shared>>
    %dma_start3A_529 = arith.constant 0 : i32
    %dma_start3A_530 = tpu.memref_slice %arg10[%add3A_526, %dma_start3A_529] : memref<10000x128xf32, #tpu.memory_space<vmem_shared>> -> memref<25x128xf32, #tpu.memory_space<vmem_shared>>
    tpu.enqueue_dma source(%arg9 : memref<25x128xf32, #tpu.memory_space<vmem>>) target(%dma_start3A_530 : memref<25x128xf32, #tpu.memory_space<vmem_shared>>) target_semaphore(%arg11 : memref<!tpu.dma_semaphore, #tpu.memory_space<semaphore_mem>>)
    %mul3A_531 = arith.constant 625 : i32
    %mul3A_532 = arith.muli %arg1, %mul3A_531 : i32
    %add3A_533 = arith.constant 125 : i32
    %add3A_534 = arith.addi %mul3A_532, %add3A_533 : i32
    %dma_start3A_535 = arith.constant 0 : i32
    %dma_start3A_536 = tpu.memref_slice %arg10[%add3A_534, %dma_start3A_535] : memref<10000x128xf32, #tpu.memory_space<vmem_shared>> -> memref<25x128xf32, #tpu.memory_space<vmem_shared>>
    %dma_start3A_537 = arith.constant 0 : i32
    %dma_start3A_538 = tpu.memref_slice %arg10[%add3A_534, %dma_start3A_537] : memref<10000x128xf32, #tpu.memory_space<vmem_shared>> -> memref<25x128xf32, #tpu.memory_space<vmem_shared>>
    tpu.enqueue_dma source(%arg9 : memref<25x128xf32, #tpu.memory_space<vmem>>) target(%dma_start3A_538 : memref<25x128xf32, #tpu.memory_space<vmem_shared>>) target_semaphore(%arg11 : memref<!tpu.dma_semaphore, #tpu.memory_space<semaphore_mem>>)
    %mul3A_539 = arith.constant 625 : i32
    %mul3A_540 = arith.muli %arg1, %mul3A_539 : i32
    %add3A_541 = arith.constant 150 : i32
    %add3A_542 = arith.addi %mul3A_540, %add3A_541 : i32
    %dma_start3A_543 = arith.constant 0 : i32
    %dma_start3A_544 = tpu.memref_slice %arg10[%add3A_542, %dma_start3A_543] : memref<10000x128xf32, #tpu.memory_space<vmem_shared>> -> memref<25x128xf32, #tpu.memory_space<vmem_shared>>
    %dma_start3A_545 = arith.constant 0 : i32
    %dma_start3A_546 = tpu.memref_slice %arg10[%add3A_542, %dma_start3A_545] : memref<10000x128xf32, #tpu.memory_space<vmem_shared>> -> memref<25x128xf32, #tpu.memory_space<vmem_shared>>
    tpu.enqueue_dma source(%arg9 : memref<25x128xf32, #tpu.memory_space<vmem>>) target(%dma_start3A_546 : memref<25x128xf32, #tpu.memory_space<vmem_shared>>) target_semaphore(%arg11 : memref<!tpu.dma_semaphore, #tpu.memory_space<semaphore_mem>>)
    %mul3A_547 = arith.constant 625 : i32
    %mul3A_548 = arith.muli %arg1, %mul3A_547 : i32
    %add3A_549 = arith.constant 175 : i32
    %add3A_550 = arith.addi %mul3A_548, %add3A_549 : i32
    %dma_start3A_551 = arith.constant 0 : i32
    %dma_start3A_552 = tpu.memref_slice %arg10[%add3A_550, %dma_start3A_551] : memref<10000x128xf32, #tpu.memory_space<vmem_shared>> -> memref<25x128xf32, #tpu.memory_space<vmem_shared>>
    %dma_start3A_553 = arith.constant 0 : i32
    %dma_start3A_554 = tpu.memref_slice %arg10[%add3A_550, %dma_start3A_553] : memref<10000x128xf32, #tpu.memory_space<vmem_shared>> -> memref<25x128xf32, #tpu.memory_space<vmem_shared>>
    tpu.enqueue_dma source(%arg9 : memref<25x128xf32, #tpu.memory_space<vmem>>) target(%dma_start3A_554 : memref<25x128xf32, #tpu.memory_space<vmem_shared>>) target_semaphore(%arg11 : memref<!tpu.dma_semaphore, #tpu.memory_space<semaphore_mem>>)
    %mul3A_555 = arith.constant 625 : i32
    %mul3A_556 = arith.muli %arg1, %mul3A_555 : i32
    %add3A_557 = arith.constant 200 : i32
    %add3A_558 = arith.addi %mul3A_556, %add3A_557 : i32
    %dma_start3A_559 = arith.constant 0 : i32
    %dma_start3A_560 = tpu.memref_slice %arg10[%add3A_558, %dma_start3A_559] : memref<10000x128xf32, #tpu.memory_space<vmem_shared>> -> memref<25x128xf32, #tpu.memory_space<vmem_shared>>
    %dma_start3A_561 = arith.constant 0 : i32
    %dma_start3A_562 = tpu.memref_slice %arg10[%add3A_558, %dma_start3A_561] : memref<10000x128xf32, #tpu.memory_space<vmem_shared>> -> memref<25x128xf32, #tpu.memory_space<vmem_shared>>
    tpu.enqueue_dma source(%arg9 : memref<25x128xf32, #tpu.memory_space<vmem>>) target(%dma_start3A_562 : memref<25x128xf32, #tpu.memory_space<vmem_shared>>) target_semaphore(%arg11 : memref<!tpu.dma_semaphore, #tpu.memory_space<semaphore_mem>>)
    %mul3A_563 = arith.constant 625 : i32
    %mul3A_564 = arith.muli %arg1, %mul3A_563 : i32
    %add3A_565 = arith.constant 225 : i32
    %add3A_566 = arith.addi %mul3A_564, %add3A_565 : i32
    %dma_start3A_567 = arith.constant 0 : i32
    %dma_start3A_568 = tpu.memref_slice %arg10[%add3A_566, %dma_start3A_567] : memref<10000x128xf32, #tpu.memory_space<vmem_shared>> -> memref<25x128xf32, #tpu.memory_space<vmem_shared>>
    %dma_start3A_569 = arith.constant 0 : i32
    %dma_start3A_570 = tpu.memref_slice %arg10[%add3A_566, %dma_start3A_569] : memref<10000x128xf32, #tpu.memory_space<vmem_shared>> -> memref<25x128xf32, #tpu.memory_space<vmem_shared>>
    tpu.enqueue_dma source(%arg9 : memref<25x128xf32, #tpu.memory_space<vmem>>) target(%dma_start3A_570 : memref<25x128xf32, #tpu.memory_space<vmem_shared>>) target_semaphore(%arg11 : memref<!tpu.dma_semaphore, #tpu.memory_space<semaphore_mem>>)
    %mul3A_571 = arith.constant 625 : i32
    %mul3A_572 = arith.muli %arg1, %mul3A_571 : i32
    %add3A_573 = arith.constant 250 : i32
    %add3A_574 = arith.addi %mul3A_572, %add3A_573 : i32
    %dma_start3A_575 = arith.constant 0 : i32
    %dma_start3A_576 = tpu.memref_slice %arg10[%add3A_574, %dma_start3A_575] : memref<10000x128xf32, #tpu.memory_space<vmem_shared>> -> memref<25x128xf32, #tpu.memory_space<vmem_shared>>
    %dma_start3A_577 = arith.constant 0 : i32
    %dma_start3A_578 = tpu.memref_slice %arg10[%add3A_574, %dma_start3A_577] : memref<10000x128xf32, #tpu.memory_space<vmem_shared>> -> memref<25x128xf32, #tpu.memory_space<vmem_shared>>
    tpu.enqueue_dma source(%arg9 : memref<25x128xf32, #tpu.memory_space<vmem>>) target(%dma_start3A_578 : memref<25x128xf32, #tpu.memory_space<vmem_shared>>) target_semaphore(%arg11 : memref<!tpu.dma_semaphore, #tpu.memory_space<semaphore_mem>>)
    %mul3A_579 = arith.constant 625 : i32
    %mul3A_580 = arith.muli %arg1, %mul3A_579 : i32
    %add3A_581 = arith.constant 275 : i32
    %add3A_582 = arith.addi %mul3A_580, %add3A_581 : i32
    %dma_start3A_583 = arith.constant 0 : i32
    %dma_start3A_584 = tpu.memref_slice %arg10[%add3A_582, %dma_start3A_583] : memref<10000x128xf32, #tpu.memory_space<vmem_shared>> -> memref<25x128xf32, #tpu.memory_space<vmem_shared>>
    %dma_start3A_585 = arith.constant 0 : i32
    %dma_start3A_586 = tpu.memref_slice %arg10[%add3A_582, %dma_start3A_585] : memref<10000x128xf32, #tpu.memory_space<vmem_shared>> -> memref<25x128xf32, #tpu.memory_space<vmem_shared>>
    tpu.enqueue_dma source(%arg9 : memref<25x128xf32, #tpu.memory_space<vmem>>) target(%dma_start3A_586 : memref<25x128xf32, #tpu.memory_space<vmem_shared>>) target_semaphore(%arg11 : memref<!tpu.dma_semaphore, #tpu.memory_space<semaphore_mem>>)
    %mul3A_587 = arith.constant 625 : i32
    %mul3A_588 = arith.muli %arg1, %mul3A_587 : i32
    %add3A_589 = arith.constant 300 : i32
    %add3A_590 = arith.addi %mul3A_588, %add3A_589 : i32
    %dma_start3A_591 = arith.constant 0 : i32
    %dma_start3A_592 = tpu.memref_slice %arg10[%add3A_590, %dma_start3A_591] : memref<10000x128xf32, #tpu.memory_space<vmem_shared>> -> memref<25x128xf32, #tpu.memory_space<vmem_shared>>
    %dma_start3A_593 = arith.constant 0 : i32
    %dma_start3A_594 = tpu.memref_slice %arg10[%add3A_590, %dma_start3A_593] : memref<10000x128xf32, #tpu.memory_space<vmem_shared>> -> memref<25x128xf32, #tpu.memory_space<vmem_shared>>
    tpu.enqueue_dma source(%arg9 : memref<25x128xf32, #tpu.memory_space<vmem>>) target(%dma_start3A_594 : memref<25x128xf32, #tpu.memory_space<vmem_shared>>) target_semaphore(%arg11 : memref<!tpu.dma_semaphore, #tpu.memory_space<semaphore_mem>>)
    %mul3A_595 = arith.constant 625 : i32
    %mul3A_596 = arith.muli %arg1, %mul3A_595 : i32
    %add3A_597 = arith.constant 325 : i32
    %add3A_598 = arith.addi %mul3A_596, %add3A_597 : i32
    %dma_start3A_599 = arith.constant 0 : i32
    %dma_start3A_600 = tpu.memref_slice %arg10[%add3A_598, %dma_start3A_599] : memref<10000x128xf32, #tpu.memory_space<vmem_shared>> -> memref<25x128xf32, #tpu.memory_space<vmem_shared>>
    %dma_start3A_601 = arith.constant 0 : i32
    %dma_start3A_602 = tpu.memref_slice %arg10[%add3A_598, %dma_start3A_601] : memref<10000x128xf32, #tpu.memory_space<vmem_shared>> -> memref<25x128xf32, #tpu.memory_space<vmem_shared>>
    tpu.enqueue_dma source(%arg9 : memref<25x128xf32, #tpu.memory_space<vmem>>) target(%dma_start3A_602 : memref<25x128xf32, #tpu.memory_space<vmem_shared>>) target_semaphore(%arg11 : memref<!tpu.dma_semaphore, #tpu.memory_space<semaphore_mem>>)
    %mul3A_603 = arith.constant 625 : i32
    %mul3A_604 = arith.muli %arg1, %mul3A_603 : i32
    %add3A_605 = arith.constant 350 : i32
    %add3A_606 = arith.addi %mul3A_604, %add3A_605 : i32
    %dma_start3A_607 = arith.constant 0 : i32
    %dma_start3A_608 = tpu.memref_slice %arg10[%add3A_606, %dma_start3A_607] : memref<10000x128xf32, #tpu.memory_space<vmem_shared>> -> memref<25x128xf32, #tpu.memory_space<vmem_shared>>
    %dma_start3A_609 = arith.constant 0 : i32
    %dma_start3A_610 = tpu.memref_slice %arg10[%add3A_606, %dma_start3A_609] : memref<10000x128xf32, #tpu.memory_space<vmem_shared>> -> memref<25x128xf32, #tpu.memory_space<vmem_shared>>
    tpu.enqueue_dma source(%arg9 : memref<25x128xf32, #tpu.memory_space<vmem>>) target(%dma_start3A_610 : memref<25x128xf32, #tpu.memory_space<vmem_shared>>) target_semaphore(%arg11 : memref<!tpu.dma_semaphore, #tpu.memory_space<semaphore_mem>>)
    %mul3A_611 = arith.constant 625 : i32
    %mul3A_612 = arith.muli %arg1, %mul3A_611 : i32
    %add3A_613 = arith.constant 375 : i32
    %add3A_614 = arith.addi %mul3A_612, %add3A_613 : i32
    %dma_start3A_615 = arith.constant 0 : i32
    %dma_start3A_616 = tpu.memref_slice %arg10[%add3A_614, %dma_start3A_615] : memref<10000x128xf32, #tpu.memory_space<vmem_shared>> -> memref<25x128xf32, #tpu.memory_space<vmem_shared>>
    %dma_start3A_617 = arith.constant 0 : i32
    %dma_start3A_618 = tpu.memref_slice %arg10[%add3A_614, %dma_start3A_617] : memref<10000x128xf32, #tpu.memory_space<vmem_shared>> -> memref<25x128xf32, #tpu.memory_space<vmem_shared>>
    tpu.enqueue_dma source(%arg9 : memref<25x128xf32, #tpu.memory_space<vmem>>) target(%dma_start3A_618 : memref<25x128xf32, #tpu.memory_space<vmem_shared>>) target_semaphore(%arg11 : memref<!tpu.dma_semaphore, #tpu.memory_space<semaphore_mem>>)
    %mul3A_619 = arith.constant 625 : i32
    %mul3A_620 = arith.muli %arg1, %mul3A_619 : i32
    %add3A_621 = arith.constant 400 : i32
    %add3A_622 = arith.addi %mul3A_620, %add3A_621 : i32
    %dma_start3A_623 = arith.constant 0 : i32
    %dma_start3A_624 = tpu.memref_slice %arg10[%add3A_622, %dma_start3A_623] : memref<10000x128xf32, #tpu.memory_space<vmem_shared>> -> memref<25x128xf32, #tpu.memory_space<vmem_shared>>
    %dma_start3A_625 = arith.constant 0 : i32
    %dma_start3A_626 = tpu.memref_slice %arg10[%add3A_622, %dma_start3A_625] : memref<10000x128xf32, #tpu.memory_space<vmem_shared>> -> memref<25x128xf32, #tpu.memory_space<vmem_shared>>
    tpu.enqueue_dma source(%arg9 : memref<25x128xf32, #tpu.memory_space<vmem>>) target(%dma_start3A_626 : memref<25x128xf32, #tpu.memory_space<vmem_shared>>) target_semaphore(%arg11 : memref<!tpu.dma_semaphore, #tpu.memory_space<semaphore_mem>>)
    %mul3A_627 = arith.constant 625 : i32
    %mul3A_628 = arith.muli %arg1, %mul3A_627 : i32
    %add3A_629 = arith.constant 425 : i32
    %add3A_630 = arith.addi %mul3A_628, %add3A_629 : i32
    %dma_start3A_631 = arith.constant 0 : i32
    %dma_start3A_632 = tpu.memref_slice %arg10[%add3A_630, %dma_start3A_631] : memref<10000x128xf32, #tpu.memory_space<vmem_shared>> -> memref<25x128xf32, #tpu.memory_space<vmem_shared>>
    %dma_start3A_633 = arith.constant 0 : i32
    %dma_start3A_634 = tpu.memref_slice %arg10[%add3A_630, %dma_start3A_633] : memref<10000x128xf32, #tpu.memory_space<vmem_shared>> -> memref<25x128xf32, #tpu.memory_space<vmem_shared>>
    tpu.enqueue_dma source(%arg9 : memref<25x128xf32, #tpu.memory_space<vmem>>) target(%dma_start3A_634 : memref<25x128xf32, #tpu.memory_space<vmem_shared>>) target_semaphore(%arg11 : memref<!tpu.dma_semaphore, #tpu.memory_space<semaphore_mem>>)
    %mul3A_635 = arith.constant 625 : i32
    %mul3A_636 = arith.muli %arg1, %mul3A_635 : i32
    %add3A_637 = arith.constant 450 : i32
    %add3A_638 = arith.addi %mul3A_636, %add3A_637 : i32
    %dma_start3A_639 = arith.constant 0 : i32
    %dma_start3A_640 = tpu.memref_slice %arg10[%add3A_638, %dma_start3A_639] : memref<10000x128xf32, #tpu.memory_space<vmem_shared>> -> memref<25x128xf32, #tpu.memory_space<vmem_shared>>
    %dma_start3A_641 = arith.constant 0 : i32
    %dma_start3A_642 = tpu.memref_slice %arg10[%add3A_638, %dma_start3A_641] : memref<10000x128xf32, #tpu.memory_space<vmem_shared>> -> memref<25x128xf32, #tpu.memory_space<vmem_shared>>
    tpu.enqueue_dma source(%arg9 : memref<25x128xf32, #tpu.memory_space<vmem>>) target(%dma_start3A_642 : memref<25x128xf32, #tpu.memory_space<vmem_shared>>) target_semaphore(%arg11 : memref<!tpu.dma_semaphore, #tpu.memory_space<semaphore_mem>>)
    %mul3A_643 = arith.constant 625 : i32
    %mul3A_644 = arith.muli %arg1, %mul3A_643 : i32
    %add3A_645 = arith.constant 475 : i32
    %add3A_646 = arith.addi %mul3A_644, %add3A_645 : i32
    %dma_start3A_647 = arith.constant 0 : i32
    %dma_start3A_648 = tpu.memref_slice %arg10[%add3A_646, %dma_start3A_647] : memref<10000x128xf32, #tpu.memory_space<vmem_shared>> -> memref<25x128xf32, #tpu.memory_space<vmem_shared>>
    %dma_start3A_649 = arith.constant 0 : i32
    %dma_start3A_650 = tpu.memref_slice %arg10[%add3A_646, %dma_start3A_649] : memref<10000x128xf32, #tpu.memory_space<vmem_shared>> -> memref<25x128xf32, #tpu.memory_space<vmem_shared>>
    tpu.enqueue_dma source(%arg9 : memref<25x128xf32, #tpu.memory_space<vmem>>) target(%dma_start3A_650 : memref<25x128xf32, #tpu.memory_space<vmem_shared>>) target_semaphore(%arg11 : memref<!tpu.dma_semaphore, #tpu.memory_space<semaphore_mem>>)
    %mul3A_651 = arith.constant 625 : i32
    %mul3A_652 = arith.muli %arg1, %mul3A_651 : i32
    %add3A_653 = arith.constant 500 : i32
    %add3A_654 = arith.addi %mul3A_652, %add3A_653 : i32
    %dma_start3A_655 = arith.constant 0 : i32
    %dma_start3A_656 = tpu.memref_slice %arg10[%add3A_654, %dma_start3A_655] : memref<10000x128xf32, #tpu.memory_space<vmem_shared>> -> memref<25x128xf32, #tpu.memory_space<vmem_shared>>
    %dma_start3A_657 = arith.constant 0 : i32
    %dma_start3A_658 = tpu.memref_slice %arg10[%add3A_654, %dma_start3A_657] : memref<10000x128xf32, #tpu.memory_space<vmem_shared>> -> memref<25x128xf32, #tpu.memory_space<vmem_shared>>
    tpu.enqueue_dma source(%arg9 : memref<25x128xf32, #tpu.memory_space<vmem>>) target(%dma_start3A_658 : memref<25x128xf32, #tpu.memory_space<vmem_shared>>) target_semaphore(%arg11 : memref<!tpu.dma_semaphore, #tpu.memory_space<semaphore_mem>>)
    %mul3A_659 = arith.constant 625 : i32
    %mul3A_660 = arith.muli %arg1, %mul3A_659 : i32
    %add3A_661 = arith.constant 525 : i32
    %add3A_662 = arith.addi %mul3A_660, %add3A_661 : i32
    %dma_start3A_663 = arith.constant 0 : i32
    %dma_start3A_664 = tpu.memref_slice %arg10[%add3A_662, %dma_start3A_663] : memref<10000x128xf32, #tpu.memory_space<vmem_shared>> -> memref<25x128xf32, #tpu.memory_space<vmem_shared>>
    %dma_start3A_665 = arith.constant 0 : i32
    %dma_start3A_666 = tpu.memref_slice %arg10[%add3A_662, %dma_start3A_665] : memref<10000x128xf32, #tpu.memory_space<vmem_shared>> -> memref<25x128xf32, #tpu.memory_space<vmem_shared>>
    tpu.enqueue_dma source(%arg9 : memref<25x128xf32, #tpu.memory_space<vmem>>) target(%dma_start3A_666 : memref<25x128xf32, #tpu.memory_space<vmem_shared>>) target_semaphore(%arg11 : memref<!tpu.dma_semaphore, #tpu.memory_space<semaphore_mem>>)
    %mul3A_667 = arith.constant 625 : i32
    %mul3A_668 = arith.muli %arg1, %mul3A_667 : i32
    %add3A_669 = arith.constant 550 : i32
    %add3A_670 = arith.addi %mul3A_668, %add3A_669 : i32
    %dma_start3A_671 = arith.constant 0 : i32
    %dma_start3A_672 = tpu.memref_slice %arg10[%add3A_670, %dma_start3A_671] : memref<10000x128xf32, #tpu.memory_space<vmem_shared>> -> memref<25x128xf32, #tpu.memory_space<vmem_shared>>
    %dma_start3A_673 = arith.constant 0 : i32
    %dma_start3A_674 = tpu.memref_slice %arg10[%add3A_670, %dma_start3A_673] : memref<10000x128xf32, #tpu.memory_space<vmem_shared>> -> memref<25x128xf32, #tpu.memory_space<vmem_shared>>
    tpu.enqueue_dma source(%arg9 : memref<25x128xf32, #tpu.memory_space<vmem>>) target(%dma_start3A_674 : memref<25x128xf32, #tpu.memory_space<vmem_shared>>) target_semaphore(%arg11 : memref<!tpu.dma_semaphore, #tpu.memory_space<semaphore_mem>>)
    %mul3A_675 = arith.constant 625 : i32
    %mul3A_676 = arith.muli %arg1, %mul3A_675 : i32
    %add3A_677 = arith.constant 575 : i32
    %add3A_678 = arith.addi %mul3A_676, %add3A_677 : i32
    %dma_start3A_679 = arith.constant 0 : i32
    %dma_start3A_680 = tpu.memref_slice %arg10[%add3A_678, %dma_start3A_679] : memref<10000x128xf32, #tpu.memory_space<vmem_shared>> -> memref<25x128xf32, #tpu.memory_space<vmem_shared>>
    %dma_start3A_681 = arith.constant 0 : i32
    %dma_start3A_682 = tpu.memref_slice %arg10[%add3A_678, %dma_start3A_681] : memref<10000x128xf32, #tpu.memory_space<vmem_shared>> -> memref<25x128xf32, #tpu.memory_space<vmem_shared>>
    tpu.enqueue_dma source(%arg9 : memref<25x128xf32, #tpu.memory_space<vmem>>) target(%dma_start3A_682 : memref<25x128xf32, #tpu.memory_space<vmem_shared>>) target_semaphore(%arg11 : memref<!tpu.dma_semaphore, #tpu.memory_space<semaphore_mem>>)
    %mul3A_683 = arith.constant 625 : i32
    %mul3A_684 = arith.muli %arg1, %mul3A_683 : i32
    %add3A_685 = arith.constant 600 : i32
    %add3A_686 = arith.addi %mul3A_684, %add3A_685 : i32
    %dma_start3A_687 = arith.constant 0 : i32
    %dma_start3A_688 = tpu.memref_slice %arg10[%add3A_686, %dma_start3A_687] : memref<10000x128xf32, #tpu.memory_space<vmem_shared>> -> memref<25x128xf32, #tpu.memory_space<vmem_shared>>
    %dma_start3A_689 = arith.constant 0 : i32
    %dma_start3A_690 = tpu.memref_slice %arg10[%add3A_686, %dma_start3A_689] : memref<10000x128xf32, #tpu.memory_space<vmem_shared>> -> memref<25x128xf32, #tpu.memory_space<vmem_shared>>
    tpu.enqueue_dma source(%arg9 : memref<25x128xf32, #tpu.memory_space<vmem>>) target(%dma_start3A_690 : memref<25x128xf32, #tpu.memory_space<vmem_shared>>) target_semaphore(%arg11 : memref<!tpu.dma_semaphore, #tpu.memory_space<semaphore_mem>>)
    %dma_start3A_691 = arith.constant 0 : i32
    %dma_start3A_692 = arith.constant 0 : i32
    %dma_start3A_693 = arith.constant 0 : i32
    %dma_start3A_694 = tpu.memref_slice %arg3[%add3A_490, %dma_start3A_691, %arg1, %dma_start3A_692, %dma_start3A_693] : memref<4x2x16x40x125xi32, #tpu.memory_space<hbm>> -> memref<1x1x1x40x125xi32, #tpu.memory_space<hbm>>
    %dma_start3A_695 = tpu.memref_squeeze %dma_start3A_694 : memref<1x1x1x40x125xi32, #tpu.memory_space<hbm>> -> memref<40x125xi32, #tpu.memory_space<hbm>>
    %dma_start3A_696 = arith.constant 0 : i32
    %dma_start3A_697 = arith.constant 0 : i32
    %dma_start3A_698 = tpu.memref_slice %arg3[%add3A_490, %dma_start3A_691, %arg1, %dma_start3A_696, %dma_start3A_697] : memref<4x2x16x40x125xi32, #tpu.memory_space<hbm>> -> memref<1x1x1x40x125xi32, #tpu.memory_space<hbm>>
    %dma_start3A_699 = tpu.memref_squeeze %dma_start3A_698 : memref<1x1x1x40x125xi32, #tpu.memory_space<hbm>> -> memref<40x125xi32, #tpu.memory_space<hbm>>
    tpu.enqueue_dma source(%dma_start3A_699 : memref<40x125xi32, #tpu.memory_space<hbm>>) target(%arg5 : memref<40x125xi32, #tpu.memory_space<vmem>>) target_semaphore(%arg12 : memref<!tpu.dma_semaphore, #tpu.memory_space<semaphore_mem>>)
    %dma_start3A_700 = arith.constant 1 : i32
    %dma_start3A_701 = arith.constant 0 : i32
    %dma_start3A_702 = arith.constant 0 : i32
    %dma_start3A_703 = tpu.memref_slice %arg3[%add3A_490, %dma_start3A_700, %arg1, %dma_start3A_701, %dma_start3A_702] : memref<4x2x16x40x125xi32, #tpu.memory_space<hbm>> -> memref<1x1x1x40x125xi32, #tpu.memory_space<hbm>>
    %dma_start3A_704 = tpu.memref_squeeze %dma_start3A_703 : memref<1x1x1x40x125xi32, #tpu.memory_space<hbm>> -> memref<40x125xi32, #tpu.memory_space<hbm>>
    %dma_start3A_705 = arith.constant 0 : i32
    %dma_start3A_706 = arith.constant 0 : i32
    %dma_start3A_707 = tpu.memref_slice %arg3[%add3A_490, %dma_start3A_700, %arg1, %dma_start3A_705, %dma_start3A_706] : memref<4x2x16x40x125xi32, #tpu.memory_space<hbm>> -> memref<1x1x1x40x125xi32, #tpu.memory_space<hbm>>
    %dma_start3A_708 = tpu.memref_squeeze %dma_start3A_707 : memref<1x1x1x40x125xi32, #tpu.memory_space<hbm>> -> memref<40x125xi32, #tpu.memory_space<hbm>>
    tpu.enqueue_dma source(%dma_start3A_708 : memref<40x125xi32, #tpu.memory_space<hbm>>) target(%arg6 : memref<40x125xi32, #tpu.memory_space<vmem>>) target_semaphore(%arg12 : memref<!tpu.dma_semaphore, #tpu.memory_space<semaphore_mem>>)
    %mul3A_709 = arith.constant 625 : i32
    %mul3A_710 = arith.muli %arg1, %mul3A_709 : i32
    %add3A_711 = arith.constant 0 : i32
    %add3A_712 = arith.addi %mul3A_710, %add3A_711 : i32
    %dma_wait3A_713 = arith.constant 0 : i32
    %dma_wait3A_714 = tpu.memref_slice %arg10[%add3A_712, %dma_wait3A_713] : memref<10000x128xf32, #tpu.memory_space<vmem_shared>> -> memref<25x128xf32, #tpu.memory_space<vmem_shared>>
    %dma_wait3A_715 = arith.constant 0 : i32
    %dma_wait3A_716 = tpu.memref_slice %arg10[%add3A_712, %dma_wait3A_715] : memref<10000x128xf32, #tpu.memory_space<vmem_shared>> -> memref<25x128xf32, #tpu.memory_space<vmem_shared>>
    tpu.wait_dma2 semaphore(%arg11 : memref<!tpu.dma_semaphore, #tpu.memory_space<semaphore_mem>>) src(%arg9 : memref<25x128xf32, #tpu.memory_space<vmem>>) dst(%dma_wait3A_716 : memref<25x128xf32, #tpu.memory_space<vmem_shared>>)
    %mul3A_717 = arith.constant 625 : i32
    %mul3A_718 = arith.muli %arg1, %mul3A_717 : i32
    %add3A_719 = arith.constant 25 : i32
    %add3A_720 = arith.addi %mul3A_718, %add3A_719 : i32
    %dma_wait3A_721 = arith.constant 0 : i32
    %dma_wait3A_722 = tpu.memref_slice %arg10[%add3A_720, %dma_wait3A_721] : memref<10000x128xf32, #tpu.memory_space<vmem_shared>> -> memref<25x128xf32, #tpu.memory_space<vmem_shared>>
    %dma_wait3A_723 = arith.constant 0 : i32
    %dma_wait3A_724 = tpu.memref_slice %arg10[%add3A_720, %dma_wait3A_723] : memref<10000x128xf32, #tpu.memory_space<vmem_shared>> -> memref<25x128xf32, #tpu.memory_space<vmem_shared>>
    tpu.wait_dma2 semaphore(%arg11 : memref<!tpu.dma_semaphore, #tpu.memory_space<semaphore_mem>>) src(%arg9 : memref<25x128xf32, #tpu.memory_space<vmem>>) dst(%dma_wait3A_724 : memref<25x128xf32, #tpu.memory_space<vmem_shared>>)
    %mul3A_725 = arith.constant 625 : i32
    %mul3A_726 = arith.muli %arg1, %mul3A_725 : i32
    %add3A_727 = arith.constant 50 : i32
    %add3A_728 = arith.addi %mul3A_726, %add3A_727 : i32
    %dma_wait3A_729 = arith.constant 0 : i32
    %dma_wait3A_730 = tpu.memref_slice %arg10[%add3A_728, %dma_wait3A_729] : memref<10000x128xf32, #tpu.memory_space<vmem_shared>> -> memref<25x128xf32, #tpu.memory_space<vmem_shared>>
    %dma_wait3A_731 = arith.constant 0 : i32
    %dma_wait3A_732 = tpu.memref_slice %arg10[%add3A_728, %dma_wait3A_731] : memref<10000x128xf32, #tpu.memory_space<vmem_shared>> -> memref<25x128xf32, #tpu.memory_space<vmem_shared>>
    tpu.wait_dma2 semaphore(%arg11 : memref<!tpu.dma_semaphore, #tpu.memory_space<semaphore_mem>>) src(%arg9 : memref<25x128xf32, #tpu.memory_space<vmem>>) dst(%dma_wait3A_732 : memref<25x128xf32, #tpu.memory_space<vmem_shared>>)
    %mul3A_733 = arith.constant 625 : i32
    %mul3A_734 = arith.muli %arg1, %mul3A_733 : i32
    %add3A_735 = arith.constant 75 : i32
    %add3A_736 = arith.addi %mul3A_734, %add3A_735 : i32
    %dma_wait3A_737 = arith.constant 0 : i32
    %dma_wait3A_738 = tpu.memref_slice %arg10[%add3A_736, %dma_wait3A_737] : memref<10000x128xf32, #tpu.memory_space<vmem_shared>> -> memref<25x128xf32, #tpu.memory_space<vmem_shared>>
    %dma_wait3A_739 = arith.constant 0 : i32
    %dma_wait3A_740 = tpu.memref_slice %arg10[%add3A_736, %dma_wait3A_739] : memref<10000x128xf32, #tpu.memory_space<vmem_shared>> -> memref<25x128xf32, #tpu.memory_space<vmem_shared>>
    tpu.wait_dma2 semaphore(%arg11 : memref<!tpu.dma_semaphore, #tpu.memory_space<semaphore_mem>>) src(%arg9 : memref<25x128xf32, #tpu.memory_space<vmem>>) dst(%dma_wait3A_740 : memref<25x128xf32, #tpu.memory_space<vmem_shared>>)
    %mul3A_741 = arith.constant 625 : i32
    %mul3A_742 = arith.muli %arg1, %mul3A_741 : i32
    %add3A_743 = arith.constant 100 : i32
    %add3A_744 = arith.addi %mul3A_742, %add3A_743 : i32
    %dma_wait3A_745 = arith.constant 0 : i32
    %dma_wait3A_746 = tpu.memref_slice %arg10[%add3A_744, %dma_wait3A_745] : memref<10000x128xf32, #tpu.memory_space<vmem_shared>> -> memref<25x128xf32, #tpu.memory_space<vmem_shared>>
    %dma_wait3A_747 = arith.constant 0 : i32
    %dma_wait3A_748 = tpu.memref_slice %arg10[%add3A_744, %dma_wait3A_747] : memref<10000x128xf32, #tpu.memory_space<vmem_shared>> -> memref<25x128xf32, #tpu.memory_space<vmem_shared>>
    tpu.wait_dma2 semaphore(%arg11 : memref<!tpu.dma_semaphore, #tpu.memory_space<semaphore_mem>>) src(%arg9 : memref<25x128xf32, #tpu.memory_space<vmem>>) dst(%dma_wait3A_748 : memref<25x128xf32, #tpu.memory_space<vmem_shared>>)
    %mul3A_749 = arith.constant 625 : i32
    %mul3A_750 = arith.muli %arg1, %mul3A_749 : i32
    %add3A_751 = arith.constant 125 : i32
    %add3A_752 = arith.addi %mul3A_750, %add3A_751 : i32
    %dma_wait3A_753 = arith.constant 0 : i32
    %dma_wait3A_754 = tpu.memref_slice %arg10[%add3A_752, %dma_wait3A_753] : memref<10000x128xf32, #tpu.memory_space<vmem_shared>> -> memref<25x128xf32, #tpu.memory_space<vmem_shared>>
    %dma_wait3A_755 = arith.constant 0 : i32
    %dma_wait3A_756 = tpu.memref_slice %arg10[%add3A_752, %dma_wait3A_755] : memref<10000x128xf32, #tpu.memory_space<vmem_shared>> -> memref<25x128xf32, #tpu.memory_space<vmem_shared>>
    tpu.wait_dma2 semaphore(%arg11 : memref<!tpu.dma_semaphore, #tpu.memory_space<semaphore_mem>>) src(%arg9 : memref<25x128xf32, #tpu.memory_space<vmem>>) dst(%dma_wait3A_756 : memref<25x128xf32, #tpu.memory_space<vmem_shared>>)
    %mul3A_757 = arith.constant 625 : i32
    %mul3A_758 = arith.muli %arg1, %mul3A_757 : i32
    %add3A_759 = arith.constant 150 : i32
    %add3A_760 = arith.addi %mul3A_758, %add3A_759 : i32
    %dma_wait3A_761 = arith.constant 0 : i32
    %dma_wait3A_762 = tpu.memref_slice %arg10[%add3A_760, %dma_wait3A_761] : memref<10000x128xf32, #tpu.memory_space<vmem_shared>> -> memref<25x128xf32, #tpu.memory_space<vmem_shared>>
    %dma_wait3A_763 = arith.constant 0 : i32
    %dma_wait3A_764 = tpu.memref_slice %arg10[%add3A_760, %dma_wait3A_763] : memref<10000x128xf32, #tpu.memory_space<vmem_shared>> -> memref<25x128xf32, #tpu.memory_space<vmem_shared>>
    tpu.wait_dma2 semaphore(%arg11 : memref<!tpu.dma_semaphore, #tpu.memory_space<semaphore_mem>>) src(%arg9 : memref<25x128xf32, #tpu.memory_space<vmem>>) dst(%dma_wait3A_764 : memref<25x128xf32, #tpu.memory_space<vmem_shared>>)
    %mul3A_765 = arith.constant 625 : i32
    %mul3A_766 = arith.muli %arg1, %mul3A_765 : i32
    %add3A_767 = arith.constant 175 : i32
    %add3A_768 = arith.addi %mul3A_766, %add3A_767 : i32
    %dma_wait3A_769 = arith.constant 0 : i32
    %dma_wait3A_770 = tpu.memref_slice %arg10[%add3A_768, %dma_wait3A_769] : memref<10000x128xf32, #tpu.memory_space<vmem_shared>> -> memref<25x128xf32, #tpu.memory_space<vmem_shared>>
    %dma_wait3A_771 = arith.constant 0 : i32
    %dma_wait3A_772 = tpu.memref_slice %arg10[%add3A_768, %dma_wait3A_771] : memref<10000x128xf32, #tpu.memory_space<vmem_shared>> -> memref<25x128xf32, #tpu.memory_space<vmem_shared>>
    tpu.wait_dma2 semaphore(%arg11 : memref<!tpu.dma_semaphore, #tpu.memory_space<semaphore_mem>>) src(%arg9 : memref<25x128xf32, #tpu.memory_space<vmem>>) dst(%dma_wait3A_772 : memref<25x128xf32, #tpu.memory_space<vmem_shared>>)
    %mul3A_773 = arith.constant 625 : i32
    %mul3A_774 = arith.muli %arg1, %mul3A_773 : i32
    %add3A_775 = arith.constant 200 : i32
    %add3A_776 = arith.addi %mul3A_774, %add3A_775 : i32
    %dma_wait3A_777 = arith.constant 0 : i32
    %dma_wait3A_778 = tpu.memref_slice %arg10[%add3A_776, %dma_wait3A_777] : memref<10000x128xf32, #tpu.memory_space<vmem_shared>> -> memref<25x128xf32, #tpu.memory_space<vmem_shared>>
    %dma_wait3A_779 = arith.constant 0 : i32
    %dma_wait3A_780 = tpu.memref_slice %arg10[%add3A_776, %dma_wait3A_779] : memref<10000x128xf32, #tpu.memory_space<vmem_shared>> -> memref<25x128xf32, #tpu.memory_space<vmem_shared>>
    tpu.wait_dma2 semaphore(%arg11 : memref<!tpu.dma_semaphore, #tpu.memory_space<semaphore_mem>>) src(%arg9 : memref<25x128xf32, #tpu.memory_space<vmem>>) dst(%dma_wait3A_780 : memref<25x128xf32, #tpu.memory_space<vmem_shared>>)
    %mul3A_781 = arith.constant 625 : i32
    %mul3A_782 = arith.muli %arg1, %mul3A_781 : i32
    %add3A_783 = arith.constant 225 : i32
    %add3A_784 = arith.addi %mul3A_782, %add3A_783 : i32
    %dma_wait3A_785 = arith.constant 0 : i32
    %dma_wait3A_786 = tpu.memref_slice %arg10[%add3A_784, %dma_wait3A_785] : memref<10000x128xf32, #tpu.memory_space<vmem_shared>> -> memref<25x128xf32, #tpu.memory_space<vmem_shared>>
    %dma_wait3A_787 = arith.constant 0 : i32
    %dma_wait3A_788 = tpu.memref_slice %arg10[%add3A_784, %dma_wait3A_787] : memref<10000x128xf32, #tpu.memory_space<vmem_shared>> -> memref<25x128xf32, #tpu.memory_space<vmem_shared>>
    tpu.wait_dma2 semaphore(%arg11 : memref<!tpu.dma_semaphore, #tpu.memory_space<semaphore_mem>>) src(%arg9 : memref<25x128xf32, #tpu.memory_space<vmem>>) dst(%dma_wait3A_788 : memref<25x128xf32, #tpu.memory_space<vmem_shared>>)
    %mul3A_789 = arith.constant 625 : i32
    %mul3A_790 = arith.muli %arg1, %mul3A_789 : i32
    %add3A_791 = arith.constant 250 : i32
    %add3A_792 = arith.addi %mul3A_790, %add3A_791 : i32
    %dma_wait3A_793 = arith.constant 0 : i32
    %dma_wait3A_794 = tpu.memref_slice %arg10[%add3A_792, %dma_wait3A_793] : memref<10000x128xf32, #tpu.memory_space<vmem_shared>> -> memref<25x128xf32, #tpu.memory_space<vmem_shared>>
    %dma_wait3A_795 = arith.constant 0 : i32
    %dma_wait3A_796 = tpu.memref_slice %arg10[%add3A_792, %dma_wait3A_795] : memref<10000x128xf32, #tpu.memory_space<vmem_shared>> -> memref<25x128xf32, #tpu.memory_space<vmem_shared>>
    tpu.wait_dma2 semaphore(%arg11 : memref<!tpu.dma_semaphore, #tpu.memory_space<semaphore_mem>>) src(%arg9 : memref<25x128xf32, #tpu.memory_space<vmem>>) dst(%dma_wait3A_796 : memref<25x128xf32, #tpu.memory_space<vmem_shared>>)
    %mul3A_797 = arith.constant 625 : i32
    %mul3A_798 = arith.muli %arg1, %mul3A_797 : i32
    %add3A_799 = arith.constant 275 : i32
    %add3A_800 = arith.addi %mul3A_798, %add3A_799 : i32
    %dma_wait3A_801 = arith.constant 0 : i32
    %dma_wait3A_802 = tpu.memref_slice %arg10[%add3A_800, %dma_wait3A_801] : memref<10000x128xf32, #tpu.memory_space<vmem_shared>> -> memref<25x128xf32, #tpu.memory_space<vmem_shared>>
    %dma_wait3A_803 = arith.constant 0 : i32
    %dma_wait3A_804 = tpu.memref_slice %arg10[%add3A_800, %dma_wait3A_803] : memref<10000x128xf32, #tpu.memory_space<vmem_shared>> -> memref<25x128xf32, #tpu.memory_space<vmem_shared>>
    tpu.wait_dma2 semaphore(%arg11 : memref<!tpu.dma_semaphore, #tpu.memory_space<semaphore_mem>>) src(%arg9 : memref<25x128xf32, #tpu.memory_space<vmem>>) dst(%dma_wait3A_804 : memref<25x128xf32, #tpu.memory_space<vmem_shared>>)
    %mul3A_805 = arith.constant 625 : i32
    %mul3A_806 = arith.muli %arg1, %mul3A_805 : i32
    %add3A_807 = arith.constant 300 : i32
    %add3A_808 = arith.addi %mul3A_806, %add3A_807 : i32
    %dma_wait3A_809 = arith.constant 0 : i32
    %dma_wait3A_810 = tpu.memref_slice %arg10[%add3A_808, %dma_wait3A_809] : memref<10000x128xf32, #tpu.memory_space<vmem_shared>> -> memref<25x128xf32, #tpu.memory_space<vmem_shared>>
    %dma_wait3A_811 = arith.constant 0 : i32
    %dma_wait3A_812 = tpu.memref_slice %arg10[%add3A_808, %dma_wait3A_811] : memref<10000x128xf32, #tpu.memory_space<vmem_shared>> -> memref<25x128xf32, #tpu.memory_space<vmem_shared>>
    tpu.wait_dma2 semaphore(%arg11 : memref<!tpu.dma_semaphore, #tpu.memory_space<semaphore_mem>>) src(%arg9 : memref<25x128xf32, #tpu.memory_space<vmem>>) dst(%dma_wait3A_812 : memref<25x128xf32, #tpu.memory_space<vmem_shared>>)
    %mul3A_813 = arith.constant 625 : i32
    %mul3A_814 = arith.muli %arg1, %mul3A_813 : i32
    %add3A_815 = arith.constant 325 : i32
    %add3A_816 = arith.addi %mul3A_814, %add3A_815 : i32
    %dma_wait3A_817 = arith.constant 0 : i32
    %dma_wait3A_818 = tpu.memref_slice %arg10[%add3A_816, %dma_wait3A_817] : memref<10000x128xf32, #tpu.memory_space<vmem_shared>> -> memref<25x128xf32, #tpu.memory_space<vmem_shared>>
    %dma_wait3A_819 = arith.constant 0 : i32
    %dma_wait3A_820 = tpu.memref_slice %arg10[%add3A_816, %dma_wait3A_819] : memref<10000x128xf32, #tpu.memory_space<vmem_shared>> -> memref<25x128xf32, #tpu.memory_space<vmem_shared>>
    tpu.wait_dma2 semaphore(%arg11 : memref<!tpu.dma_semaphore, #tpu.memory_space<semaphore_mem>>) src(%arg9 : memref<25x128xf32, #tpu.memory_space<vmem>>) dst(%dma_wait3A_820 : memref<25x128xf32, #tpu.memory_space<vmem_shared>>)
    %mul3A_821 = arith.constant 625 : i32
    %mul3A_822 = arith.muli %arg1, %mul3A_821 : i32
    %add3A_823 = arith.constant 350 : i32
    %add3A_824 = arith.addi %mul3A_822, %add3A_823 : i32
    %dma_wait3A_825 = arith.constant 0 : i32
    %dma_wait3A_826 = tpu.memref_slice %arg10[%add3A_824, %dma_wait3A_825] : memref<10000x128xf32, #tpu.memory_space<vmem_shared>> -> memref<25x128xf32, #tpu.memory_space<vmem_shared>>
    %dma_wait3A_827 = arith.constant 0 : i32
    %dma_wait3A_828 = tpu.memref_slice %arg10[%add3A_824, %dma_wait3A_827] : memref<10000x128xf32, #tpu.memory_space<vmem_shared>> -> memref<25x128xf32, #tpu.memory_space<vmem_shared>>
    tpu.wait_dma2 semaphore(%arg11 : memref<!tpu.dma_semaphore, #tpu.memory_space<semaphore_mem>>) src(%arg9 : memref<25x128xf32, #tpu.memory_space<vmem>>) dst(%dma_wait3A_828 : memref<25x128xf32, #tpu.memory_space<vmem_shared>>)
    %mul3A_829 = arith.constant 625 : i32
    %mul3A_830 = arith.muli %arg1, %mul3A_829 : i32
    %add3A_831 = arith.constant 375 : i32
    %add3A_832 = arith.addi %mul3A_830, %add3A_831 : i32
    %dma_wait3A_833 = arith.constant 0 : i32
    %dma_wait3A_834 = tpu.memref_slice %arg10[%add3A_832, %dma_wait3A_833] : memref<10000x128xf32, #tpu.memory_space<vmem_shared>> -> memref<25x128xf32, #tpu.memory_space<vmem_shared>>
    %dma_wait3A_835 = arith.constant 0 : i32
    %dma_wait3A_836 = tpu.memref_slice %arg10[%add3A_832, %dma_wait3A_835] : memref<10000x128xf32, #tpu.memory_space<vmem_shared>> -> memref<25x128xf32, #tpu.memory_space<vmem_shared>>
    tpu.wait_dma2 semaphore(%arg11 : memref<!tpu.dma_semaphore, #tpu.memory_space<semaphore_mem>>) src(%arg9 : memref<25x128xf32, #tpu.memory_space<vmem>>) dst(%dma_wait3A_836 : memref<25x128xf32, #tpu.memory_space<vmem_shared>>)
    %mul3A_837 = arith.constant 625 : i32
    %mul3A_838 = arith.muli %arg1, %mul3A_837 : i32
    %add3A_839 = arith.constant 400 : i32
    %add3A_840 = arith.addi %mul3A_838, %add3A_839 : i32
    %dma_wait3A_841 = arith.constant 0 : i32
    %dma_wait3A_842 = tpu.memref_slice %arg10[%add3A_840, %dma_wait3A_841] : memref<10000x128xf32, #tpu.memory_space<vmem_shared>> -> memref<25x128xf32, #tpu.memory_space<vmem_shared>>
    %dma_wait3A_843 = arith.constant 0 : i32
    %dma_wait3A_844 = tpu.memref_slice %arg10[%add3A_840, %dma_wait3A_843] : memref<10000x128xf32, #tpu.memory_space<vmem_shared>> -> memref<25x128xf32, #tpu.memory_space<vmem_shared>>
    tpu.wait_dma2 semaphore(%arg11 : memref<!tpu.dma_semaphore, #tpu.memory_space<semaphore_mem>>) src(%arg9 : memref<25x128xf32, #tpu.memory_space<vmem>>) dst(%dma_wait3A_844 : memref<25x128xf32, #tpu.memory_space<vmem_shared>>)
    %mul3A_845 = arith.constant 625 : i32
    %mul3A_846 = arith.muli %arg1, %mul3A_845 : i32
    %add3A_847 = arith.constant 425 : i32
    %add3A_848 = arith.addi %mul3A_846, %add3A_847 : i32
    %dma_wait3A_849 = arith.constant 0 : i32
    %dma_wait3A_850 = tpu.memref_slice %arg10[%add3A_848, %dma_wait3A_849] : memref<10000x128xf32, #tpu.memory_space<vmem_shared>> -> memref<25x128xf32, #tpu.memory_space<vmem_shared>>
    %dma_wait3A_851 = arith.constant 0 : i32
    %dma_wait3A_852 = tpu.memref_slice %arg10[%add3A_848, %dma_wait3A_851] : memref<10000x128xf32, #tpu.memory_space<vmem_shared>> -> memref<25x128xf32, #tpu.memory_space<vmem_shared>>
    tpu.wait_dma2 semaphore(%arg11 : memref<!tpu.dma_semaphore, #tpu.memory_space<semaphore_mem>>) src(%arg9 : memref<25x128xf32, #tpu.memory_space<vmem>>) dst(%dma_wait3A_852 : memref<25x128xf32, #tpu.memory_space<vmem_shared>>)
    %mul3A_853 = arith.constant 625 : i32
    %mul3A_854 = arith.muli %arg1, %mul3A_853 : i32
    %add3A_855 = arith.constant 450 : i32
    %add3A_856 = arith.addi %mul3A_854, %add3A_855 : i32
    %dma_wait3A_857 = arith.constant 0 : i32
    %dma_wait3A_858 = tpu.memref_slice %arg10[%add3A_856, %dma_wait3A_857] : memref<10000x128xf32, #tpu.memory_space<vmem_shared>> -> memref<25x128xf32, #tpu.memory_space<vmem_shared>>
    %dma_wait3A_859 = arith.constant 0 : i32
    %dma_wait3A_860 = tpu.memref_slice %arg10[%add3A_856, %dma_wait3A_859] : memref<10000x128xf32, #tpu.memory_space<vmem_shared>> -> memref<25x128xf32, #tpu.memory_space<vmem_shared>>
    tpu.wait_dma2 semaphore(%arg11 : memref<!tpu.dma_semaphore, #tpu.memory_space<semaphore_mem>>) src(%arg9 : memref<25x128xf32, #tpu.memory_space<vmem>>) dst(%dma_wait3A_860 : memref<25x128xf32, #tpu.memory_space<vmem_shared>>)
    %mul3A_861 = arith.constant 625 : i32
    %mul3A_862 = arith.muli %arg1, %mul3A_861 : i32
    %add3A_863 = arith.constant 475 : i32
    %add3A_864 = arith.addi %mul3A_862, %add3A_863 : i32
    %dma_wait3A_865 = arith.constant 0 : i32
    %dma_wait3A_866 = tpu.memref_slice %arg10[%add3A_864, %dma_wait3A_865] : memref<10000x128xf32, #tpu.memory_space<vmem_shared>> -> memref<25x128xf32, #tpu.memory_space<vmem_shared>>
    %dma_wait3A_867 = arith.constant 0 : i32
    %dma_wait3A_868 = tpu.memref_slice %arg10[%add3A_864, %dma_wait3A_867] : memref<10000x128xf32, #tpu.memory_space<vmem_shared>> -> memref<25x128xf32, #tpu.memory_space<vmem_shared>>
    tpu.wait_dma2 semaphore(%arg11 : memref<!tpu.dma_semaphore, #tpu.memory_space<semaphore_mem>>) src(%arg9 : memref<25x128xf32, #tpu.memory_space<vmem>>) dst(%dma_wait3A_868 : memref<25x128xf32, #tpu.memory_space<vmem_shared>>)
    %mul3A_869 = arith.constant 625 : i32
    %mul3A_870 = arith.muli %arg1, %mul3A_869 : i32
    %add3A_871 = arith.constant 500 : i32
    %add3A_872 = arith.addi %mul3A_870, %add3A_871 : i32
    %dma_wait3A_873 = arith.constant 0 : i32
    %dma_wait3A_874 = tpu.memref_slice %arg10[%add3A_872, %dma_wait3A_873] : memref<10000x128xf32, #tpu.memory_space<vmem_shared>> -> memref<25x128xf32, #tpu.memory_space<vmem_shared>>
    %dma_wait3A_875 = arith.constant 0 : i32
    %dma_wait3A_876 = tpu.memref_slice %arg10[%add3A_872, %dma_wait3A_875] : memref<10000x128xf32, #tpu.memory_space<vmem_shared>> -> memref<25x128xf32, #tpu.memory_space<vmem_shared>>
    tpu.wait_dma2 semaphore(%arg11 : memref<!tpu.dma_semaphore, #tpu.memory_space<semaphore_mem>>) src(%arg9 : memref<25x128xf32, #tpu.memory_space<vmem>>) dst(%dma_wait3A_876 : memref<25x128xf32, #tpu.memory_space<vmem_shared>>)
    %mul3A_877 = arith.constant 625 : i32
    %mul3A_878 = arith.muli %arg1, %mul3A_877 : i32
    %add3A_879 = arith.constant 525 : i32
    %add3A_880 = arith.addi %mul3A_878, %add3A_879 : i32
    %dma_wait3A_881 = arith.constant 0 : i32
    %dma_wait3A_882 = tpu.memref_slice %arg10[%add3A_880, %dma_wait3A_881] : memref<10000x128xf32, #tpu.memory_space<vmem_shared>> -> memref<25x128xf32, #tpu.memory_space<vmem_shared>>
    %dma_wait3A_883 = arith.constant 0 : i32
    %dma_wait3A_884 = tpu.memref_slice %arg10[%add3A_880, %dma_wait3A_883] : memref<10000x128xf32, #tpu.memory_space<vmem_shared>> -> memref<25x128xf32, #tpu.memory_space<vmem_shared>>
    tpu.wait_dma2 semaphore(%arg11 : memref<!tpu.dma_semaphore, #tpu.memory_space<semaphore_mem>>) src(%arg9 : memref<25x128xf32, #tpu.memory_space<vmem>>) dst(%dma_wait3A_884 : memref<25x128xf32, #tpu.memory_space<vmem_shared>>)
    %mul3A_885 = arith.constant 625 : i32
    %mul3A_886 = arith.muli %arg1, %mul3A_885 : i32
    %add3A_887 = arith.constant 550 : i32
    %add3A_888 = arith.addi %mul3A_886, %add3A_887 : i32
    %dma_wait3A_889 = arith.constant 0 : i32
    %dma_wait3A_890 = tpu.memref_slice %arg10[%add3A_888, %dma_wait3A_889] : memref<10000x128xf32, #tpu.memory_space<vmem_shared>> -> memref<25x128xf32, #tpu.memory_space<vmem_shared>>
    %dma_wait3A_891 = arith.constant 0 : i32
    %dma_wait3A_892 = tpu.memref_slice %arg10[%add3A_888, %dma_wait3A_891] : memref<10000x128xf32, #tpu.memory_space<vmem_shared>> -> memref<25x128xf32, #tpu.memory_space<vmem_shared>>
    tpu.wait_dma2 semaphore(%arg11 : memref<!tpu.dma_semaphore, #tpu.memory_space<semaphore_mem>>) src(%arg9 : memref<25x128xf32, #tpu.memory_space<vmem>>) dst(%dma_wait3A_892 : memref<25x128xf32, #tpu.memory_space<vmem_shared>>)
    %mul3A_893 = arith.constant 625 : i32
    %mul3A_894 = arith.muli %arg1, %mul3A_893 : i32
    %add3A_895 = arith.constant 575 : i32
    %add3A_896 = arith.addi %mul3A_894, %add3A_895 : i32
    %dma_wait3A_897 = arith.constant 0 : i32
    %dma_wait3A_898 = tpu.memref_slice %arg10[%add3A_896, %dma_wait3A_897] : memref<10000x128xf32, #tpu.memory_space<vmem_shared>> -> memref<25x128xf32, #tpu.memory_space<vmem_shared>>
    %dma_wait3A_899 = arith.constant 0 : i32
    %dma_wait3A_900 = tpu.memref_slice %arg10[%add3A_896, %dma_wait3A_899] : memref<10000x128xf32, #tpu.memory_space<vmem_shared>> -> memref<25x128xf32, #tpu.memory_space<vmem_shared>>
    tpu.wait_dma2 semaphore(%arg11 : memref<!tpu.dma_semaphore, #tpu.memory_space<semaphore_mem>>) src(%arg9 : memref<25x128xf32, #tpu.memory_space<vmem>>) dst(%dma_wait3A_900 : memref<25x128xf32, #tpu.memory_space<vmem_shared>>)
    %mul3A_901 = arith.constant 625 : i32
    %mul3A_902 = arith.muli %arg1, %mul3A_901 : i32
    %add3A_903 = arith.constant 600 : i32
    %add3A_904 = arith.addi %mul3A_902, %add3A_903 : i32
    %dma_wait3A_905 = arith.constant 0 : i32
    %dma_wait3A_906 = tpu.memref_slice %arg10[%add3A_904, %dma_wait3A_905] : memref<10000x128xf32, #tpu.memory_space<vmem_shared>> -> memref<25x128xf32, #tpu.memory_space<vmem_shared>>
    %dma_wait3A_907 = arith.constant 0 : i32
    %dma_wait3A_908 = tpu.memref_slice %arg10[%add3A_904, %dma_wait3A_907] : memref<10000x128xf32, #tpu.memory_space<vmem_shared>> -> memref<25x128xf32, #tpu.memory_space<vmem_shared>>
    tpu.wait_dma2 semaphore(%arg11 : memref<!tpu.dma_semaphore, #tpu.memory_space<semaphore_mem>>) src(%arg9 : memref<25x128xf32, #tpu.memory_space<vmem>>) dst(%dma_wait3A_908 : memref<25x128xf32, #tpu.memory_space<vmem_shared>>)
    %dma_wait3A_909 = arith.constant 0 : i32
    %dma_wait3A_910 = arith.constant 0 : i32
    %dma_wait3A_911 = arith.constant 0 : i32
    %dma_wait3A_912 = tpu.memref_slice %arg3[%add3A_490, %dma_wait3A_909, %arg1, %dma_wait3A_910, %dma_wait3A_911] : memref<4x2x16x40x125xi32, #tpu.memory_space<hbm>> -> memref<1x1x1x40x125xi32, #tpu.memory_space<hbm>>
    %dma_wait3A_913 = tpu.memref_squeeze %dma_wait3A_912 : memref<1x1x1x40x125xi32, #tpu.memory_space<hbm>> -> memref<40x125xi32, #tpu.memory_space<hbm>>
    %dma_wait3A_914 = arith.constant 0 : i32
    %dma_wait3A_915 = arith.constant 0 : i32
    %dma_wait3A_916 = tpu.memref_slice %arg3[%add3A_490, %dma_wait3A_909, %arg1, %dma_wait3A_914, %dma_wait3A_915] : memref<4x2x16x40x125xi32, #tpu.memory_space<hbm>> -> memref<1x1x1x40x125xi32, #tpu.memory_space<hbm>>
    %dma_wait3A_917 = tpu.memref_squeeze %dma_wait3A_916 : memref<1x1x1x40x125xi32, #tpu.memory_space<hbm>> -> memref<40x125xi32, #tpu.memory_space<hbm>>
    tpu.wait_dma2 semaphore(%arg12 : memref<!tpu.dma_semaphore, #tpu.memory_space<semaphore_mem>>) src(%dma_wait3A_917 : memref<40x125xi32, #tpu.memory_space<hbm>>) dst(%arg5 : memref<40x125xi32, #tpu.memory_space<vmem>>)
    %dma_wait3A_918 = arith.constant 1 : i32
    %dma_wait3A_919 = arith.constant 0 : i32
    %dma_wait3A_920 = arith.constant 0 : i32
    %dma_wait3A_921 = tpu.memref_slice %arg3[%add3A_490, %dma_wait3A_918, %arg1, %dma_wait3A_919, %dma_wait3A_920] : memref<4x2x16x40x125xi32, #tpu.memory_space<hbm>> -> memref<1x1x1x40x125xi32, #tpu.memory_space<hbm>>
    %dma_wait3A_922 = tpu.memref_squeeze %dma_wait3A_921 : memref<1x1x1x40x125xi32, #tpu.memory_space<hbm>> -> memref<40x125xi32, #tpu.memory_space<hbm>>
    %dma_wait3A_923 = arith.constant 0 : i32
    %dma_wait3A_924 = arith.constant 0 : i32
    %dma_wait3A_925 = tpu.memref_slice %arg3[%add3A_490, %dma_wait3A_918, %arg1, %dma_wait3A_923, %dma_wait3A_924] : memref<4x2x16x40x125xi32, #tpu.memory_space<hbm>> -> memref<1x1x1x40x125xi32, #tpu.memory_space<hbm>>
    %dma_wait3A_926 = tpu.memref_squeeze %dma_wait3A_925 : memref<1x1x1x40x125xi32, #tpu.memory_space<hbm>> -> memref<40x125xi32, #tpu.memory_space<hbm>>
    tpu.wait_dma2 semaphore(%arg12 : memref<!tpu.dma_semaphore, #tpu.memory_space<semaphore_mem>>) src(%dma_wait3A_926 : memref<40x125xi32, #tpu.memory_space<hbm>>) dst(%arg6 : memref<40x125xi32, #tpu.memory_space<vmem>>)
    %barrier3A_927 = arith.constant 0 : index
    tpu.barrier barrier_id(%barrier3A_927)
    %dma_start3A_928 = arith.constant 0 : i32
    %dma_start3A_929 = arith.constant 0 : i32
    %dma_start3A_930 = tpu.memref_slice %arg5[%dma_start3A_928, %dma_start3A_929] : memref<40x125xi32, #tpu.memory_space<vmem>> -> memref<1x125xi32, #tpu.memory_space<vmem>>
    %dma_start3A_931 = tpu.memref_squeeze %dma_start3A_930 : memref<1x125xi32, #tpu.memory_space<vmem>> -> memref<125xi32, #tpu.memory_space<vmem>>
    %dma_start3A_932 = arith.constant 0 : i32
    %dma_start3A_933 = arith.constant 0 : i32
    %dma_start3A_934 = tpu.memref_slice %arg2[%dma_start3A_932, %dma_start3A_933] : memref<10000x128xf32, #tpu.memory_space<hbm>> -> memref<10000x128xf32, #tpu.memory_space<hbm>>
    tpu.enqueue_indirect_dma source(%dma_start3A_934 : memref<10000x128xf32, #tpu.memory_space<hbm>>) target(%arg7 : memref<125x128xf32, #tpu.memory_space<vmem>>) offsets(%dma_start3A_931 : memref<125xi32, #tpu.memory_space<vmem>>) semaphore(%arg11 : memref<!tpu.dma_semaphore, #tpu.memory_space<semaphore_mem>>)
    %scan3A_935 = arith.constant 0 : i32
    %scan3A_936 = arith.constant 10 : i32
    %scan3A_937 = arith.addi %scan3A_935, %scan3A_936 : i32
    %scan3A_938 = arith.constant 1 : i32
    scf.for %scan3A_977 = %scan3A_935 to %scan3A_937 step %scan3A_938  : i32 {
      %mul3A_978 = arith.constant 4 : i32
      %mul3A_979 = arith.muli %mul3A_978, %scan3A_977 : i32
      %add3A_980 = arith.constant 0 : i32
      %add3A_981 = arith.addi %mul3A_979, %add3A_980 : i32
      %dma_wait3A_982 = arith.constant 0 : i32
      %dma_wait3A_983 = arith.constant 0 : i32
      %dma_wait3A_984 = tpu.memref_slice %arg5[%dma_wait3A_982, %dma_wait3A_983] : memref<40x125xi32, #tpu.memory_space<vmem>> -> memref<1x125xi32, #tpu.memory_space<vmem>>
      %dma_wait3A_985 = tpu.memref_squeeze %dma_wait3A_984 : memref<1x125xi32, #tpu.memory_space<vmem>> -> memref<125xi32, #tpu.memory_space<vmem>>
      %dma_wait3A_986 = arith.constant 0 : i32
      %dma_wait3A_987 = arith.constant 0 : i32
      %dma_wait3A_988 = tpu.memref_slice %arg2[%dma_wait3A_986, %dma_wait3A_987] : memref<10000x128xf32, #tpu.memory_space<hbm>> -> memref<10000x128xf32, #tpu.memory_space<hbm>>
      tpu.wait_indirect_dma semaphore(%arg11 : memref<!tpu.dma_semaphore, #tpu.memory_space<semaphore_mem>>) src(%dma_wait3A_988 : memref<10000x128xf32, #tpu.memory_space<hbm>>) dst(%arg7 : memref<125x128xf32, #tpu.memory_space<vmem>>)
      %add3A_989 = arith.constant 1 : i32
      %add3A_990 = arith.addi %add3A_981, %add3A_989 : i32
      %dma_start3A_991 = arith.constant 0 : i32
      %dma_start3A_992 = tpu.memref_slice %arg5[%add3A_990, %dma_start3A_991] : memref<40x125xi32, #tpu.memory_space<vmem>> -> memref<1x125xi32, #tpu.memory_space<vmem>>
      %dma_start3A_993 = tpu.memref_squeeze %dma_start3A_992 : memref<1x125xi32, #tpu.memory_space<vmem>> -> memref<125xi32, #tpu.memory_space<vmem>>
      %dma_start3A_994 = arith.constant 0 : i32
      %dma_start3A_995 = arith.constant 0 : i32
      %dma_start3A_996 = tpu.memref_slice %arg2[%dma_start3A_994, %dma_start3A_995] : memref<10000x128xf32, #tpu.memory_space<hbm>> -> memref<10000x128xf32, #tpu.memory_space<hbm>>
      tpu.enqueue_indirect_dma source(%dma_start3A_996 : memref<10000x128xf32, #tpu.memory_space<hbm>>) target(%arg8 : memref<125x128xf32, #tpu.memory_space<vmem>>) offsets(%dma_start3A_993 : memref<125xi32, #tpu.memory_space<vmem>>) semaphore(%arg12 : memref<!tpu.dma_semaphore, #tpu.memory_space<semaphore_mem>>)
      "tpu.region"() ({
        %run_scoped3A = tpu.sem_alloc : memref<!tpu.dma_semaphore, #tpu.memory_space<semaphore_mem>>
        %dma_start3A_1076 = arith.constant 0 : i32
        %dma_start3A_1077 = tpu.memref_slice %arg6[%add3A_981, %dma_start3A_1076] : memref<40x125xi32, #tpu.memory_space<vmem>> -> memref<1x125xi32, #tpu.memory_space<vmem>>
        %dma_start3A_1078 = tpu.memref_squeeze %dma_start3A_1077 : memref<1x125xi32, #tpu.memory_space<vmem>> -> memref<125xi32, #tpu.memory_space<vmem>>
        %dma_start3A_1079 = arith.constant 0 : i32
        %dma_start3A_1080 = arith.constant 0 : i32
        %dma_start3A_1081 = tpu.memref_slice %arg10[%dma_start3A_1079, %dma_start3A_1080] : memref<10000x128xf32, #tpu.memory_space<vmem_shared>> -> memref<10000x128xf32, #tpu.memory_space<vmem_shared>>
        tpu.enqueue_indirect_dma source(%arg7 : memref<125x128xf32, #tpu.memory_space<vmem>>) target(%dma_start3A_1081 : memref<10000x128xf32, #tpu.memory_space<vmem_shared>>) offsets(%dma_start3A_1078 : memref<125xi32, #tpu.memory_space<vmem>>) semaphore(%run_scoped3A : memref<!tpu.dma_semaphore, #tpu.memory_space<semaphore_mem>>) {add = true}
        %dma_wait3A_1082 = arith.constant 0 : i32
        %dma_wait3A_1083 = tpu.memref_slice %arg6[%add3A_981, %dma_wait3A_1082] : memref<40x125xi32, #tpu.memory_space<vmem>> -> memref<1x125xi32, #tpu.memory_space<vmem>>
        %dma_wait3A_1084 = tpu.memref_squeeze %dma_wait3A_1083 : memref<1x125xi32, #tpu.memory_space<vmem>> -> memref<125xi32, #tpu.memory_space<vmem>>
        %dma_wait3A_1085 = arith.constant 0 : i32
        %dma_wait3A_1086 = arith.constant 0 : i32
        %dma_wait3A_1087 = tpu.memref_slice %arg10[%dma_wait3A_1085, %dma_wait3A_1086] : memref<10000x128xf32, #tpu.memory_space<vmem_shared>> -> memref<10000x128xf32, #tpu.memory_space<vmem_shared>>
        tpu.wait_indirect_dma semaphore(%run_scoped3A : memref<!tpu.dma_semaphore, #tpu.memory_space<semaphore_mem>>) src(%arg7 : memref<125x128xf32, #tpu.memory_space<vmem>>) dst(%dma_wait3A_1087 : memref<10000x128xf32, #tpu.memory_space<vmem_shared>>)
        tpu.yield
      }) : () -> ()
      %dma_wait3A_997 = arith.constant 0 : i32
      %dma_wait3A_998 = arith.constant 0 : i32
      %dma_wait3A_999 = tpu.memref_slice %arg5[%dma_wait3A_997, %dma_wait3A_998] : memref<40x125xi32, #tpu.memory_space<vmem>> -> memref<1x125xi32, #tpu.memory_space<vmem>>
      %dma_wait3A_1000 = tpu.memref_squeeze %dma_wait3A_999 : memref<1x125xi32, #tpu.memory_space<vmem>> -> memref<125xi32, #tpu.memory_space<vmem>>
      %dma_wait3A_1001 = arith.constant 0 : i32
      %dma_wait3A_1002 = arith.constant 0 : i32
      %dma_wait3A_1003 = tpu.memref_slice %arg2[%dma_wait3A_1001, %dma_wait3A_1002] : memref<10000x128xf32, #tpu.memory_space<hbm>> -> memref<10000x128xf32, #tpu.memory_space<hbm>>
      tpu.wait_indirect_dma semaphore(%arg12 : memref<!tpu.dma_semaphore, #tpu.memory_space<semaphore_mem>>) src(%dma_wait3A_1003 : memref<10000x128xf32, #tpu.memory_space<hbm>>) dst(%arg8 : memref<125x128xf32, #tpu.memory_space<vmem>>)
      %add3A_1004 = arith.constant 2 : i32
      %add3A_1005 = arith.addi %add3A_981, %add3A_1004 : i32
      %jit3A = arith.constant 40 : i32
      %eq3A = arith.constant 0 : i32
      %eq3A_1006 = arith.cmpi eq, %jit3A, %eq3A : i32
      %jit3A_1007 = arith.constant 1 : i32
      %select_n3A = arith.select %eq3A_1006, %jit3A_1007, %jit3A : i32
      %rem3A = arith.remsi %add3A_1005, %select_n3A : i32
      %ne3A = arith.constant 0 : i32
      %ne3A_1008 = arith.cmpi ne, %rem3A, %ne3A : i32
      %lt3A_1009 = arith.constant 0 : i32
      %lt3A_1010 = arith.cmpi slt, %rem3A, %lt3A_1009 : i32
      %lt3A_1011 = arith.constant 0 : i32
      %lt3A_1012 = arith.cmpi slt, %select_n3A, %lt3A_1011 : i32
      %ne3A_1013 = arith.xori %lt3A_1010, %lt3A_1012 : i1
      %and3A = arith.andi %ne3A_1013, %ne3A_1008 : i1
      %add3A_1014 = arith.addi %rem3A, %select_n3A : i32
      %select_n3A_1015 = arith.select %and3A, %add3A_1014, %rem3A : i32
      %dma_start3A_1016 = arith.constant 0 : i32
      %dma_start3A_1017 = tpu.memref_slice %arg5[%select_n3A_1015, %dma_start3A_1016] : memref<40x125xi32, #tpu.memory_space<vmem>> -> memref<1x125xi32, #tpu.memory_space<vmem>>
      %dma_start3A_1018 = tpu.memref_squeeze %dma_start3A_1017 : memref<1x125xi32, #tpu.memory_space<vmem>> -> memref<125xi32, #tpu.memory_space<vmem>>
      %dma_start3A_1019 = arith.constant 0 : i32
      %dma_start3A_1020 = arith.constant 0 : i32
      %dma_start3A_1021 = tpu.memref_slice %arg2[%dma_start3A_1019, %dma_start3A_1020] : memref<10000x128xf32, #tpu.memory_space<hbm>> -> memref<10000x128xf32, #tpu.memory_space<hbm>>
      tpu.enqueue_indirect_dma source(%dma_start3A_1021 : memref<10000x128xf32, #tpu.memory_space<hbm>>) target(%arg7 : memref<125x128xf32, #tpu.memory_space<vmem>>) offsets(%dma_start3A_1018 : memref<125xi32, #tpu.memory_space<vmem>>) semaphore(%arg11 : memref<!tpu.dma_semaphore, #tpu.memory_space<semaphore_mem>>)
      %add3A_1022 = arith.constant 1 : i32
      %add3A_1023 = arith.addi %add3A_981, %add3A_1022 : i32
      "tpu.region"() ({
        %run_scoped3A = tpu.sem_alloc : memref<!tpu.dma_semaphore, #tpu.memory_space<semaphore_mem>>
        %dma_start3A_1076 = arith.constant 0 : i32
        %dma_start3A_1077 = tpu.memref_slice %arg6[%add3A_1023, %dma_start3A_1076] : memref<40x125xi32, #tpu.memory_space<vmem>> -> memref<1x125xi32, #tpu.memory_space<vmem>>
        %dma_start3A_1078 = tpu.memref_squeeze %dma_start3A_1077 : memref<1x125xi32, #tpu.memory_space<vmem>> -> memref<125xi32, #tpu.memory_space<vmem>>
        %dma_start3A_1079 = arith.constant 0 : i32
        %dma_start3A_1080 = arith.constant 0 : i32
        %dma_start3A_1081 = tpu.memref_slice %arg10[%dma_start3A_1079, %dma_start3A_1080] : memref<10000x128xf32, #tpu.memory_space<vmem_shared>> -> memref<10000x128xf32, #tpu.memory_space<vmem_shared>>
        tpu.enqueue_indirect_dma source(%arg8 : memref<125x128xf32, #tpu.memory_space<vmem>>) target(%dma_start3A_1081 : memref<10000x128xf32, #tpu.memory_space<vmem_shared>>) offsets(%dma_start3A_1078 : memref<125xi32, #tpu.memory_space<vmem>>) semaphore(%run_scoped3A : memref<!tpu.dma_semaphore, #tpu.memory_space<semaphore_mem>>) {add = true}
        %dma_wait3A_1082 = arith.constant 0 : i32
        %dma_wait3A_1083 = tpu.memref_slice %arg6[%add3A_1023, %dma_wait3A_1082] : memref<40x125xi32, #tpu.memory_space<vmem>> -> memref<1x125xi32, #tpu.memory_space<vmem>>
        %dma_wait3A_1084 = tpu.memref_squeeze %dma_wait3A_1083 : memref<1x125xi32, #tpu.memory_space<vmem>> -> memref<125xi32, #tpu.memory_space<vmem>>
        %dma_wait3A_1085 = arith.constant 0 : i32
        %dma_wait3A_1086 = arith.constant 0 : i32
        %dma_wait3A_1087 = tpu.memref_slice %arg10[%dma_wait3A_1085, %dma_wait3A_1086] : memref<10000x128xf32, #tpu.memory_space<vmem_shared>> -> memref<10000x128xf32, #tpu.memory_space<vmem_shared>>
        tpu.wait_indirect_dma semaphore(%run_scoped3A : memref<!tpu.dma_semaphore, #tpu.memory_space<semaphore_mem>>) src(%arg8 : memref<125x128xf32, #tpu.memory_space<vmem>>) dst(%dma_wait3A_1087 : memref<10000x128xf32, #tpu.memory_space<vmem_shared>>)
        tpu.yield
      }) : () -> ()
      %mul3A_1024 = arith.constant 4 : i32
      %mul3A_1025 = arith.muli %mul3A_1024, %scan3A_977 : i32
      %add3A_1026 = arith.constant 2 : i32
      %add3A_1027 = arith.addi %mul3A_1025, %add3A_1026 : i32
      %dma_wait3A_1028 = arith.constant 0 : i32
      %dma_wait3A_1029 = arith.constant 0 : i32
      %dma_wait3A_1030 = tpu.memref_slice %arg5[%dma_wait3A_1028, %dma_wait3A_1029] : memref<40x125xi32, #tpu.memory_space<vmem>> -> memref<1x125xi32, #tpu.memory_space<vmem>>
      %dma_wait3A_1031 = tpu.memref_squeeze %dma_wait3A_1030 : memref<1x125xi32, #tpu.memory_space<vmem>> -> memref<125xi32, #tpu.memory_space<vmem>>
      %dma_wait3A_1032 = arith.constant 0 : i32
      %dma_wait3A_1033 = arith.constant 0 : i32
      %dma_wait3A_1034 = tpu.memref_slice %arg2[%dma_wait3A_1032, %dma_wait3A_1033] : memref<10000x128xf32, #tpu.memory_space<hbm>> -> memref<10000x128xf32, #tpu.memory_space<hbm>>
      tpu.wait_indirect_dma semaphore(%arg11 : memref<!tpu.dma_semaphore, #tpu.memory_space<semaphore_mem>>) src(%dma_wait3A_1034 : memref<10000x128xf32, #tpu.memory_space<hbm>>) dst(%arg7 : memref<125x128xf32, #tpu.memory_space<vmem>>)
      %add3A_1035 = arith.constant 1 : i32
      %add3A_1036 = arith.addi %add3A_1027, %add3A_1035 : i32
      %dma_start3A_1037 = arith.constant 0 : i32
      %dma_start3A_1038 = tpu.memref_slice %arg5[%add3A_1036, %dma_start3A_1037] : memref<40x125xi32, #tpu.memory_space<vmem>> -> memref<1x125xi32, #tpu.memory_space<vmem>>
      %dma_start3A_1039 = tpu.memref_squeeze %dma_start3A_1038 : memref<1x125xi32, #tpu.memory_space<vmem>> -> memref<125xi32, #tpu.memory_space<vmem>>
      %dma_start3A_1040 = arith.constant 0 : i32
      %dma_start3A_1041 = arith.constant 0 : i32
      %dma_start3A_1042 = tpu.memref_slice %arg2[%dma_start3A_1040, %dma_start3A_1041] : memref<10000x128xf32, #tpu.memory_space<hbm>> -> memref<10000x128xf32, #tpu.memory_space<hbm>>
      tpu.enqueue_indirect_dma source(%dma_start3A_1042 : memref<10000x128xf32, #tpu.memory_space<hbm>>) target(%arg8 : memref<125x128xf32, #tpu.memory_space<vmem>>) offsets(%dma_start3A_1039 : memref<125xi32, #tpu.memory_space<vmem>>) semaphore(%arg12 : memref<!tpu.dma_semaphore, #tpu.memory_space<semaphore_mem>>)
      "tpu.region"() ({
        %run_scoped3A = tpu.sem_alloc : memref<!tpu.dma_semaphore, #tpu.memory_space<semaphore_mem>>
        %dma_start3A_1076 = arith.constant 0 : i32
        %dma_start3A_1077 = tpu.memref_slice %arg6[%add3A_1027, %dma_start3A_1076] : memref<40x125xi32, #tpu.memory_space<vmem>> -> memref<1x125xi32, #tpu.memory_space<vmem>>
        %dma_start3A_1078 = tpu.memref_squeeze %dma_start3A_1077 : memref<1x125xi32, #tpu.memory_space<vmem>> -> memref<125xi32, #tpu.memory_space<vmem>>
        %dma_start3A_1079 = arith.constant 0 : i32
        %dma_start3A_1080 = arith.constant 0 : i32
        %dma_start3A_1081 = tpu.memref_slice %arg10[%dma_start3A_1079, %dma_start3A_1080] : memref<10000x128xf32, #tpu.memory_space<vmem_shared>> -> memref<10000x128xf32, #tpu.memory_space<vmem_shared>>
        tpu.enqueue_indirect_dma source(%arg7 : memref<125x128xf32, #tpu.memory_space<vmem>>) target(%dma_start3A_1081 : memref<10000x128xf32, #tpu.memory_space<vmem_shared>>) offsets(%dma_start3A_1078 : memref<125xi32, #tpu.memory_space<vmem>>) semaphore(%run_scoped3A : memref<!tpu.dma_semaphore, #tpu.memory_space<semaphore_mem>>) {add = true}
        %dma_wait3A_1082 = arith.constant 0 : i32
        %dma_wait3A_1083 = tpu.memref_slice %arg6[%add3A_1027, %dma_wait3A_1082] : memref<40x125xi32, #tpu.memory_space<vmem>> -> memref<1x125xi32, #tpu.memory_space<vmem>>
        %dma_wait3A_1084 = tpu.memref_squeeze %dma_wait3A_1083 : memref<1x125xi32, #tpu.memory_space<vmem>> -> memref<125xi32, #tpu.memory_space<vmem>>
        %dma_wait3A_1085 = arith.constant 0 : i32
        %dma_wait3A_1086 = arith.constant 0 : i32
        %dma_wait3A_1087 = tpu.memref_slice %arg10[%dma_wait3A_1085, %dma_wait3A_1086] : memref<10000x128xf32, #tpu.memory_space<vmem_shared>> -> memref<10000x128xf32, #tpu.memory_space<vmem_shared>>
        tpu.wait_indirect_dma semaphore(%run_scoped3A : memref<!tpu.dma_semaphore, #tpu.memory_space<semaphore_mem>>) src(%arg7 : memref<125x128xf32, #tpu.memory_space<vmem>>) dst(%dma_wait3A_1087 : memref<10000x128xf32, #tpu.memory_space<vmem_shared>>)
        tpu.yield
      }) : () -> ()
      %dma_wait3A_1043 = arith.constant 0 : i32
      %dma_wait3A_1044 = arith.constant 0 : i32
      %dma_wait3A_1045 = tpu.memref_slice %arg5[%dma_wait3A_1043, %dma_wait3A_1044] : memref<40x125xi32, #tpu.memory_space<vmem>> -> memref<1x125xi32, #tpu.memory_space<vmem>>
      %dma_wait3A_1046 = tpu.memref_squeeze %dma_wait3A_1045 : memref<1x125xi32, #tpu.memory_space<vmem>> -> memref<125xi32, #tpu.memory_space<vmem>>
      %dma_wait3A_1047 = arith.constant 0 : i32
      %dma_wait3A_1048 = arith.constant 0 : i32
      %dma_wait3A_1049 = tpu.memref_slice %arg2[%dma_wait3A_1047, %dma_wait3A_1048] : memref<10000x128xf32, #tpu.memory_space<hbm>> -> memref<10000x128xf32, #tpu.memory_space<hbm>>
      tpu.wait_indirect_dma semaphore(%arg12 : memref<!tpu.dma_semaphore, #tpu.memory_space<semaphore_mem>>) src(%dma_wait3A_1049 : memref<10000x128xf32, #tpu.memory_space<hbm>>) dst(%arg8 : memref<125x128xf32, #tpu.memory_space<vmem>>)
      %add3A_1050 = arith.constant 2 : i32
      %add3A_1051 = arith.addi %add3A_1027, %add3A_1050 : i32
      %jit3A_1052 = arith.constant 40 : i32
      %eq3A_1053 = arith.constant 0 : i32
      %eq3A_1054 = arith.cmpi eq, %jit3A_1052, %eq3A_1053 : i32
      %jit3A_1055 = arith.constant 1 : i32
      %select_n3A_1056 = arith.select %eq3A_1054, %jit3A_1055, %jit3A_1052 : i32
      %rem3A_1057 = arith.remsi %add3A_1051, %select_n3A_1056 : i32
      %ne3A_1058 = arith.constant 0 : i32
      %ne3A_1059 = arith.cmpi ne, %rem3A_1057, %ne3A_1058 : i32
      %lt3A_1060 = arith.constant 0 : i32
      %lt3A_1061 = arith.cmpi slt, %rem3A_1057, %lt3A_1060 : i32
      %lt3A_1062 = arith.constant 0 : i32
      %lt3A_1063 = arith.cmpi slt, %select_n3A_1056, %lt3A_1062 : i32
      %ne3A_1064 = arith.xori %lt3A_1061, %lt3A_1063 : i1
      %and3A_1065 = arith.andi %ne3A_1064, %ne3A_1059 : i1
      %add3A_1066 = arith.addi %rem3A_1057, %select_n3A_1056 : i32
      %select_n3A_1067 = arith.select %and3A_1065, %add3A_1066, %rem3A_1057 : i32
      %dma_start3A_1068 = arith.constant 0 : i32
      %dma_start3A_1069 = tpu.memref_slice %arg5[%select_n3A_1067, %dma_start3A_1068] : memref<40x125xi32, #tpu.memory_space<vmem>> -> memref<1x125xi32, #tpu.memory_space<vmem>>
      %dma_start3A_1070 = tpu.memref_squeeze %dma_start3A_1069 : memref<1x125xi32, #tpu.memory_space<vmem>> -> memref<125xi32, #tpu.memory_space<vmem>>
      %dma_start3A_1071 = arith.constant 0 : i32
      %dma_start3A_1072 = arith.constant 0 : i32
      %dma_start3A_1073 = tpu.memref_slice %arg2[%dma_start3A_1071, %dma_start3A_1072] : memref<10000x128xf32, #tpu.memory_space<hbm>> -> memref<10000x128xf32, #tpu.memory_space<hbm>>
      tpu.enqueue_indirect_dma source(%dma_start3A_1073 : memref<10000x128xf32, #tpu.memory_space<hbm>>) target(%arg7 : memref<125x128xf32, #tpu.memory_space<vmem>>) offsets(%dma_start3A_1070 : memref<125xi32, #tpu.memory_space<vmem>>) semaphore(%arg11 : memref<!tpu.dma_semaphore, #tpu.memory_space<semaphore_mem>>)
      %add3A_1074 = arith.constant 1 : i32
      %add3A_1075 = arith.addi %add3A_1027, %add3A_1074 : i32
      "tpu.region"() ({
        %run_scoped3A = tpu.sem_alloc : memref<!tpu.dma_semaphore, #tpu.memory_space<semaphore_mem>>
        %dma_start3A_1076 = arith.constant 0 : i32
        %dma_start3A_1077 = tpu.memref_slice %arg6[%add3A_1075, %dma_start3A_1076] : memref<40x125xi32, #tpu.memory_space<vmem>> -> memref<1x125xi32, #tpu.memory_space<vmem>>
        %dma_start3A_1078 = tpu.memref_squeeze %dma_start3A_1077 : memref<1x125xi32, #tpu.memory_space<vmem>> -> memref<125xi32, #tpu.memory_space<vmem>>
        %dma_start3A_1079 = arith.constant 0 : i32
        %dma_start3A_1080 = arith.constant 0 : i32
        %dma_start3A_1081 = tpu.memref_slice %arg10[%dma_start3A_1079, %dma_start3A_1080] : memref<10000x128xf32, #tpu.memory_space<vmem_shared>> -> memref<10000x128xf32, #tpu.memory_space<vmem_shared>>
        tpu.enqueue_indirect_dma source(%arg8 : memref<125x128xf32, #tpu.memory_space<vmem>>) target(%dma_start3A_1081 : memref<10000x128xf32, #tpu.memory_space<vmem_shared>>) offsets(%dma_start3A_1078 : memref<125xi32, #tpu.memory_space<vmem>>) semaphore(%run_scoped3A : memref<!tpu.dma_semaphore, #tpu.memory_space<semaphore_mem>>) {add = true}
        %dma_wait3A_1082 = arith.constant 0 : i32
        %dma_wait3A_1083 = tpu.memref_slice %arg6[%add3A_1075, %dma_wait3A_1082] : memref<40x125xi32, #tpu.memory_space<vmem>> -> memref<1x125xi32, #tpu.memory_space<vmem>>
        %dma_wait3A_1084 = tpu.memref_squeeze %dma_wait3A_1083 : memref<1x125xi32, #tpu.memory_space<vmem>> -> memref<125xi32, #tpu.memory_space<vmem>>
        %dma_wait3A_1085 = arith.constant 0 : i32
        %dma_wait3A_1086 = arith.constant 0 : i32
        %dma_wait3A_1087 = tpu.memref_slice %arg10[%dma_wait3A_1085, %dma_wait3A_1086] : memref<10000x128xf32, #tpu.memory_space<vmem_shared>> -> memref<10000x128xf32, #tpu.memory_space<vmem_shared>>
        tpu.wait_indirect_dma semaphore(%run_scoped3A : memref<!tpu.dma_semaphore, #tpu.memory_space<semaphore_mem>>) src(%arg8 : memref<125x128xf32, #tpu.memory_space<vmem>>) dst(%dma_wait3A_1087 : memref<10000x128xf32, #tpu.memory_space<vmem_shared>>)
        tpu.yield
      }) : () -> ()
    }
    %scan3A_939 = arith.constant 10 : i32
    %dma_wait3A_940 = arith.constant 0 : i32
    %dma_wait3A_941 = arith.constant 0 : i32
    %dma_wait3A_942 = tpu.memref_slice %arg5[%dma_wait3A_940, %dma_wait3A_941] : memref<40x125xi32, #tpu.memory_space<vmem>> -> memref<1x125xi32, #tpu.memory_space<vmem>>
    %dma_wait3A_943 = tpu.memref_squeeze %dma_wait3A_942 : memref<1x125xi32, #tpu.memory_space<vmem>> -> memref<125xi32, #tpu.memory_space<vmem>>
    %dma_wait3A_944 = arith.constant 0 : i32
    %dma_wait3A_945 = arith.constant 0 : i32
    %dma_wait3A_946 = tpu.memref_slice %arg2[%dma_wait3A_944, %dma_wait3A_945] : memref<10000x128xf32, #tpu.memory_space<hbm>> -> memref<10000x128xf32, #tpu.memory_space<hbm>>
    tpu.wait_indirect_dma semaphore(%arg11 : memref<!tpu.dma_semaphore, #tpu.memory_space<semaphore_mem>>) src(%dma_wait3A_946 : memref<10000x128xf32, #tpu.memory_space<hbm>>) dst(%arg7 : memref<125x128xf32, #tpu.memory_space<vmem>>)
    %barrier3A_947 = arith.constant 0 : index
    tpu.barrier barrier_id(%barrier3A_947)
    %add3A_948 = arith.constant 0 : i32
    %add3A_949 = arith.addi %arg1, %add3A_948 : i32
    %lt3A_950 = arith.constant 25 : i32
    %lt3A_951 = arith.cmpi slt, %add3A_949, %lt3A_950 : i32
    %convert_element_type3A_952 = arith.extui %lt3A_951 : i1 to i32
    %cond3A_953 = arith.constant 0 : i32
    %cond3A_954 = arith.cmpi ne, %convert_element_type3A_952, %cond3A_953 : i32
    scf.if %cond3A_954 {
      %mul3A_977 = arith.constant 400 : i32
      %mul3A_978 = arith.muli %add3A_949, %mul3A_977 : i32
      %dma_start3A_979 = arith.constant 0 : i32
      %dma_start3A_980 = tpu.memref_slice %arg4[%add3A_490, %mul3A_978, %dma_start3A_979] : memref<4x10000x128xf32, #tpu.memory_space<hbm>> -> memref<1x400x128xf32, #tpu.memory_space<hbm>>
      %dma_start3A_981 = tpu.memref_squeeze %dma_start3A_980 : memref<1x400x128xf32, #tpu.memory_space<hbm>> -> memref<400x128xf32, #tpu.memory_space<hbm>>
      %dma_start3A_982 = arith.constant 0 : i32
      %dma_start3A_983 = tpu.memref_slice %arg10[%mul3A_978, %dma_start3A_982] : memref<10000x128xf32, #tpu.memory_space<vmem_shared>> -> memref<400x128xf32, #tpu.memory_space<vmem_shared>>
      tpu.enqueue_dma source(%dma_start3A_983 : memref<400x128xf32, #tpu.memory_space<vmem_shared>>) target(%dma_start3A_981 : memref<400x128xf32, #tpu.memory_space<hbm>>) target_semaphore(%arg11 : memref<!tpu.dma_semaphore, #tpu.memory_space<semaphore_mem>>)
    } else {
    }
    %add3A_955 = arith.constant 16 : i32
    %add3A_956 = arith.addi %arg1, %add3A_955 : i32
    %lt3A_957 = arith.constant 25 : i32
    %lt3A_958 = arith.cmpi slt, %add3A_956, %lt3A_957 : i32
    %convert_element_type3A_959 = arith.extui %lt3A_958 : i1 to i32
    %cond3A_960 = arith.constant 0 : i32
    %cond3A_961 = arith.cmpi ne, %convert_element_type3A_959, %cond3A_960 : i32
    scf.if %cond3A_961 {
      %mul3A_977 = arith.constant 400 : i32
      %mul3A_978 = arith.muli %add3A_956, %mul3A_977 : i32
      %dma_start3A_979 = arith.constant 0 : i32
      %dma_start3A_980 = tpu.memref_slice %arg4[%add3A_490, %mul3A_978, %dma_start3A_979] : memref<4x10000x128xf32, #tpu.memory_space<hbm>> -> memref<1x400x128xf32, #tpu.memory_space<hbm>>
      %dma_start3A_981 = tpu.memref_squeeze %dma_start3A_980 : memref<1x400x128xf32, #tpu.memory_space<hbm>> -> memref<400x128xf32, #tpu.memory_space<hbm>>
      %dma_start3A_982 = arith.constant 0 : i32
      %dma_start3A_983 = tpu.memref_slice %arg10[%mul3A_978, %dma_start3A_982] : memref<10000x128xf32, #tpu.memory_space<vmem_shared>> -> memref<400x128xf32, #tpu.memory_space<vmem_shared>>
      tpu.enqueue_dma source(%dma_start3A_983 : memref<400x128xf32, #tpu.memory_space<vmem_shared>>) target(%dma_start3A_981 : memref<400x128xf32, #tpu.memory_space<hbm>>) target_semaphore(%arg11 : memref<!tpu.dma_semaphore, #tpu.memory_space<semaphore_mem>>)
    } else {
    }
    %add3A_962 = arith.constant 0 : i32
    %add3A_963 = arith.addi %arg1, %add3A_962 : i32
    %lt3A_964 = arith.constant 25 : i32
    %lt3A_965 = arith.cmpi slt, %add3A_963, %lt3A_964 : i32
    %convert_element_type3A_966 = arith.extui %lt3A_965 : i1 to i32
    %cond3A_967 = arith.constant 0 : i32
    %cond3A_968 = arith.cmpi ne, %convert_element_type3A_966, %cond3A_967 : i32
    scf.if %cond3A_968 {
      %mul3A_977 = arith.constant 400 : i32
      %mul3A_978 = arith.muli %add3A_963, %mul3A_977 : i32
      %dma_wait3A_979 = arith.constant 0 : i32
      %dma_wait3A_980 = tpu.memref_slice %arg4[%add3A_490, %mul3A_978, %dma_wait3A_979] : memref<4x10000x128xf32, #tpu.memory_space<hbm>> -> memref<1x400x128xf32, #tpu.memory_space<hbm>>
      %dma_wait3A_981 = tpu.memref_squeeze %dma_wait3A_980 : memref<1x400x128xf32, #tpu.memory_space<hbm>> -> memref<400x128xf32, #tpu.memory_space<hbm>>
      %dma_wait3A_982 = arith.constant 0 : i32
      %dma_wait3A_983 = tpu.memref_slice %arg10[%mul3A_978, %dma_wait3A_982] : memref<10000x128xf32, #tpu.memory_space<vmem_shared>> -> memref<400x128xf32, #tpu.memory_space<vmem_shared>>
      tpu.wait_dma2 semaphore(%arg11 : memref<!tpu.dma_semaphore, #tpu.memory_space<semaphore_mem>>) src(%dma_wait3A_983 : memref<400x128xf32, #tpu.memory_space<vmem_shared>>) dst(%dma_wait3A_981 : memref<400x128xf32, #tpu.memory_space<hbm>>)
    } else {
    }
    %add3A_969 = arith.constant 16 : i32
    %add3A_970 = arith.addi %arg1, %add3A_969 : i32
    %lt3A_971 = arith.constant 25 : i32
    %lt3A_972 = arith.cmpi slt, %add3A_970, %lt3A_971 : i32
    %convert_element_type3A_973 = arith.extui %lt3A_972 : i1 to i32
    %cond3A_974 = arith.constant 0 : i32
    %cond3A_975 = arith.cmpi ne, %convert_element_type3A_973, %cond3A_974 : i32
    scf.if %cond3A_975 {
      %mul3A_977 = arith.constant 400 : i32
      %mul3A_978 = arith.muli %add3A_970, %mul3A_977 : i32
      %dma_wait3A_979 = arith.constant 0 : i32
      %dma_wait3A_980 = tpu.memref_slice %arg4[%add3A_490, %mul3A_978, %dma_wait3A_979] : memref<4x10000x128xf32, #tpu.memory_space<hbm>> -> memref<1x400x128xf32, #tpu.memory_space<hbm>>
      %dma_wait3A_981 = tpu.memref_squeeze %dma_wait3A_980 : memref<1x400x128xf32, #tpu.memory_space<hbm>> -> memref<400x128xf32, #tpu.memory_space<hbm>>
      %dma_wait3A_982 = arith.constant 0 : i32
      %dma_wait3A_983 = tpu.memref_slice %arg10[%mul3A_978, %dma_wait3A_982] : memref<10000x128xf32, #tpu.memory_space<vmem_shared>> -> memref<400x128xf32, #tpu.memory_space<vmem_shared>>
      tpu.wait_dma2 semaphore(%arg11 : memref<!tpu.dma_semaphore, #tpu.memory_space<semaphore_mem>>) src(%dma_wait3A_983 : memref<400x128xf32, #tpu.memory_space<vmem_shared>>) dst(%dma_wait3A_981 : memref<400x128xf32, #tpu.memory_space<hbm>>)
    } else {
    }
    %barrier3A_976 = arith.constant 0 : index
    tpu.barrier barrier_id(%barrier3A_976)
    return
  }
}

</mosaic_0001>

<sc_bundles>
// kernel: _sc_aggregate.3.cloned.1.call-start
scs
__scs_entry_jumppad:
0x0: {  	(pc) =	sbr.rel $0x88, $3  }
0x1: {  	(tag) =	ssettag $0x0;
	lr =	simm.s32 $0x1  }
0x2: {  	[smem:$0x3F9F] =	sst lr;
	_ =	strace $0xD0000000  }
0x3: {  	_ = 	snop  }
0x4: {  	_ = 	snop  }
0x5: {  	_ = 	snop  }
0x6: {  	_ = 	snop  }
0x7: {  	_ = 	snop  }
__scs_overlays_trampoline_lowered:
0x8: {  	[smem:$0x3FAE] =	sst s0  }
0x9: {  	[smem:$0x3FAF] =	sst s1  }
0xa: {  	[smem:$0x3FB0] =	sst s2  }
0xb: {  	[smem:$0x3FB1] =	sst s3  }
0xc: {  	[smem:$0x3FB2] =	sst s4  }
0xd: {  	[smem:$0x3FB3] =	sst s5  }
0xe: {  	[smem:$0x3FB4] =	sst s6  }
0xf: {  	[smem:$0x3FB5] =	sst s7  }
0x10: {  	[smem:$0x3FB6] =	sst s8  }
0x11: {  	[smem:$0x3FB7] =	sst s9;
	s0 =	simm.s32 @!p0 $0x0  }
0x12: {  	s1 =	sld [smem:$0x3F9D];
	s0 =	simm.s32 @p0 $0x1  }
0x13: {  	[smem:$0x3FB8] =	sst s0;
	s0 =	simm.s32 @!p1 $0x0  }
0x14: {  	s2 =	sld [smem:$0x3F9C];
	s0 =	simm.s32 @p1 $0x1  }
0x15: {  	[smem:$0x3FB9] =	sst s0;
	s0 =	simm.s32 @!p2 $0x0  }
0x16: {  	s3 =	sld [smem:$0x3FDB];
	s0 =	simm.s32 @p2 $0x1  }
0x17: {  	s4 =	simm.s32 $0x1BF5;
	[smem:$0x3FBB] =	sst s0  }
0x18: {  	s0 =	sld [smem:$0x3F9E];
	_ =	swait.ge [sflag:s4], $0x0  }
0x19: {  	s7 =	sld [smem:$0x3F9F]  }
0x1a: {  	s8 =	sadd.s32 $0xFFFFE003, lr  }
0x1b: {  	s9 =	sadd.s32 $0xFFFFFEF7, lr;
	s5 =	simm.s32 $0xFFFFFFFF;
	p2 =	slt.u32 s8, $0xFFFFF086  }
0x1c: {  	p1 =	slt.u32 s9, $0xF7A;
	s5 =	simm.s32 @!p2 $0x0  }
0x1d: {  	s5 =	simm.s32 @p1 $0x1;
	p0 =	seq.s32 s7, s2  }
0x1e: {  	s7 =	smul.u32 @!p0 $0xF7A, s2;
	p2 =	seq.s32 @!p0 s5, $0x0  }
0x1f: {  	s9 =	smul.u32 $0xF7A, s1;
	s8 =	simm.s32 @!p0 $0x1BF5;
	p2 =	por !p2, p0  }
0x20: {  	[sflag:s8] =	ssyncset.s32 @!p0 $0xFFFFF086;
	s6 =	sadd.s32 @!p0 s3, s7;
	s7 =	simm.s32 @!p0 $0x108  }
0x21: {  	s3 =	sadd.s32 s3, s9;
	s6 =	sadd.s32 @!p0 $0x88, s6;
	s7 =	simm.s32 @p2 $0x1082  }
0x22: {  	[simem:s7], [sflag:s8] =	dma.local @!p0 [hbm:s6], $0xF7A  }
0x23: {  	s9 =	sor.u32 $0xD0000000, s2;
	s6 =	simm.s32 $0x108;
	_ =	swait.ge @!p0 [sflag:s8], $0x0  }
0x24: {  	s3 =	sadd.s32 $0x88, s3;
	s6 =	simm.s32 @!p1 $0x1082;
	[sflag:s4] =	ssyncset.s32 $0xFFFFF086  }
0x25: {  	[simem:s6], [sflag:s4] =	dma.local [hbm:s3], $0xF7A  }
0x26: {  	[smem:$0x3F9F] =	sst s1;
	(tag) =	ssettag s2;
	_ =	strace s9  }
0x27: {  	s1 =	sld [smem:$0x3FAF]  }
0x28: {  	s2 =	sld [smem:$0x3FB0]  }
0x29: {  	s4 =	sld [smem:$0x3FB2]  }
0x2a: {  	p0 =	seq.s32 s5, $0x0;
	s5 =	sld [smem:$0x3FB3]  }
0x2b: {  	s6 =	sld [smem:$0x3FB4]  }
0x2c: {  	s7 =	sld [smem:$0x3FB5]  }
0x2d: {  	s3 =	simm.s32 $0x108;
	s8 =	sld [smem:$0x3FB6]  }
0x2e: {  	s3 =	simm.s32 @!p0 $0x1082;
	s9 =	sld [smem:$0x3FB7]  }
0x2f: {  	lr =	sadd.s32 s0, s3;
	s0 =	sld [smem:$0x3FAE]  }
0x30: {  	s3 =	sld [smem:$0x3FB1]  }
0x31: {  	[smem:$0x3FBA] =	sst s10  }
0x32: {  	s10 =	sld [smem:$0x3FB8];
	_ =	sdelay $0x3  }
0x33: {  	p0 =	seq.s32 s10, $0x1;
	s10 =	sld [smem:$0x3FBA];
	_ =	sdelay $0x3  }
0x34: {  	[smem:$0x3FBA] =	sst s10  }
0x35: {  	s10 =	sld [smem:$0x3FB9];
	_ =	sdelay $0x3  }
0x36: {  	p1 =	seq.s32 s10, $0x1;
	s10 =	sld [smem:$0x3FBA];
	_ =	sdelay $0x3  }
0x37: {  	[smem:$0x3FBA] =	sst s10  }
0x38: {  	s10 =	sld [smem:$0x3FBB]  }
0x39: {  	_ = 	snop;
	(pc) =	sbr.ind lr, $3  }
0x3a: {  	_ = 	snop  }
0x3b: {  	_ = 	snop  }
0x3c: {  	p2 =	seq.s32 s10, $0x1;
	s10 =	sld [smem:$0x3FBA]  }
0x3d: {  	_ =	shalt  }
0x3e: {  	_ =	shalt  }
0x3f: {  	_ =	shalt  }
0x40: {  	_ =	shalt  }
0x41: {  	_ =	shalt  }
0x42: {  	_ =	shalt  }
0x43: {  	_ =	shalt  }
0x44: {  	_ =	shalt  }
0x45: {  	_ =	shalt  }
0x46: {  	_ =	shalt  }
0x47: {  	_ =	shalt  }
0x48: {  	_ =	shalt  }
0x49: {  	_ =	shalt  }
0x4a: {  	_ =	shalt  }
0x4b: {  	_ =	shalt  }
0x4c: {  	_ =	shalt  }
0x4d: {  	_ =	shalt  }
0x4e: {  	_ =	shalt  }
0x4f: {  	_ =	shalt  }
0x50: {  	_ =	shalt  }
0x51: {  	_ =	shalt  }
0x52: {  	_ =	shalt  }
0x53: {  	_ =	shalt  }
0x54: {  	_ =	shalt  }
0x55: {  	_ =	shalt  }
0x56: {  	_ =	shalt  }
0x57: {  	_ =	shalt  }
0x58: {  	_ =	shalt  }
0x59: {  	_ =	shalt  }
0x5a: {  	_ =	shalt  }
0x5b: {  	_ =	shalt  }
0x5c: {  	_ =	shalt  }
0x5d: {  	_ =	shalt  }
0x5e: {  	_ =	shalt  }
0x5f: {  	_ =	shalt  }
0x60: {  	_ =	shalt  }
0x61: {  	_ =	shalt  }
0x62: {  	_ =	shalt  }
0x63: {  	_ =	shalt  }
0x64: {  	_ =	shalt  }
0x65: {  	_ =	shalt  }
0x66: {  	_ =	shalt  }
0x67: {  	_ =	shalt  }
0x68: {  	_ =	shalt  }
0x69: {  	_ =	shalt  }
0x6a: {  	_ =	shalt  }
0x6b: {  	_ =	shalt  }
0x6c: {  	_ =	shalt  }
0x6d: {  	_ =	shalt  }
0x6e: {  	_ =	shalt  }
0x6f: {  	_ =	shalt  }
0x70: {  	_ =	shalt  }
0x71: {  	_ =	shalt  }
0x72: {  	_ =	shalt  }
0x73: {  	_ =	shalt  }
0x74: {  	_ =	shalt  }
0x75: {  	_ =	shalt  }
0x76: {  	_ =	shalt  }
0x77: {  	_ =	shalt  }
0x78: {  	_ =	shalt  }
0x79: {  	_ =	shalt  }
0x7a: {  	_ =	shalt  }
0x7b: {  	_ =	shalt  }
0x7c: {  	_ =	shalt  }
0x7d: {  	_ =	shalt  }
0x7e: {  	_ =	shalt  }
0x7f: {  	_ =	shalt  }
0x80: {  	_ =	shalt  }
0x81: {  	_ =	shalt  }
0x82: {  	_ =	shalt  }
0x83: {  	_ =	shalt  }
0x84: {  	_ =	shalt  }
0x85: {  	_ =	shalt  }
0x86: {  	_ =	shalt  }
0x87: {  	_ =	shalt  }
.Lfunc_end0:
.L_simem_size_0:
called_computation_lowered:
.L_overlay_start_0:
0x88: {  	s2 =	sld [smem:$0x3FD9]  }
0x89: {  	s3 =	sld [smem:$0x3FFE];
	_ =	sdelay $0x1  }
0x8a: {  	s1 =	srdreg.scid  }
0x8b: {  	s0 =	sand.u32 $0x1, s1  }
0x8c: {  	s18 =	sshll.u32 s0, $0xA;
	s2 =	sadd.s32 s3, s2  }
0x8d: {  	s2 =	sadd.s32 s2, s18  }
0x8e: {  	[smem:$0x3FC6] =	sst s2  }
0x8f: {  	_ = 	snop  }
0x90: {  	s2 =	sld [smem:$0x3FC9]  }
0x91: {  	s19 =	sld [smem:$0x3FC8]  }
0x92: {  	s4 =	sld [smem:$0x3FD0];
	(tm) =	ssettm $0x1  }
0x93: {  	s5 =	sld [smem:$0x3FFB];
	_ =	sdelay $0x3  }
0x94: {  	_ =	strace s5  }
0x95: {  	s5 =	sld [smem:$0x3FFC];
	_ =	sdelay $0x3  }
0x96: {  	_ =	strace s5  }
0x97: {  	s5 =	sld [smem:$0x3FFD];
	_ =	sdelay $0x3  }
0x98: {  	_ =	strace s5  }
0x99: {  	_ =	strace $0x8FFFFFFF  }
0x9a: {  	s20 =	sld [smem:$0x3FDB];
	_ =	sdelay $0x1  }
0x9b: {  	s6 =	simm.s32 $_scs_section_size  }
0x9c: {  	s7 =	simm.s32 $_size__tile_overlayer_lowered;
	s8 =	simm.s32 $_tile_overlayer_lowered  }
0x9d: {  	s23 =	simm.s32 $0x1BFF;
	s22 =	sshll.u32 s8, $0x1;
	s5 =	sadd.s32 s6, s20  }
0x9e: {  	s9 =	simm.s32 $0x0;
	s21 =	sshll.u32 s7, $0x1;
	s7 =	sadd.s32 s22, s5  }
0x9f: {  	[timem:s9], [sflag:s23] =	dma.local [hbm:s7], s21  }
0xa0: {  	_ =	swait.ge [sflag:s23], s21  }
0xa1: {  	s6 =	ssub.s32 $0x0, s21;
	[sflag:s23] =	ssyncset.done $0x0  }
0xa2: {  	[sflag:s23] =	ssyncadd.s32 s6;
	_ =	sdelay $0x1  }
0xa3: {  	s24 =	simm.s32 $0x1B8B  }
0xa4: {  	_ =	swait.ge [sflag:s24], $0x1  }
0xa5: {  	[sflag:s24] =	ssyncset.done $0x0  }
0xa6: {  	s25 =	simm.s32 $0x1B8E;
	[sflag:s24] =	ssyncadd.s32 $0xFFFFFFFF  }
0xa7: {  	s26 =	simm.s32 $execute0_lowered;
	[smem:$0x3FD2] =	sst s25  }
0xa8: {  	s6 =	sshll.u32 s26, $0x1;
	_ =	strace $0x80000046;
	[dreg:$0x1] =	wrdreg $0xFFFFFFFF  }
0xa9: {  	s28 =	simm.s32 $_size_execute0_lowered;
	s5 =	sadd.s32 s5, s6;
	[dreg:$0x0] =	wrdreg $0x0  }
0xaa: {  	s6 =	sshll.u32 s28, $0x1;
	[dreg:$0x2] =	wrdreg s5  }
0xab: {  	[dreg:$0x3] =	wrdreg s6  }
0xac: {  	[dreg:$0x4] =	wrdreg $0xC0  }
0xad: {  	_ =	task [dreg:s9], $0x5FFFF  }
0xae: {  	[dreg:$0x1] =	wrdreg $0xFFFFFFFF  }
0xaf: {  	[dreg:$0x0] =	wrdreg $0x60  }
0xb0: {  	[dreg:$0x2] =	wrdreg s2  }
0xb1: {  	[dreg:$0x3] =	wrdreg s19  }
0xb2: {  	[dreg:$0x4] =	wrdreg s4  }
0xb3: {  	[dreg:$0x5] =	wrdreg $0xB8000  }
0xb4: {  	[dreg:$0x6] =	wrdreg $0x9  }
0xb5: {  	_ =	task.clear_ibuf [dreg:s9], $0x7FFFF;
	_ =	strace $0x90000046  }
0xb6: {  	s29 =	simm.s32 $0x9;
	_ =	strace $0x80000048  }
0xb7: {  	_ =	swait.ge [sflag:s29], $0x1  }
0xb8: {  	[sflag:s29] =	ssyncadd.s32 $0xFFFFFFFF  }
0xb9: {  	_ =	strace $0x90000048  }
0xba: {  	_ =	sfence  }
0xbb: {  	s30 =	sld [smem:$0x0];
	_ =	sdelay $0x2  }
0xbc: {  	s31 =	sshll.u32 s1, $0xD;
	s1 =	sshrl.u32 s1, $0x2  }
0xbd: {  	s3 =	sand.u32 $0x4000, s31;
	s1 =	sadd.s32 s1, s30  }
0xbe: {  	s0 =	sor.u32 s3, s0;
	s1 =	sshll.u32 s1, $0x11  }
0xbf: {  	s0 =	sor.u32 s1, s0  }
0xc0: {  	s0 =	sadd.s32 $0x8F2B, s0  }
0xc1: {  	[sflag:s0] =	ssyncadd.remote.s32 $0x1  }
0xc2: {  	_ =	sfence.sel $0xFFFF  }
0xc3: {  	[dreg:$0x0] =	wrdreg $0xFFFFFFFF;
	(pc) =	sbr.abs _section_cstart, $3  }
0xc4: {  	[dreg:$0x1] =	wrdreg $0xFFFFFFFF  }
0xc5: {  	_ =	task.clear_ibuf [dreg:s9], $0x2FFFF;
	_ =	strace $0x9FFFFFFF  }
0xc6: {  	(tm) =	ssettm $0x7FFFFFFF  }
0xc7: {  	_ =	shalt  }
tec
execute0_lowered:
.L_overlay_start_1:
0x0: {  	(tag) =	ssettag $0x1  }
0x1: {  	s1 =	rddreg [dreg:$0x0]  }
0x2: {  	s0 =	rddreg [dreg:$0x1]  }
0x3: {  	s2 =	rddreg [dreg:$0x2]  }
0x4: {  	s3 =	rddreg [dreg:$0x3];
	s14 =	stileid.u32  }
0x5: {  	s4 =	srdreg.scid;
	s17 =	simm.s32 $0x0;
	s5 =	smul.u32 $0x4E200, s14  }
0x6: {  	s4 =	sand.u32 $0x1, s4;
	[smem:$0x7FF] =	sst s17;
	s26 =	smul.u32 $0x1400, s14  }
0x7: {  	s11 =	smul.u32 $0xC800, s14;
	s12 =	sor.u32 $0x10, s14;
	p0 =	sgt.u32 s14, $0x8  }
0x8: {  	s6 =	ssub.s32 $0x2, s4;
	_ =	strace $0x80000047;
	s15 =	smul.u32 $0x50000, s4  }
0x9: {  	s16 =	smul.u32 $0x271000, s4;
	s4 =	sshllo.u32 s4, $0x1;
	s5 =	sshrl.u32 s5, $0x2  }
0xa: {  	s7 =	sshrl.u32 s6, $0x1;
	s19 =	smul.u32 $0x28000, s4;
	s5 =	sadd.s32 s5, s3  }
0xb: {  	s4 =	smul.u32 $0x138800, s4;
	s6 =	ssub.s32 s6, s7;
	s22 =	sadd.s32 $0xC80, s5  }
0xc: {  	s20 =	sadd.s32 s11, s16;
	s23 =	sadd.s32 $0x1900, s5;
	[dreg:$0x5] =	wrdreg s22  }
0xd: {  	s24 =	sadd.s32 $0x2580, s5;
	s25 =	sadd.s32 $0x3200, s5;
	[dreg:$0x6] =	wrdreg s23  }
0xe: {  	s8 =	sadd.s32 $0x3E80, s5;
	s13 =	sadd.s32 $0x4B00, s5;
	[dreg:$0x7] =	wrdreg s24  }
0xf: {  	s9 =	sadd.s32 $0x5780, s5;
	s10 =	sadd.s32 $0x6400, s5;
	[dreg:$0x8] =	wrdreg s25  }
0x10: {  	s18 =	sadd.s32 $0x7080, s5;
	s7 =	sadd.s32 s26, s19;
	[dreg:$0x9] =	wrdreg s8  }
0x11: {  	s21 =	sshrl.u32 s20, $0x3;
	s28 =	sadd.s32 $0xA280, s5;
	[dreg:$0xa] =	wrdreg s13  }
0x12: {  	s29 =	sadd.s32 $0xAF00, s5;
	s30 =	sadd.s32 $0xBB80, s5;
	[dreg:$0xb] =	wrdreg s9  }
0x13: {  	s31 =	sadd.s32 $0xC800, s5;
	s19 =	sadd.s32 $0xFA00, s5;
	[dreg:$0xc] =	wrdreg s10  }
0x14: {  	s20 =	sadd.s32 $0x10680, s5;
	[dreg:$0xd] =	wrdreg s18;
	s13 =	smul.u32 $0xC800, s12  }
0x15: {  	s8 =	sadd.s32 s26, s15;
	s7 =	sshrl.u32 s7, $0x3;
	s22 =	smul.u32 $0x32000, s14  }
0x16: {  	s24 =	sadd.s32 s11, s4;
	s25 =	sadd.s32 $0x7D00, s5;
	s26 =	smul.u32 $0x32000, s12  }
0x17: {  	s18 =	sadd.s32 $0xED80, s5;
	s14 =	simm.s32 $0x1280;
	s9 =	simm.s32 $0x0  }
0x18: {  	s8 =	sshrl.u32 s8, $0x3;
	s10 =	sadd.s32 s0, s7;
	[dreg:$0x10] =	wrdreg s25  }
0x19: {  	s11 =	sshrl.u32 s24, $0x3;
	s24 =	sadd.s32 $0x12C00, s5;
	s15 =	sadd.s32 s0, s8  }
0x1a: {  	s23 =	sadd.s32 s16, s13;
	s4 =	sadd.s32 s13, s4;
	s8 =	sadd.s32 s2, s21  }
0x1b: {  	s0 =	sshrl.u32 s22, $0x2;
	s22 =	sadd.s32 $0x8980, s5;
	s13 =	smax.u32 s6, $0x1  }
0x1c: {  	s21 =	sadd.s32 $0x11300, s5;
	[dreg:$0xf] =	wrdreg s10;
	s25 =	sadd.s32 $0x2800, s10  }
0x1d: {  	s6 =	simm.s32 $0x2800;
	[dreg:$0x11] =	wrdreg s8;
	s7 =	sshrl.u32 s23, $0x3  }
0x1e: {  	s4 =	sshrl.u32 s4, $0x3;
	s8 =	sshrl.u32 s26, $0x2;
	[dreg:$0x17] =	wrdreg s13  }
0x1f: {  	s0 =	sadd.s32 s0, s3;
	s26 =	sadd.s32 $0x9600, s5;
	[dreg:$0xe] =	wrdreg s15  }
0x20: {  	s23 =	sadd.s32 $0x11F80, s5;
	s16 =	sadd.s32 $0x2800, s15;
	[dreg:$0x19] =	wrdreg s25  }
0x21: {  	s15 =	simm.s32 $0x1;
	s25 =	simm.s32 $0x2;
	[dreg:$0x15] =	wrdreg s0  }
0x22: {  	s7 =	sadd.s32 s2, s7;
	s12 =	sadd.s32 s8, s3;
	[dreg:$0x18] =	wrdreg s16  }
0x23: {  	s0 =	sadd.s32 $0xE100, s5;
	s16 =	simm.s32 $0xA800;
	[dreg:$0x12] =	wrdreg s7  }
0x24: {  	s8 =	simm.s32 $0x3;
	s7 =	sadd.s32 s2, s11;
	[dreg:$0x16] =	wrdreg s12  }
0x25: {  	s2 =	sadd.s32 s2, s4;
	s4 =	simm.s32 $0x7D;
	[dreg:$0x13] =	wrdreg s7  }
0x26: {  	v0 =	vimm.f32 $0.0e+00;
	[dreg:$0x14] =	wrdreg s2;
	s2 =	sadd.s32 $0xD480, s5;
	s7 =	simm.s32 $0x6800  }
.LBB2_1:
0x27: {  	s10 =	sand.u32 $0x3E00, s17  }
0x28: {  	s11 =	sand.u32 $0x70, s17;
	s12 =	sshrl.u32 s10, $0x2  }
0x29: {  	s10 =	simm.s32 $0x40;
	s12 =	sor.u32 s11, s12;
	s11 =	simm.s32 $0x0  }
.LBB2_2:
0x2a: {  	p1 =	sne.s32 s10, $0x31C0  }
0x2b: {  	[tilespmem:s12+$0xA800] =	vst v0;
	s11 =	sadd.s32 $0x10, s11;
	s12 =	smov.u32 s10;
	s10 =	sadd.s32 $0x40, s10  }
.Ltmp0:
0x2c: {  	(pc) =	sbr.rel @p1 .LBB2_2-.Ltmp0, $4  }
0x2d: {  	_ = 	snop  }
0x2e: {  	s12 =	sand.u32 $0x3E00, s12  }
0x2f: {  	s13 =	sand.u32 $0x70, s11;
	s12 =	sshrl.u32 s12, $0x2  }
0x30: {  	s12 =	sor.u32 s13, s12  }
0x31: {  	[tilespmem:s12+$0xA800] =	vst v0  }
0x32: {  	[spmem:s5] =	stream.linear.scatter [tilespmem:s16], [sflag:$0x1], $0xC80, $0x38;
	[tilespmem:$0x1F080] =	vst v63  }
0x33: {  	s10 =	rddreg [dreg:$0x5]  }
0x34: {  	[spmem:s10] =	stream.linear.scatter [tilespmem:s16], [sflag:$0x1], $0xC80, $0x38;
	[tilespmem:$0x1F080] =	vst v63  }
0x35: {  	s12 =	rddreg [dreg:$0x6]  }
0x36: {  	[spmem:s12] =	stream.linear.scatter [tilespmem:s16], [sflag:$0x1], $0xC80, $0x38;
	[tilespmem:$0x1F080] =	vst v63  }
0x37: {  	s13 =	rddreg [dreg:$0x7]  }
0x38: {  	[spmem:s13] =	stream.linear.scatter [tilespmem:s16], [sflag:$0x1], $0xC80, $0x38;
	[tilespmem:$0x1F080] =	vst v63  }
0x39: {  	s11 =	rddreg [dreg:$0x8]  }
0x3a: {  	[spmem:s11] =	stream.linear.scatter [tilespmem:s16], [sflag:$0x1], $0xC80, $0x38;
	[tilespmem:$0x1F080] =	vst v63  }
0x3b: {  	s12 =	rddreg [dreg:$0x9]  }
0x3c: {  	[spmem:s12] =	stream.linear.scatter [tilespmem:s16], [sflag:$0x1], $0xC80, $0x38;
	[tilespmem:$0x1F080] =	vst v63  }
0x3d: {  	s13 =	rddreg [dreg:$0xa]  }
0x3e: {  	[spmem:s13] =	stream.linear.scatter [tilespmem:s16], [sflag:$0x1], $0xC80, $0x38;
	[tilespmem:$0x1F080] =	vst v63  }
0x3f: {  	s11 =	rddreg [dreg:$0xb]  }
0x40: {  	[spmem:s11] =	stream.linear.scatter [tilespmem:s16], [sflag:$0x1], $0xC80, $0x38;
	[tilespmem:$0x1F080] =	vst v63  }
0x41: {  	s12 =	rddreg [dreg:$0xc]  }
0x42: {  	[spmem:s12] =	stream.linear.scatter [tilespmem:s16], [sflag:$0x1], $0xC80, $0x38;
	[tilespmem:$0x1F080] =	vst v63  }
0x43: {  	s13 =	rddreg [dreg:$0xd]  }
0x44: {  	[spmem:s13] =	stream.linear.scatter [tilespmem:s16], [sflag:$0x1], $0xC80, $0x38;
	[tilespmem:$0x1F080] =	vst v63  }
0x45: {  	s11 =	rddreg [dreg:$0x10]  }
0x46: {  	[spmem:s11] =	stream.linear.scatter [tilespmem:s16], [sflag:$0x1], $0xC80, $0x38;
	[tilespmem:$0x1F080] =	vst v63  }
0x47: {  	_ = 	snop  }
0x48: {  	[spmem:s22] =	stream.linear.scatter [tilespmem:s16], [sflag:$0x1], $0xC80, $0x38;
	[tilespmem:$0x1F080] =	vst v63  }
0x49: {  	_ = 	snop  }
0x4a: {  	[spmem:s26] =	stream.linear.scatter [tilespmem:s16], [sflag:$0x1], $0xC80, $0x38;
	[tilespmem:$0x1F080] =	vst v63  }
0x4b: {  	_ = 	snop  }
0x4c: {  	[spmem:s28] =	stream.linear.scatter [tilespmem:s16], [sflag:$0x1], $0xC80, $0x38;
	[tilespmem:$0x1F080] =	vst v63  }
0x4d: {  	_ = 	snop  }
0x4e: {  	[spmem:s29] =	stream.linear.scatter [tilespmem:s16], [sflag:$0x1], $0xC80, $0x38;
	[tilespmem:$0x1F080] =	vst v63  }
0x4f: {  	_ = 	snop  }
0x50: {  	[spmem:s30] =	stream.linear.scatter [tilespmem:s16], [sflag:$0x1], $0xC80, $0x38;
	[tilespmem:$0x1F080] =	vst v63  }
0x51: {  	_ = 	snop  }
0x52: {  	[spmem:s31] =	stream.linear.scatter [tilespmem:s16], [sflag:$0x1], $0xC80, $0x38;
	[tilespmem:$0x1F080] =	vst v63  }
0x53: {  	_ = 	snop  }
0x54: {  	[spmem:s2] =	stream.linear.scatter [tilespmem:s16], [sflag:$0x1], $0xC80, $0x38;
	[tilespmem:$0x1F080] =	vst v63  }
0x55: {  	_ = 	snop  }
0x56: {  	[spmem:s0] =	stream.linear.scatter [tilespmem:s16], [sflag:$0x1], $0xC80, $0x38;
	[tilespmem:$0x1F080] =	vst v63  }
0x57: {  	_ = 	snop  }
0x58: {  	[spmem:s18] =	stream.linear.scatter [tilespmem:s16], [sflag:$0x1], $0xC80, $0x38;
	[tilespmem:$0x1F080] =	vst v63  }
0x59: {  	_ = 	snop  }
0x5a: {  	[spmem:s19] =	stream.linear.scatter [tilespmem:s16], [sflag:$0x1], $0xC80, $0x38;
	[tilespmem:$0x1F080] =	vst v63  }
0x5b: {  	_ = 	snop  }
0x5c: {  	[spmem:s20] =	stream.linear.scatter [tilespmem:s16], [sflag:$0x1], $0xC80, $0x38;
	[tilespmem:$0x1F080] =	vst v63  }
0x5d: {  	_ = 	snop  }
0x5e: {  	[spmem:s21] =	stream.linear.scatter [tilespmem:s16], [sflag:$0x1], $0xC80, $0x38;
	[tilespmem:$0x1F080] =	vst v63  }
0x5f: {  	_ = 	snop  }
0x60: {  	[spmem:s23] =	stream.linear.scatter [tilespmem:s16], [sflag:$0x1], $0xC80, $0x38;
	[tilespmem:$0x1F080] =	vst v63  }
0x61: {  	_ = 	snop  }
0x62: {  	[spmem:s24] =	stream.linear.scatter [tilespmem:s16], [sflag:$0x1], $0xC80, $0x38;
	[tilespmem:$0x1F080] =	vst v63  }
0x63: {  	s10 =	simm.s32 $0x0;
	s11 =	rddreg [dreg:$0xe]  }
0x64: {  	[tilespmem:s10], [sflag:$0x2] =	stream.linear.gather [hbm4b:s11+s10], $0x1400, $0x38;
	[tilespmem:$0x1F080] =	vst v63  }
0x65: {  	s12 =	rddreg [dreg:$0x18];
	s13 =	simm.s32 $0x1400  }
0x66: {  	[tilespmem:s13], [sflag:$0x2] =	stream.linear.gather [hbm4b:s12+s10], $0x1400, $0x38;
	[tilespmem:$0x1F080] =	vst v63  }
0x67: {  	_ =	swait.ge [sflag:s15], $0xC80  }
0x68: {  	[sflag:s15] =	ssyncset.done $0x0  }
0x69: {  	[sflag:s15] =	ssyncadd.s32 $0xFFFFF380  }
0x6a: {  	_ =	swait.ge [sflag:s15], $0xC80  }
0x6b: {  	[sflag:s15] =	ssyncset.done $0x0  }
0x6c: {  	[sflag:s15] =	ssyncadd.s32 $0xFFFFF380  }
0x6d: {  	_ =	swait.ge [sflag:s15], $0xC80  }
0x6e: {  	[sflag:s15] =	ssyncset.done $0x0  }
0x6f: {  	[sflag:s15] =	ssyncadd.s32 $0xFFFFF380  }
0x70: {  	_ =	swait.ge [sflag:s15], $0xC80  }
0x71: {  	[sflag:s15] =	ssyncset.done $0x0  }
0x72: {  	[sflag:s15] =	ssyncadd.s32 $0xFFFFF380  }
0x73: {  	_ =	swait.ge [sflag:s15], $0xC80  }
0x74: {  	[sflag:s15] =	ssyncset.done $0x0  }
0x75: {  	[sflag:s15] =	ssyncadd.s32 $0xFFFFF380  }
0x76: {  	_ =	swait.ge [sflag:s15], $0xC80  }
0x77: {  	[sflag:s15] =	ssyncset.done $0x0  }
0x78: {  	[sflag:s15] =	ssyncadd.s32 $0xFFFFF380  }
0x79: {  	_ =	swait.ge [sflag:s15], $0xC80  }
0x7a: {  	[sflag:s15] =	ssyncset.done $0x0  }
0x7b: {  	[sflag:s15] =	ssyncadd.s32 $0xFFFFF380  }
0x7c: {  	_ =	swait.ge [sflag:s15], $0xC80  }
0x7d: {  	[sflag:s15] =	ssyncset.done $0x0  }
0x7e: {  	[sflag:s15] =	ssyncadd.s32 $0xFFFFF380  }
0x7f: {  	_ =	swait.ge [sflag:s15], $0xC80  }
0x80: {  	[sflag:s15] =	ssyncset.done $0x0  }
0x81: {  	[sflag:s15] =	ssyncadd.s32 $0xFFFFF380  }
0x82: {  	_ =	swait.ge [sflag:s15], $0xC80  }
0x83: {  	[sflag:s15] =	ssyncset.done $0x0  }
0x84: {  	[sflag:s15] =	ssyncadd.s32 $0xFFFFF380  }
0x85: {  	_ =	swait.ge [sflag:s15], $0xC80  }
0x86: {  	[sflag:s15] =	ssyncset.done $0x0  }
0x87: {  	[sflag:s15] =	ssyncadd.s32 $0xFFFFF380  }
0x88: {  	_ =	swait.ge [sflag:s15], $0xC80  }
0x89: {  	[sflag:s15] =	ssyncset.done $0x0  }
0x8a: {  	[sflag:s15] =	ssyncadd.s32 $0xFFFFF380  }
0x8b: {  	_ =	swait.ge [sflag:s15], $0xC80  }
0x8c: {  	[sflag:s15] =	ssyncset.done $0x0  }
0x8d: {  	[sflag:s15] =	ssyncadd.s32 $0xFFFFF380  }
0x8e: {  	_ =	swait.ge [sflag:s15], $0xC80  }
0x8f: {  	[sflag:s15] =	ssyncset.done $0x0  }
0x90: {  	[sflag:s15] =	ssyncadd.s32 $0xFFFFF380  }
0x91: {  	_ =	swait.ge [sflag:s15], $0xC80  }
0x92: {  	[sflag:s15] =	ssyncset.done $0x0  }
0x93: {  	[sflag:s15] =	ssyncadd.s32 $0xFFFFF380  }
0x94: {  	_ =	swait.ge [sflag:s15], $0xC80  }
0x95: {  	[sflag:s15] =	ssyncset.done $0x0  }
0x96: {  	[sflag:s15] =	ssyncadd.s32 $0xFFFFF380  }
0x97: {  	_ =	swait.ge [sflag:s15], $0xC80  }
0x98: {  	[sflag:s15] =	ssyncset.done $0x0  }
0x99: {  	[sflag:s15] =	ssyncadd.s32 $0xFFFFF380  }
0x9a: {  	_ =	swait.ge [sflag:s15], $0xC80  }
0x9b: {  	[sflag:s15] =	ssyncset.done $0x0  }
0x9c: {  	[sflag:s15] =	ssyncadd.s32 $0xFFFFF380  }
0x9d: {  	_ =	swait.ge [sflag:s15], $0xC80  }
0x9e: {  	[sflag:s15] =	ssyncset.done $0x0  }
0x9f: {  	[sflag:s15] =	ssyncadd.s32 $0xFFFFF380  }
0xa0: {  	_ =	swait.ge [sflag:s15], $0xC80  }
0xa1: {  	[sflag:s15] =	ssyncset.done $0x0  }
0xa2: {  	[sflag:s15] =	ssyncadd.s32 $0xFFFFF380  }
0xa3: {  	_ =	swait.ge [sflag:s15], $0xC80  }
0xa4: {  	[sflag:s15] =	ssyncset.done $0x0  }
0xa5: {  	[sflag:s15] =	ssyncadd.s32 $0xFFFFF380  }
0xa6: {  	_ =	swait.ge [sflag:s15], $0xC80  }
0xa7: {  	[sflag:s15] =	ssyncset.done $0x0  }
0xa8: {  	[sflag:s15] =	ssyncadd.s32 $0xFFFFF380  }
0xa9: {  	_ =	swait.ge [sflag:s15], $0xC80  }
0xaa: {  	[sflag:s15] =	ssyncset.done $0x0  }
0xab: {  	[sflag:s15] =	ssyncadd.s32 $0xFFFFF380  }
0xac: {  	_ =	swait.ge [sflag:s15], $0xC80  }
0xad: {  	[sflag:s15] =	ssyncset.done $0x0  }
0xae: {  	[sflag:s15] =	ssyncadd.s32 $0xFFFFF380  }
0xaf: {  	_ =	swait.ge [sflag:s15], $0xC80  }
0xb0: {  	[sflag:s15] =	ssyncset.done $0x0  }
0xb1: {  	[sflag:s15] =	ssyncadd.s32 $0xFFFFF380  }
0xb2: {  	_ =	swait.ge [sflag:s25], $0x1400  }
0xb3: {  	[sflag:s25] =	ssyncset.done $0x0  }
0xb4: {  	[sflag:s25] =	ssyncadd.s32 $0xFFFFEC00  }
0xb5: {  	_ =	swait.ge [sflag:s25], $0x1400  }
0xb6: {  	[sflag:s25] =	ssyncset.done $0x0  }
0xb7: {  	[sflag:s25] =	ssyncadd.s32 $0xFFFFEC00  }
0xb8: {  	[bflag:$0x0] =	sbarrier.arrive $0xFFFF  }
0xb9: {  	[tilespmem:s6], [sflag:$0x1] =	stream.indirect.gather [hbm4b:s1+s4], $0x80, s10, s4, $0xb8;
	[tilespmem:$0x1F080] =	vst v63  }
0xba: {  	_ =	swait.ge [sflag:s15], $0x3E80  }
0xbb: {  	[sflag:s15] =	ssyncset.done $0x0  }
0xbc: {  	s12 =	simm.s32 $0x80;
	[sflag:s15] =	ssyncadd.s32 $0xFFFFC180  }
0xbd: {  	[tilespmem:s7], [sflag:$0x2] =	stream.indirect.gather [hbm4b:s1+s4], $0x80, s12, s4, $0xb8;
	[tilespmem:$0x1F080] =	vst v63  }
0xbe: {  	s13 =	simm.s32 $0x1400  }
0xbf: {  	[spmem:s3] =	stream.indirect.scatter.add.f32 [tilespmem:s6], [sflag:$0x3], $0x80, s13, s4, $0xb8;
	[tilespmem:$0x1F080] =	vst v63  }
0xc0: {  	_ =	swait.ge [sflag:s8], $0x3E80  }
0xc1: {  	[sflag:s8] =	ssyncset.done $0x0  }
0xc2: {  	[sflag:s8] =	ssyncadd.s32 $0xFFFFC180  }
0xc3: {  	_ =	swait.ge [sflag:s25], $0x3E80  }
0xc4: {  	[sflag:s25] =	ssyncset.done $0x0  }
0xc5: {  	s11 =	simm.s32 $0x100;
	[sflag:s25] =	ssyncadd.s32 $0xFFFFC180  }
0xc6: {  	[tilespmem:s6], [sflag:$0x1] =	stream.indirect.gather [hbm4b:s1+s4], $0x80, s11, s4, $0xb8;
	[tilespmem:$0x1F080] =	vst v63  }
0xc7: {  	s12 =	simm.s32 $0x1480  }
0xc8: {  	[spmem:s3] =	stream.indirect.scatter.add.f32 [tilespmem:s7], [sflag:$0x3], $0x80, s12, s4, $0xb8;
	[tilespmem:$0x1F080] =	vst v63  }
0xc9: {  	_ =	swait.ge [sflag:s8], $0x3E80  }
0xca: {  	[sflag:s8] =	ssyncset.done $0x0  }
0xcb: {  	[sflag:s8] =	ssyncadd.s32 $0xFFFFC180  }
0xcc: {  	_ =	swait.ge [sflag:s15], $0x3E80  }
0xcd: {  	[sflag:s15] =	ssyncset.done $0x0  }
0xce: {  	s13 =	simm.s32 $0x180;
	[sflag:s15] =	ssyncadd.s32 $0xFFFFC180  }
0xcf: {  	[tilespmem:s7], [sflag:$0x2] =	stream.indirect.gather [hbm4b:s1+s4], $0x80, s13, s4, $0xb8;
	[tilespmem:$0x1F080] =	vst v63  }
0xd0: {  	s11 =	simm.s32 $0x1500  }
0xd1: {  	[spmem:s3] =	stream.indirect.scatter.add.f32 [tilespmem:s6], [sflag:$0x3], $0x80, s11, s4, $0xb8;
	[tilespmem:$0x1F080] =	vst v63  }
0xd2: {  	_ =	swait.ge [sflag:s8], $0x3E80  }
0xd3: {  	[sflag:s8] =	ssyncset.done $0x0  }
0xd4: {  	[sflag:s8] =	ssyncadd.s32 $0xFFFFC180  }
0xd5: {  	_ =	swait.ge [sflag:s25], $0x3E80  }
0xd6: {  	[sflag:s25] =	ssyncset.done $0x0  }
0xd7: {  	s12 =	simm.s32 $0x200;
	[sflag:s25] =	ssyncadd.s32 $0xFFFFC180  }
0xd8: {  	[tilespmem:s6], [sflag:$0x1] =	stream.indirect.gather [hbm4b:s1+s4], $0x80, s12, s4, $0xb8;
	[tilespmem:$0x1F080] =	vst v63  }
0xd9: {  	s13 =	simm.s32 $0x1580  }
0xda: {  	[spmem:s3] =	stream.indirect.scatter.add.f32 [tilespmem:s7], [sflag:$0x3], $0x80, s13, s4, $0xb8;
	[tilespmem:$0x1F080] =	vst v63  }
0xdb: {  	_ =	swait.ge [sflag:s8], $0x3E80  }
0xdc: {  	s10 =	simm.s32 $0x800;
	[sflag:s8] =	ssyncset.done $0x0  }
.LBB2_4:
0xdd: {  	p1 =	sne.s32 s10, $0x4000  }
0xde: {  	[sflag:s8] =	ssyncadd.s32 $0xFFFFC180;
	s11 =	smov.u32 s10;
	s10 =	sadd.s32 $0x800, s10  }
0xdf: {  	_ = 	snop  }
0xe0: {  	_ =	swait.ge [sflag:s15], $0x3E80  }
0xe1: {  	s11 =	sshra.s32 s11, $0x2;
	[sflag:s15] =	ssyncset.done $0x0  }
0xe2: {  	s12 =	sadd.s32 $0x80, s11;
	[sflag:s15] =	ssyncadd.s32 $0xFFFFC180  }
0xe3: {  	[tilespmem:s7], [sflag:$0x2] =	stream.indirect.gather [hbm4b:s1+s4], $0x80, s12, s4, $0xb8;
	[tilespmem:$0x1F080] =	vst v63  }
0xe4: {  	s12 =	sadd.s32 $0x1400, s11  }
0xe5: {  	[spmem:s3] =	stream.indirect.scatter.add.f32 [tilespmem:s6], [sflag:$0x3], $0x80, s12, s4, $0xb8;
	[tilespmem:$0x1F080] =	vst v63  }
0xe6: {  	_ =	swait.ge [sflag:s8], $0x3E80  }
0xe7: {  	[sflag:s8] =	ssyncset.done $0x0  }
0xe8: {  	[sflag:s8] =	ssyncadd.s32 $0xFFFFC180  }
0xe9: {  	_ =	swait.ge [sflag:s25], $0x3E80  }
0xea: {  	[sflag:s25] =	ssyncset.done $0x0  }
0xeb: {  	s12 =	sadd.s32 $0x100, s11;
	[sflag:s25] =	ssyncadd.s32 $0xFFFFC180  }
0xec: {  	[tilespmem:s6], [sflag:$0x1] =	stream.indirect.gather [hbm4b:s1+s4], $0x80, s12, s4, $0xb8;
	[tilespmem:$0x1F080] =	vst v63  }
0xed: {  	s12 =	sadd.s32 $0x1480, s11  }
0xee: {  	[spmem:s3] =	stream.indirect.scatter.add.f32 [tilespmem:s7], [sflag:$0x3], $0x80, s12, s4, $0xb8;
	[tilespmem:$0x1F080] =	vst v63  }
0xef: {  	_ =	swait.ge [sflag:s8], $0x3E80  }
0xf0: {  	[sflag:s8] =	ssyncset.done $0x0  }
0xf1: {  	[sflag:s8] =	ssyncadd.s32 $0xFFFFC180  }
0xf2: {  	_ =	swait.ge [sflag:s15], $0x3E80  }
0xf3: {  	[sflag:s15] =	ssyncset.done $0x0  }
0xf4: {  	s12 =	sadd.s32 $0x180, s11;
	[sflag:s15] =	ssyncadd.s32 $0xFFFFC180  }
0xf5: {  	[tilespmem:s7], [sflag:$0x2] =	stream.indirect.gather [hbm4b:s1+s4], $0x80, s12, s4, $0xb8;
	[tilespmem:$0x1F080] =	vst v63  }
0xf6: {  	s12 =	sadd.s32 $0x1500, s11  }
0xf7: {  	[spmem:s3] =	stream.indirect.scatter.add.f32 [tilespmem:s6], [sflag:$0x3], $0x80, s12, s4, $0xb8;
	[tilespmem:$0x1F080] =	vst v63  }
0xf8: {  	_ =	swait.ge [sflag:s8], $0x3E80  }
0xf9: {  	[sflag:s8] =	ssyncset.done $0x0  }
0xfa: {  	[sflag:s8] =	ssyncadd.s32 $0xFFFFC180  }
0xfb: {  	_ =	swait.ge [sflag:s25], $0x3E80  }
0xfc: {  	[sflag:s25] =	ssyncset.done $0x0  }
0xfd: {  	s12 =	sadd.s32 $0x200, s11;
	[sflag:s25] =	ssyncadd.s32 $0xFFFFC180  }
0xfe: {  	[tilespmem:s6], [sflag:$0x1] =	stream.indirect.gather [hbm4b:s1+s4], $0x80, s12, s4, $0xb8;
	[tilespmem:$0x1F080] =	vst v63  }
.Ltmp1:
0xff: {  	_ = 	snop;
	(pc) =	sbr.rel @p1 .LBB2_4-.Ltmp1, $4  }
0x100: {  	s11 =	sadd.s32 $0x1580, s11  }
0x101: {  	[spmem:s3] =	stream.indirect.scatter.add.f32 [tilespmem:s7], [sflag:$0x3], $0x80, s11, s4, $0xb8;
	[tilespmem:$0x1F080] =	vst v63  }
0x102: {  	_ =	swait.ge [sflag:s8], $0x3E80  }
0x103: {  	[sflag:s8] =	ssyncset.done $0x0  }
0x104: {  	[sflag:s8] =	ssyncadd.s32 $0xFFFFC180  }
0x105: {  	_ =	swait.ge [sflag:s15], $0x3E80  }
0x106: {  	[sflag:s15] =	ssyncset.done $0x0  }
0x107: {  	[sflag:s15] =	ssyncadd.s32 $0xFFFFC180  }
0x108: {  	[tilespmem:s7], [sflag:$0x2] =	stream.indirect.gather [hbm4b:s1+s4], $0x80, s14, s4, $0xb8;
	[tilespmem:$0x1F080] =	vst v63  }
0x109: {  	s10 =	simm.s32 $0x2600  }
0x10a: {  	[spmem:s3] =	stream.indirect.scatter.add.f32 [tilespmem:s6], [sflag:$0x3], $0x80, s10, s4, $0xb8;
	[tilespmem:$0x1F080] =	vst v63  }
0x10b: {  	_ =	swait.ge [sflag:s8], $0x3E80  }
0x10c: {  	[sflag:s8] =	ssyncset.done $0x0  }
0x10d: {  	[sflag:s8] =	ssyncadd.s32 $0xFFFFC180  }
0x10e: {  	_ =	swait.ge [sflag:s25], $0x3E80  }
0x10f: {  	[sflag:s25] =	ssyncset.done $0x0  }
0x110: {  	s13 =	simm.s32 $0x1300;
	[sflag:s25] =	ssyncadd.s32 $0xFFFFC180  }
0x111: {  	[tilespmem:s6], [sflag:$0x1] =	stream.indirect.gather [hbm4b:s1+s4], $0x80, s13, s4, $0xb8;
	[tilespmem:$0x1F080] =	vst v63  }
0x112: {  	s14 =	simm.s32 $0x2680  }
0x113: {  	[spmem:s3] =	stream.indirect.scatter.add.f32 [tilespmem:s7], [sflag:$0x3], $0x80, s14, s4, $0xb8;
	[tilespmem:$0x1F080] =	vst v63  }
0x114: {  	_ =	swait.ge [sflag:s8], $0x3E80  }
0x115: {  	[sflag:s8] =	ssyncset.done $0x0  }
0x116: {  	[sflag:s8] =	ssyncadd.s32 $0xFFFFC180  }
0x117: {  	_ =	swait.ge [sflag:s15], $0x3E80  }
0x118: {  	[sflag:s15] =	ssyncset.done $0x0  }
0x119: {  	s11 =	simm.s32 $0x1380;
	[sflag:s15] =	ssyncadd.s32 $0xFFFFC180  }
0x11a: {  	[tilespmem:s7], [sflag:$0x2] =	stream.indirect.gather [hbm4b:s1+s4], $0x80, s11, s4, $0xb8;
	[tilespmem:$0x1F080] =	vst v63  }
0x11b: {  	s12 =	simm.s32 $0x2700  }
0x11c: {  	[spmem:s3] =	stream.indirect.scatter.add.f32 [tilespmem:s6], [sflag:$0x3], $0x80, s12, s4, $0xb8;
	[tilespmem:$0x1F080] =	vst v63  }
0x11d: {  	_ =	swait.ge [sflag:s8], $0x3E80  }
0x11e: {  	[sflag:s8] =	ssyncset.done $0x0  }
0x11f: {  	[sflag:s8] =	ssyncadd.s32 $0xFFFFC180  }
0x120: {  	_ =	swait.ge [sflag:s25], $0x3E80  }
0x121: {  	[sflag:s25] =	ssyncset.done $0x0  }
0x122: {  	[sflag:s25] =	ssyncadd.s32 $0xFFFFC180  }
0x123: {  	[tilespmem:s6], [sflag:$0x1] =	stream.indirect.gather [hbm4b:s1+s4], $0x80, s17, s4, $0xb8;
	[tilespmem:$0x1F080] =	vst v63  }
0x124: {  	s13 =	simm.s32 $0x2780  }
0x125: {  	[spmem:s3] =	stream.indirect.scatter.add.f32 [tilespmem:s7], [sflag:$0x3], $0x80, s13, s4, $0xb8;
	[tilespmem:$0x1F080] =	vst v63  }
0x126: {  	_ =	swait.ge [sflag:s8], $0x3E80  }
0x127: {  	[sflag:s8] =	ssyncset.done $0x0  }
0x128: {  	[sflag:s8] =	ssyncadd.s32 $0xFFFFC180  }
0x129: {  	_ =	swait.ge [sflag:s15], $0x3E80  }
0x12a: {  	[sflag:s15] =	ssyncset.done $0x0  }
0x12b: {  	[sflag:s15] =	ssyncadd.s32 $0xFFFFC180  }
0x12c: {  	s14 =	stileid.u32;
	[bflag:$0x0] =	sbarrier.arrive $0xFFFF  }
0x12d: {  	s10 =	sshll.u32 s14, $0x6;
	s11 =	rddreg [dreg:$0x15]  }
0x12e: {  	s10 =	sor.u32 $0x1C01, s10;
	s12 =	rddreg [dreg:$0x11];
	s11 =	sshrl.u32 s11, $0x3  }
0x12f: {  	[hbm:s12], [sflag:s10] =	dma.local [spmem:s11], $0x1900  }
0x130: {  	s12 =	rddreg [dreg:$0x16]  }
0x131: {  	s13 =	rddreg [dreg:$0x12];
	s12 =	sshrl.u32 @!p0 s12, $0x3  }
0x132: {  	[hbm:s13], [sflag:s10] =	dma.local @!p0 [spmem:s12], $0x1900  }
0x133: {  	s13 =	simm.s32 @!p0 $0x1  }
0x134: {  	_ =	swait.ge @!p0 [sflag:s13], $0x1900  }
0x135: {  	[sflag:s13] =	ssyncset.done @!p0 $0x0  }
0x136: {  	[sflag:s13] =	ssyncadd.s32 @!p0 $0xFFFFE700  }
0x137: {  	_ =	swait.ge [sflag:s15], $0x1900  }
0x138: {  	[sflag:s15] =	ssyncset.done $0x0  }
0x139: {  	[sflag:s15] =	ssyncadd.s32 $0xFFFFE700  }
0x13a: {  	[bflag:$0x0] =	sbarrier.arrive $0xFFFF  }
0x13b: {  	[spmem:s5] =	stream.linear.scatter [tilespmem:s16], [sflag:$0x1], $0xC80, $0x38;
	[tilespmem:$0x1F080] =	vst v63  }
0x13c: {  	s17 =	rddreg [dreg:$0x5]  }
0x13d: {  	[spmem:s17] =	stream.linear.scatter [tilespmem:s16], [sflag:$0x1], $0xC80, $0x38;
	[tilespmem:$0x1F080] =	vst v63  }
0x13e: {  	s14 =	rddreg [dreg:$0x6]  }
0x13f: {  	[spmem:s14] =	stream.linear.scatter [tilespmem:s16], [sflag:$0x1], $0xC80, $0x38;
	[tilespmem:$0x1F080] =	vst v63  }
0x140: {  	s17 =	rddreg [dreg:$0x7]  }
0x141: {  	[spmem:s17] =	stream.linear.scatter [tilespmem:s16], [sflag:$0x1], $0xC80, $0x38;
	[tilespmem:$0x1F080] =	vst v63  }
0x142: {  	s14 =	rddreg [dreg:$0x8]  }
0x143: {  	[spmem:s14] =	stream.linear.scatter [tilespmem:s16], [sflag:$0x1], $0xC80, $0x38;
	[tilespmem:$0x1F080] =	vst v63  }
0x144: {  	s17 =	rddreg [dreg:$0x9]  }
0x145: {  	[spmem:s17] =	stream.linear.scatter [tilespmem:s16], [sflag:$0x1], $0xC80, $0x38;
	[tilespmem:$0x1F080] =	vst v63  }
0x146: {  	s14 =	rddreg [dreg:$0xa]  }
0x147: {  	[spmem:s14] =	stream.linear.scatter [tilespmem:s16], [sflag:$0x1], $0xC80, $0x38;
	[tilespmem:$0x1F080] =	vst v63  }
0x148: {  	s17 =	rddreg [dreg:$0xb]  }
0x149: {  	[spmem:s17] =	stream.linear.scatter [tilespmem:s16], [sflag:$0x1], $0xC80, $0x38;
	[tilespmem:$0x1F080] =	vst v63  }
0x14a: {  	s14 =	rddreg [dreg:$0xc]  }
0x14b: {  	[spmem:s14] =	stream.linear.scatter [tilespmem:s16], [sflag:$0x1], $0xC80, $0x38;
	[tilespmem:$0x1F080] =	vst v63  }
0x14c: {  	s17 =	rddreg [dreg:$0xd]  }
0x14d: {  	[spmem:s17] =	stream.linear.scatter [tilespmem:s16], [sflag:$0x1], $0xC80, $0x38;
	[tilespmem:$0x1F080] =	vst v63  }
0x14e: {  	s14 =	rddreg [dreg:$0x10]  }
0x14f: {  	[spmem:s14] =	stream.linear.scatter [tilespmem:s16], [sflag:$0x1], $0xC80, $0x38;
	[tilespmem:$0x1F080] =	vst v63  }
0x150: {  	_ = 	snop  }
0x151: {  	[spmem:s22] =	stream.linear.scatter [tilespmem:s16], [sflag:$0x1], $0xC80, $0x38;
	[tilespmem:$0x1F080] =	vst v63  }
0x152: {  	_ = 	snop  }
0x153: {  	[spmem:s26] =	stream.linear.scatter [tilespmem:s16], [sflag:$0x1], $0xC80, $0x38;
	[tilespmem:$0x1F080] =	vst v63  }
0x154: {  	_ = 	snop  }
0x155: {  	[spmem:s28] =	stream.linear.scatter [tilespmem:s16], [sflag:$0x1], $0xC80, $0x38;
	[tilespmem:$0x1F080] =	vst v63  }
0x156: {  	_ = 	snop  }
0x157: {  	[spmem:s29] =	stream.linear.scatter [tilespmem:s16], [sflag:$0x1], $0xC80, $0x38;
	[tilespmem:$0x1F080] =	vst v63  }
0x158: {  	_ = 	snop  }
0x159: {  	[spmem:s30] =	stream.linear.scatter [tilespmem:s16], [sflag:$0x1], $0xC80, $0x38;
	[tilespmem:$0x1F080] =	vst v63  }
0x15a: {  	_ = 	snop  }
0x15b: {  	[spmem:s31] =	stream.linear.scatter [tilespmem:s16], [sflag:$0x1], $0xC80, $0x38;
	[tilespmem:$0x1F080] =	vst v63  }
0x15c: {  	_ = 	snop  }
0x15d: {  	[spmem:s2] =	stream.linear.scatter [tilespmem:s16], [sflag:$0x1], $0xC80, $0x38;
	[tilespmem:$0x1F080] =	vst v63  }
0x15e: {  	_ = 	snop  }
0x15f: {  	[spmem:s0] =	stream.linear.scatter [tilespmem:s16], [sflag:$0x1], $0xC80, $0x38;
	[tilespmem:$0x1F080] =	vst v63  }
0x160: {  	_ = 	snop  }
0x161: {  	[spmem:s18] =	stream.linear.scatter [tilespmem:s16], [sflag:$0x1], $0xC80, $0x38;
	[tilespmem:$0x1F080] =	vst v63  }
0x162: {  	_ = 	snop  }
0x163: {  	[spmem:s19] =	stream.linear.scatter [tilespmem:s16], [sflag:$0x1], $0xC80, $0x38;
	[tilespmem:$0x1F080] =	vst v63  }
0x164: {  	_ = 	snop  }
0x165: {  	[spmem:s20] =	stream.linear.scatter [tilespmem:s16], [sflag:$0x1], $0xC80, $0x38;
	[tilespmem:$0x1F080] =	vst v63  }
0x166: {  	_ = 	snop  }
0x167: {  	[spmem:s21] =	stream.linear.scatter [tilespmem:s16], [sflag:$0x1], $0xC80, $0x38;
	[tilespmem:$0x1F080] =	vst v63  }
0x168: {  	_ = 	snop  }
0x169: {  	[spmem:s23] =	stream.linear.scatter [tilespmem:s16], [sflag:$0x1], $0xC80, $0x38;
	[tilespmem:$0x1F080] =	vst v63  }
0x16a: {  	_ = 	snop  }
0x16b: {  	[spmem:s24] =	stream.linear.scatter [tilespmem:s16], [sflag:$0x1], $0xC80, $0x38;
	[tilespmem:$0x1F080] =	vst v63  }
0x16c: {  	s13 =	simm.s32 $0x0;
	s17 =	rddreg [dreg:$0xf]  }
0x16d: {  	[tilespmem:s13], [sflag:$0x2] =	stream.linear.gather [hbm4b:s17+s13], $0x1400, $0x38;
	[tilespmem:$0x1F080] =	vst v63  }
0x16e: {  	s14 =	rddreg [dreg:$0x19];
	s17 =	simm.s32 $0x1400  }
0x16f: {  	[tilespmem:s17], [sflag:$0x2] =	stream.linear.gather [hbm4b:s14+s13], $0x1400, $0x38;
	[tilespmem:$0x1F080] =	vst v63  }
0x170: {  	_ =	swait.ge [sflag:s15], $0xC80  }
0x171: {  	[sflag:s15] =	ssyncset.done $0x0  }
0x172: {  	[sflag:s15] =	ssyncadd.s32 $0xFFFFF380  }
0x173: {  	_ =	swait.ge [sflag:s15], $0xC80  }
0x174: {  	[sflag:s15] =	ssyncset.done $0x0  }
0x175: {  	[sflag:s15] =	ssyncadd.s32 $0xFFFFF380  }
0x176: {  	_ =	swait.ge [sflag:s15], $0xC80  }
0x177: {  	[sflag:s15] =	ssyncset.done $0x0  }
0x178: {  	[sflag:s15] =	ssyncadd.s32 $0xFFFFF380  }
0x179: {  	_ =	swait.ge [sflag:s15], $0xC80  }
0x17a: {  	[sflag:s15] =	ssyncset.done $0x0  }
0x17b: {  	[sflag:s15] =	ssyncadd.s32 $0xFFFFF380  }
0x17c: {  	_ =	swait.ge [sflag:s15], $0xC80  }
0x17d: {  	[sflag:s15] =	ssyncset.done $0x0  }
0x17e: {  	[sflag:s15] =	ssyncadd.s32 $0xFFFFF380  }
0x17f: {  	_ =	swait.ge [sflag:s15], $0xC80  }
0x180: {  	[sflag:s15] =	ssyncset.done $0x0  }
0x181: {  	[sflag:s15] =	ssyncadd.s32 $0xFFFFF380  }
0x182: {  	_ =	swait.ge [sflag:s15], $0xC80  }
0x183: {  	[sflag:s15] =	ssyncset.done $0x0  }
0x184: {  	[sflag:s15] =	ssyncadd.s32 $0xFFFFF380  }
0x185: {  	_ =	swait.ge [sflag:s15], $0xC80  }
0x186: {  	[sflag:s15] =	ssyncset.done $0x0  }
0x187: {  	[sflag:s15] =	ssyncadd.s32 $0xFFFFF380  }
0x188: {  	_ =	swait.ge [sflag:s15], $0xC80  }
0x189: {  	[sflag:s15] =	ssyncset.done $0x0  }
0x18a: {  	[sflag:s15] =	ssyncadd.s32 $0xFFFFF380  }
0x18b: {  	_ =	swait.ge [sflag:s15], $0xC80  }
0x18c: {  	[sflag:s15] =	ssyncset.done $0x0  }
0x18d: {  	[sflag:s15] =	ssyncadd.s32 $0xFFFFF380  }
0x18e: {  	_ =	swait.ge [sflag:s15], $0xC80  }
0x18f: {  	[sflag:s15] =	ssyncset.done $0x0  }
0x190: {  	[sflag:s15] =	ssyncadd.s32 $0xFFFFF380  }
0x191: {  	_ =	swait.ge [sflag:s15], $0xC80  }
0x192: {  	[sflag:s15] =	ssyncset.done $0x0  }
0x193: {  	[sflag:s15] =	ssyncadd.s32 $0xFFFFF380  }
0x194: {  	_ =	swait.ge [sflag:s15], $0xC80  }
0x195: {  	[sflag:s15] =	ssyncset.done $0x0  }
0x196: {  	[sflag:s15] =	ssyncadd.s32 $0xFFFFF380  }
0x197: {  	_ =	swait.ge [sflag:s15], $0xC80  }
0x198: {  	[sflag:s15] =	ssyncset.done $0x0  }
0x199: {  	[sflag:s15] =	ssyncadd.s32 $0xFFFFF380  }
0x19a: {  	_ =	swait.ge [sflag:s15], $0xC80  }
0x19b: {  	[sflag:s15] =	ssyncset.done $0x0  }
0x19c: {  	[sflag:s15] =	ssyncadd.s32 $0xFFFFF380  }
0x19d: {  	_ =	swait.ge [sflag:s15], $0xC80  }
0x19e: {  	[sflag:s15] =	ssyncset.done $0x0  }
0x19f: {  	[sflag:s15] =	ssyncadd.s32 $0xFFFFF380  }
0x1a0: {  	_ =	swait.ge [sflag:s15], $0xC80  }
0x1a1: {  	[sflag:s15] =	ssyncset.done $0x0  }
0x1a2: {  	[sflag:s15] =	ssyncadd.s32 $0xFFFFF380  }
0x1a3: {  	_ =	swait.ge [sflag:s15], $0xC80  }
0x1a4: {  	[sflag:s15] =	ssyncset.done $0x0  }
0x1a5: {  	[sflag:s15] =	ssyncadd.s32 $0xFFFFF380  }
0x1a6: {  	_ =	swait.ge [sflag:s15], $0xC80  }
0x1a7: {  	[sflag:s15] =	ssyncset.done $0x0  }
0x1a8: {  	[sflag:s15] =	ssyncadd.s32 $0xFFFFF380  }
0x1a9: {  	_ =	swait.ge [sflag:s15], $0xC80  }
0x1aa: {  	[sflag:s15] =	ssyncset.done $0x0  }
0x1ab: {  	[sflag:s15] =	ssyncadd.s32 $0xFFFFF380  }
0x1ac: {  	_ =	swait.ge [sflag:s15], $0xC80  }
0x1ad: {  	[sflag:s15] =	ssyncset.done $0x0  }
0x1ae: {  	[sflag:s15] =	ssyncadd.s32 $0xFFFFF380  }
0x1af: {  	_ =	swait.ge [sflag:s15], $0xC80  }
0x1b0: {  	[sflag:s15] =	ssyncset.done $0x0  }
0x1b1: {  	[sflag:s15] =	ssyncadd.s32 $0xFFFFF380  }
0x1b2: {  	_ =	swait.ge [sflag:s15], $0xC80  }
0x1b3: {  	[sflag:s15] =	ssyncset.done $0x0  }
0x1b4: {  	[sflag:s15] =	ssyncadd.s32 $0xFFFFF380  }
0x1b5: {  	_ =	swait.ge [sflag:s15], $0xC80  }
0x1b6: {  	[sflag:s15] =	ssyncset.done $0x0  }
0x1b7: {  	[sflag:s15] =	ssyncadd.s32 $0xFFFFF380  }
0x1b8: {  	_ =	swait.ge [sflag:s15], $0xC80  }
0x1b9: {  	[sflag:s15] =	ssyncset.done $0x0  }
0x1ba: {  	[sflag:s15] =	ssyncadd.s32 $0xFFFFF380  }
0x1bb: {  	_ =	swait.ge [sflag:s25], $0x1400  }
0x1bc: {  	[sflag:s25] =	ssyncset.done $0x0  }
0x1bd: {  	[sflag:s25] =	ssyncadd.s32 $0xFFFFEC00  }
0x1be: {  	_ =	swait.ge [sflag:s25], $0x1400  }
0x1bf: {  	[sflag:s25] =	ssyncset.done $0x0  }
0x1c0: {  	[sflag:s25] =	ssyncadd.s32 $0xFFFFEC00  }
0x1c1: {  	[bflag:$0x0] =	sbarrier.arrive $0xFFFF  }
0x1c2: {  	[tilespmem:s6], [sflag:$0x1] =	stream.indirect.gather [hbm4b:s1+s4], $0x80, s13, s4, $0xb8;
	[tilespmem:$0x1F080] =	vst v63  }
0x1c3: {  	_ =	swait.ge [sflag:s15], $0x3E80  }
0x1c4: {  	[sflag:s15] =	ssyncset.done $0x0  }
0x1c5: {  	s14 =	simm.s32 $0x80;
	[sflag:s15] =	ssyncadd.s32 $0xFFFFC180  }
0x1c6: {  	[tilespmem:s7], [sflag:$0x2] =	stream.indirect.gather [hbm4b:s1+s4], $0x80, s14, s4, $0xb8;
	[tilespmem:$0x1F080] =	vst v63  }
0x1c7: {  	s17 =	simm.s32 $0x1400  }
0x1c8: {  	[spmem:s3] =	stream.indirect.scatter.add.f32 [tilespmem:s6], [sflag:$0x3], $0x80, s17, s4, $0xb8;
	[tilespmem:$0x1F080] =	vst v63  }
0x1c9: {  	_ =	swait.ge [sflag:s8], $0x3E80  }
0x1ca: {  	[sflag:s8] =	ssyncset.done $0x0  }
0x1cb: {  	[sflag:s8] =	ssyncadd.s32 $0xFFFFC180  }
0x1cc: {  	_ =	swait.ge [sflag:s25], $0x3E80  }
0x1cd: {  	[sflag:s25] =	ssyncset.done $0x0  }
0x1ce: {  	s14 =	simm.s32 $0x100;
	[sflag:s25] =	ssyncadd.s32 $0xFFFFC180  }
0x1cf: {  	[tilespmem:s6], [sflag:$0x1] =	stream.indirect.gather [hbm4b:s1+s4], $0x80, s14, s4, $0xb8;
	[tilespmem:$0x1F080] =	vst v63  }
0x1d0: {  	s17 =	simm.s32 $0x1480  }
0x1d1: {  	[spmem:s3] =	stream.indirect.scatter.add.f32 [tilespmem:s7], [sflag:$0x3], $0x80, s17, s4, $0xb8;
	[tilespmem:$0x1F080] =	vst v63  }
0x1d2: {  	_ =	swait.ge [sflag:s8], $0x3E80  }
0x1d3: {  	[sflag:s8] =	ssyncset.done $0x0  }
0x1d4: {  	[sflag:s8] =	ssyncadd.s32 $0xFFFFC180  }
0x1d5: {  	_ =	swait.ge [sflag:s15], $0x3E80  }
0x1d6: {  	[sflag:s15] =	ssyncset.done $0x0  }
0x1d7: {  	s14 =	simm.s32 $0x180;
	[sflag:s15] =	ssyncadd.s32 $0xFFFFC180  }
0x1d8: {  	[tilespmem:s7], [sflag:$0x2] =	stream.indirect.gather [hbm4b:s1+s4], $0x80, s14, s4, $0xb8;
	[tilespmem:$0x1F080] =	vst v63  }
0x1d9: {  	s17 =	simm.s32 $0x1500  }
0x1da: {  	[spmem:s3] =	stream.indirect.scatter.add.f32 [tilespmem:s6], [sflag:$0x3], $0x80, s17, s4, $0xb8;
	[tilespmem:$0x1F080] =	vst v63  }
0x1db: {  	_ =	swait.ge [sflag:s8], $0x3E80  }
0x1dc: {  	[sflag:s8] =	ssyncset.done $0x0  }
0x1dd: {  	[sflag:s8] =	ssyncadd.s32 $0xFFFFC180  }
0x1de: {  	_ =	swait.ge [sflag:s25], $0x3E80  }
0x1df: {  	[sflag:s25] =	ssyncset.done $0x0  }
0x1e0: {  	s14 =	simm.s32 $0x200;
	[sflag:s25] =	ssyncadd.s32 $0xFFFFC180  }
0x1e1: {  	[tilespmem:s6], [sflag:$0x1] =	stream.indirect.gather [hbm4b:s1+s4], $0x80, s14, s4, $0xb8;
	[tilespmem:$0x1F080] =	vst v63  }
0x1e2: {  	s17 =	simm.s32 $0x1580  }
0x1e3: {  	[spmem:s3] =	stream.indirect.scatter.add.f32 [tilespmem:s7], [sflag:$0x3], $0x80, s17, s4, $0xb8;
	[tilespmem:$0x1F080] =	vst v63  }
0x1e4: {  	_ =	swait.ge [sflag:s8], $0x3E80  }
0x1e5: {  	s13 =	simm.s32 $0x800;
	[sflag:s8] =	ssyncset.done $0x0  }
.LBB2_6:
0x1e6: {  	p1 =	sne.s32 s13, $0x4000  }
0x1e7: {  	[sflag:s8] =	ssyncadd.s32 $0xFFFFC180;
	s14 =	smov.u32 s13;
	s13 =	sadd.s32 $0x800, s13  }
0x1e8: {  	_ = 	snop  }
0x1e9: {  	_ =	swait.ge [sflag:s15], $0x3E80  }
0x1ea: {  	s14 =	sshra.s32 s14, $0x2;
	[sflag:s15] =	ssyncset.done $0x0  }
0x1eb: {  	s17 =	sadd.s32 $0x80, s14;
	[sflag:s15] =	ssyncadd.s32 $0xFFFFC180  }
0x1ec: {  	[tilespmem:s7], [sflag:$0x2] =	stream.indirect.gather [hbm4b:s1+s4], $0x80, s17, s4, $0xb8;
	[tilespmem:$0x1F080] =	vst v63  }
0x1ed: {  	s17 =	sadd.s32 $0x1400, s14  }
0x1ee: {  	[spmem:s3] =	stream.indirect.scatter.add.f32 [tilespmem:s6], [sflag:$0x3], $0x80, s17, s4, $0xb8;
	[tilespmem:$0x1F080] =	vst v63  }
0x1ef: {  	_ =	swait.ge [sflag:s8], $0x3E80  }
0x1f0: {  	[sflag:s8] =	ssyncset.done $0x0  }
0x1f1: {  	[sflag:s8] =	ssyncadd.s32 $0xFFFFC180  }
0x1f2: {  	_ =	swait.ge [sflag:s25], $0x3E80  }
0x1f3: {  	[sflag:s25] =	ssyncset.done $0x0  }
0x1f4: {  	s17 =	sadd.s32 $0x100, s14;
	[sflag:s25] =	ssyncadd.s32 $0xFFFFC180  }
0x1f5: {  	[tilespmem:s6], [sflag:$0x1] =	stream.indirect.gather [hbm4b:s1+s4], $0x80, s17, s4, $0xb8;
	[tilespmem:$0x1F080] =	vst v63  }
0x1f6: {  	s17 =	sadd.s32 $0x1480, s14  }
0x1f7: {  	[spmem:s3] =	stream.indirect.scatter.add.f32 [tilespmem:s7], [sflag:$0x3], $0x80, s17, s4, $0xb8;
	[tilespmem:$0x1F080] =	vst v63  }
0x1f8: {  	_ =	swait.ge [sflag:s8], $0x3E80  }
0x1f9: {  	[sflag:s8] =	ssyncset.done $0x0  }
0x1fa: {  	[sflag:s8] =	ssyncadd.s32 $0xFFFFC180  }
0x1fb: {  	_ =	swait.ge [sflag:s15], $0x3E80  }
0x1fc: {  	[sflag:s15] =	ssyncset.done $0x0  }
0x1fd: {  	s17 =	sadd.s32 $0x180, s14;
	[sflag:s15] =	ssyncadd.s32 $0xFFFFC180  }
0x1fe: {  	[tilespmem:s7], [sflag:$0x2] =	stream.indirect.gather [hbm4b:s1+s4], $0x80, s17, s4, $0xb8;
	[tilespmem:$0x1F080] =	vst v63  }
0x1ff: {  	s17 =	sadd.s32 $0x1500, s14  }
0x200: {  	[spmem:s3] =	stream.indirect.scatter.add.f32 [tilespmem:s6], [sflag:$0x3], $0x80, s17, s4, $0xb8;
	[tilespmem:$0x1F080] =	vst v63  }
0x201: {  	_ =	swait.ge [sflag:s8], $0x3E80  }
0x202: {  	[sflag:s8] =	ssyncset.done $0x0  }
0x203: {  	[sflag:s8] =	ssyncadd.s32 $0xFFFFC180  }
0x204: {  	_ =	swait.ge [sflag:s25], $0x3E80  }
0x205: {  	[sflag:s25] =	ssyncset.done $0x0  }
0x206: {  	s17 =	sadd.s32 $0x200, s14;
	[sflag:s25] =	ssyncadd.s32 $0xFFFFC180  }
0x207: {  	[tilespmem:s6], [sflag:$0x1] =	stream.indirect.gather [hbm4b:s1+s4], $0x80, s17, s4, $0xb8;
	[tilespmem:$0x1F080] =	vst v63  }
.Ltmp2:
0x208: {  	_ = 	snop;
	(pc) =	sbr.rel @p1 .LBB2_6-.Ltmp2, $4  }
0x209: {  	s14 =	sadd.s32 $0x1580, s14  }
0x20a: {  	[spmem:s3] =	stream.indirect.scatter.add.f32 [tilespmem:s7], [sflag:$0x3], $0x80, s14, s4, $0xb8;
	[tilespmem:$0x1F080] =	vst v63  }
0x20b: {  	_ =	swait.ge [sflag:s8], $0x3E80  }
0x20c: {  	[sflag:s8] =	ssyncset.done $0x0  }
0x20d: {  	[sflag:s8] =	ssyncadd.s32 $0xFFFFC180  }
0x20e: {  	_ =	swait.ge [sflag:s15], $0x3E80  }
0x20f: {  	[sflag:s15] =	ssyncset.done $0x0  }
0x210: {  	s14 =	simm.s32 $0x1280;
	[sflag:s15] =	ssyncadd.s32 $0xFFFFC180  }
0x211: {  	[tilespmem:s7], [sflag:$0x2] =	stream.indirect.gather [hbm4b:s1+s4], $0x80, s14, s4, $0xb8;
	[tilespmem:$0x1F080] =	vst v63  }
0x212: {  	s13 =	simm.s32 $0x2600  }
0x213: {  	[spmem:s3] =	stream.indirect.scatter.add.f32 [tilespmem:s6], [sflag:$0x3], $0x80, s13, s4, $0xb8;
	[tilespmem:$0x1F080] =	vst v63  }
0x214: {  	_ =	swait.ge [sflag:s8], $0x3E80  }
0x215: {  	[sflag:s8] =	ssyncset.done $0x0  }
0x216: {  	[sflag:s8] =	ssyncadd.s32 $0xFFFFC180  }
0x217: {  	_ =	swait.ge [sflag:s25], $0x3E80  }
0x218: {  	[sflag:s25] =	ssyncset.done $0x0  }
0x219: {  	s17 =	simm.s32 $0x1300;
	[sflag:s25] =	ssyncadd.s32 $0xFFFFC180  }
0x21a: {  	[tilespmem:s6], [sflag:$0x1] =	stream.indirect.gather [hbm4b:s1+s4], $0x80, s17, s4, $0xb8;
	[tilespmem:$0x1F080] =	vst v63  }
0x21b: {  	s17 =	simm.s32 $0x2680  }
0x21c: {  	[spmem:s3] =	stream.indirect.scatter.add.f32 [tilespmem:s7], [sflag:$0x3], $0x80, s17, s4, $0xb8;
	[tilespmem:$0x1F080] =	vst v63  }
0x21d: {  	_ =	swait.ge [sflag:s8], $0x3E80  }
0x21e: {  	[sflag:s8] =	ssyncset.done $0x0  }
0x21f: {  	[sflag:s8] =	ssyncadd.s32 $0xFFFFC180  }
0x220: {  	_ =	swait.ge [sflag:s15], $0x3E80  }
0x221: {  	[sflag:s15] =	ssyncset.done $0x0  }
0x222: {  	s17 =	simm.s32 $0x1380;
	[sflag:s15] =	ssyncadd.s32 $0xFFFFC180  }
0x223: {  	[tilespmem:s7], [sflag:$0x2] =	stream.indirect.gather [hbm4b:s1+s4], $0x80, s17, s4, $0xb8;
	[tilespmem:$0x1F080] =	vst v63  }
0x224: {  	s17 =	simm.s32 $0x2700  }
0x225: {  	[spmem:s3] =	stream.indirect.scatter.add.f32 [tilespmem:s6], [sflag:$0x3], $0x80, s17, s4, $0xb8;
	[tilespmem:$0x1F080] =	vst v63  }
0x226: {  	_ =	swait.ge [sflag:s8], $0x3E80  }
0x227: {  	[sflag:s8] =	ssyncset.done $0x0  }
0x228: {  	[sflag:s8] =	ssyncadd.s32 $0xFFFFC180  }
0x229: {  	_ =	swait.ge [sflag:s25], $0x3E80  }
0x22a: {  	[sflag:s25] =	ssyncset.done $0x0  }
0x22b: {  	s17 =	simm.s32 $0x0;
	[sflag:s25] =	ssyncadd.s32 $0xFFFFC180  }
0x22c: {  	[tilespmem:s6], [sflag:$0x1] =	stream.indirect.gather [hbm4b:s1+s4], $0x80, s17, s4, $0xb8;
	[tilespmem:$0x1F080] =	vst v63  }
0x22d: {  	s13 =	simm.s32 $0x2780  }
0x22e: {  	[spmem:s3] =	stream.indirect.scatter.add.f32 [tilespmem:s7], [sflag:$0x3], $0x80, s13, s4, $0xb8;
	[tilespmem:$0x1F080] =	vst v63  }
0x22f: {  	_ =	swait.ge [sflag:s8], $0x3E80  }
0x230: {  	[sflag:s8] =	ssyncset.done $0x0  }
0x231: {  	[sflag:s8] =	ssyncadd.s32 $0xFFFFC180  }
0x232: {  	_ =	swait.ge [sflag:s15], $0x3E80  }
0x233: {  	[sflag:s15] =	ssyncset.done $0x0  }
0x234: {  	[sflag:s15] =	ssyncadd.s32 $0xFFFFC180  }
0x235: {  	[bflag:$0x0] =	sbarrier.arrive $0xFFFF  }
0x236: {  	s13 =	rddreg [dreg:$0x13]  }
0x237: {  	[hbm:s13], [sflag:s10] =	dma.local [spmem:s11], $0x1900  }
0x238: {  	s11 =	rddreg [dreg:$0x14]  }
0x239: {  	[hbm:s11], [sflag:s10] =	dma.local @!p0 [spmem:s12], $0x1900  }
0x23a: {  	s10 =	simm.s32 @!p0 $0x1  }
0x23b: {  	_ =	swait.ge @!p0 [sflag:s10], $0x1900  }
0x23c: {  	[sflag:s10] =	ssyncset.done @!p0 $0x0  }
0x23d: {  	[sflag:s10] =	ssyncadd.s32 @!p0 $0xFFFFE700  }
0x23e: {  	_ =	swait.ge [sflag:s15], $0x1900  }
0x23f: {  	s9 =	sadd.s32 $0x1, s9;
	s13 =	rddreg [dreg:$0x17]  }
0x240: {  	p1 =	sne.s32 s9, s13  }
.Ltmp3:
0x241: {  	_ = 	snop;
	(pc) =	sbr.rel @p1 .LBB2_1-.Ltmp3, $3  }
0x242: {  	[sflag:s15] =	ssyncset.done $0x0  }
0x243: {  	[sflag:s15] =	ssyncadd.s32 $0xFFFFE700  }
0x244: {  	[bflag:$0x0] =	sbarrier.arrive $0xFFFF;
	_ =	sdelay $0x1  }
0x245: {  	_ =	sfence.sel $0x180000  }
0x246: {  	[bflag:$0x0] =	sbarrier.arrive $0xFFFF  }
0x247: {  	_ =	strace $0x90000047  }
0x248: {  	s0 =	stileid.u32;
	[bflag:$0x2] =	sbarrier.arrive $0xFFFF  }
0x249: {  	p0 =	sne.s32 s0, $0x0;
	s0 =	rddreg [dreg:$0x4]  }
0x24a: {  	s0 =	sadd.s32 @!p0 $0x100000, s0  }
0x24b: {  	[sflag:s0] =	ssyncadd.tile.s32 @!p0 $0x1;
	_ =	shalt  }
.Lfunc_end2:
_tile_overlayer_lowered:
.L_overlay_start_2:
0x24c: {  	(tag) =	ssettag $0x2  }
0x24d: {  	s0 =	rddreg [dreg:$0x0];
	s2 =	stileid.u32  }
0x24e: {  	s1 =	rddreg [dreg:$0x1];
	p0 =	sne.s32 s2, $0x0  }
0x24f: {  	s3 =	rddreg [dreg:$0x2];
	[bflag:$0x3] =	sbarrier.arrive $0xFFFF;
	s2 =	simm.s32 @!p0 $0x1C03  }
0x250: {  	[timem:s3], [sflag:s2] =	dma.local @!p0 [hbm:s0], s1  }
0x251: {  	s0 =	simm.s32 @!p0 $0x3  }
0x252: {  	_ =	swait.ge @!p0 [sflag:s0], s1  }
0x253: {  	s1 =	ssub.s32 @!p0 $0x0, s1;
	[sflag:s0] =	ssyncset.done @!p0 $0x0  }
0x254: {  	[sflag:s0] =	ssyncadd.s32 @!p0 s1  }
0x255: {  	[bflag:$0x3] =	sbarrier.arrive $0xFFFF  }
0x256: {  	_ =	shalt  }

</sc_bundles>
